<compile_context>
chip_gen: v7x
topology: tpu7x:2x2x1
jax: 0.10.2.dev20260603
libtpu: 0.0.44.dev20260713+nightly
codegen_flags: <defaults>
</compile_context>

<pallas_src>
import functools

import jax
import jax.numpy as jnp
from jax import lax
from jax.experimental import pallas as pl
from jax.experimental.pallas import tpu as pltpu
from jax.experimental.pallas import tpu_sc as plsc

VOCAB = 100000
DIM = 768
BATCH = 16384

NC = 2
NS = 16
LANES = 16
NW = NC * NS
B_PER_W = BATCH // NW
CHUNK = 64
ZCHUNK = 32
NSLOT = B_PER_W + CHUNK + LANES
NZSLOT = B_PER_W + ZCHUNK + LANES

_mesh = plsc.VectorSubcoreMesh(
    core_axis_name="c", subcore_axis_name="s", num_cores=NC, num_subcores=NS
)


@functools.partial(
    pl.kernel,
    out_type=jax.ShapeDtypeStruct((BATCH, DIM), jnp.float32),
    mesh=_mesh,
    scratch_types=[
        pltpu.VMEM((B_PER_W,), jnp.int32),
        pltpu.VMEM((NSLOT,), jnp.int32),
        pltpu.VMEM((NSLOT,), jnp.int32),
        pltpu.VMEM((NZSLOT,), jnp.int32),
        pltpu.VMEM((2, CHUNK, DIM), jnp.float32),
        pltpu.VMEM((ZCHUNK, DIM), jnp.float32),
        [pltpu.SemaphoreType.DMA] * 2,
        [pltpu.SemaphoreType.DMA] * 2,
        pltpu.SemaphoreType.DMA,
    ],
)
def _sc_lookup(idx_hbm, table_hbm, out_hbm, idx_v, gidx, gdst, zdst, buf, zbuf,
               gsems, wsems, zsem):
    wid = lax.axis_index("s") * NC + lax.axis_index("c")
    base = wid * B_PER_W

    zeros = jnp.zeros((LANES,), jnp.float32)

    def zero_fill(r, _):
        for c in range(DIM // LANES):
            zbuf[r, pl.ds(c * LANES, LANES)] = zeros
        return 0

    lax.fori_loop(0, ZCHUNK, zero_fill, 0)

    pltpu.sync_copy(idx_hbm.at[pl.ds(base, B_PER_W)], idx_v)

    def compact_body(i, carry):
        offv, offz = carry
        v = idx_v[pl.ds(i * LANES, LANES)]
        for l in range(LANES):
            sv = v[l]
            sd = base + i * LANES + l
            valid = sv < VOCAB

            @pl.when(valid)
            def _(offv=offv, sv=sv, sd=sd):
                gidx[pl.ds(offv, LANES)] = jnp.full((LANES,), sv, jnp.int32)
                gdst[pl.ds(offv, LANES)] = jnp.full((LANES,), sd, jnp.int32)

            @pl.when(jnp.logical_not(valid))
            def _(offz=offz, sd=sd):
                zdst[pl.ds(offz, LANES)] = jnp.full((LANES,), sd, jnp.int32)

            step = jnp.where(valid, 1, 0)
            offv = offv + step
            offz = offz + (1 - step)
        return (offv, offz)

    nv, nz = lax.fori_loop(
        0, B_PER_W // LANES, compact_body, (jnp.int32(0), jnp.int32(0))
    )

    zfirst = zdst[pl.ds(0, LANES)][0]
    for t in range(CHUNK // LANES):
        sl = pl.ds(nv + t * LANES, LANES)
        gidx[sl] = base * 3 + t * LANES + lax.iota(jnp.int32, LANES)
        gdst[sl] = jnp.full((LANES,), zfirst, jnp.int32)
    for t in range(ZCHUNK // LANES):
        zdst[pl.ds(nz + t * LANES, LANES)] = jnp.full((LANES,), zfirst, jnp.int32)

    def zscat_desc(z):
        return pltpu.make_async_copy(
            zbuf,
            out_hbm.at[zdst.at[pl.ds(z * ZCHUNK, ZCHUNK)]],
            zsem,
        )

    nzstreams = (nz + ZCHUNK - 1) // ZCHUNK

    def zfire(z, _):
        zscat_desc(z).start()
        return 0

    def zdrain(z, _):
        zscat_desc(0).wait()
        return 0

    lax.fori_loop(1, jnp.maximum(nzstreams - 1, 1), zfire, 0)

    def gather_desc(ch, b):
        return pltpu.make_async_copy(
            table_hbm.at[gidx.at[pl.ds(ch * CHUNK, CHUNK)]],
            buf.at[b],
            gsems[b],
        )

    def scat_desc(ch, b):
        return pltpu.make_async_copy(
            buf.at[b],
            out_hbm.at[gdst.at[pl.ds(ch * CHUNK, CHUNK)]],
            wsems[b],
        )

    nstreams = (nv + CHUNK - 1) // CHUNK

    def pair_body(k, _):
        c0 = 2 * k
        gather_desc(c0, 0).start()
        gather_desc(c0 + 1, 1).start()
        gather_desc(c0, 0).wait()
        scat_desc(c0, 0).start()
        gather_desc(c0 + 1, 1).wait()
        scat_desc(c0 + 1, 1).start()
        scat_desc(c0, 0).wait()
        scat_desc(c0 + 1, 1).wait()
        return 0

    lax.fori_loop(0, nstreams // 2, pair_body, 0)

    @pl.when(nstreams % 2 == 1)
    def _():
        c = nstreams - 1
        gather_desc(c, 0).start()
        gather_desc(c, 0).wait()
        scat_desc(c, 0).start()
        scat_desc(c, 0).wait()

    @pl.when(nzstreams >= 1)
    def _():
        zscat_desc(0).start()

    @pl.when(nzstreams >= 2)
    def _():
        zscat_desc(nzstreams - 1).start()

    lax.fori_loop(0, nzstreams, zdrain, 0)


def kernel(entity_idx, ent_emb_table):
    return _sc_lookup(entity_idx, ent_emb_table)

# --- scband reference (transcript-rebuilt; emitter-appended) ---
"""Pipeline reference for scband-kgenhanced-embed-layer-51479478010295 (READ-ONLY COPY).

The authoritative reference and input builder live on the scoring server;
editing this copy changes nothing except your own understanding.
"""

import jax, jax.numpy as jnp
import numpy as np

VOCAB = 100000
DIM = 768
BATCH = 16384

def setup_inputs(seed: int = 0) -> dict:
    key = jax.random.key(seed)
    k1, k2 = jax.random.split(key)
    # entity indices; values >= VOCAB model entities missing from ent_emb_dict
    entity_idx = jax.random.randint(k1, (BATCH,), 0, 200000, dtype=jnp.int64 if jax.config.jax_enable_x64 else jnp.int32).astype(jnp.int32)
    # TransE entity embedding table (ent_emb_dict materialized as a dense table)
    ent_emb_table = jax.random.normal(k2, (VOCAB, DIM), dtype=jnp.float32)
    return {"entity_idx": entity_idx, "ent_emb_table": ent_emb_table}

def reference(entity_idx, ent_emb_table):
    # Faithful batched version of enhanceByTransE:
    #   if entity in ent_emb_dict: return ent_emb_dict[entity]
    #   else: return zeros(1, 768)
    valid = entity_idx < VOCAB
    safe_idx = jnp.where(valid, entity_idx, 0)
    gathered = jnp.take(ent_emb_table, safe_idx, axis=0)  # [B, 768] gather
    out = jnp.where(valid[:, None], gathered, jnp.zeros((), dtype=ent_emb_table.dtype))
    return out

if __name__ == "__main__":
    import jax
    _d = setup_inputs()
    print(jax.jit(kernel)(*tuple(_d.values())))

</pallas_src>

<mosaic_0001>
#map = affine_map<(d0, d1) -> (0)>
#map1 = affine_map<(d0, d1) -> (0, 0)>
module attributes {stable_mosaic.version = 14 : i64} {
  func.func @_sc_lookup(%arg0: i32, %arg1: i32, %arg2: memref<16384xi32, #tpu.memory_space<hbm>>, %arg3: memref<100000x768xf32, #tpu.memory_space<hbm>>, %arg4: memref<16384x768xf32, #tpu.memory_space<hbm>>, %arg5: memref<512xi32, #tpu.memory_space<vmem>>, %arg6: memref<592xi32, #tpu.memory_space<vmem>>, %arg7: memref<592xi32, #tpu.memory_space<vmem>>, %arg8: memref<560xi32, #tpu.memory_space<vmem>>, %arg9: memref<2x64x768xf32, #tpu.memory_space<vmem>>, %arg10: memref<32x768xf32, #tpu.memory_space<vmem>>, %arg11: memref<!tpu.dma_semaphore, #tpu.memory_space<semaphore_mem>>, %arg12: memref<!tpu.dma_semaphore, #tpu.memory_space<semaphore_mem>>, %arg13: memref<!tpu.dma_semaphore, #tpu.memory_space<semaphore_mem>>, %arg14: memref<!tpu.dma_semaphore, #tpu.memory_space<semaphore_mem>>, %arg15: memref<!tpu.dma_semaphore, #tpu.memory_space<semaphore_mem>>) attributes {dimension_semantics = [#tpu.dimension_semantics<core_parallel>, #tpu.dimension_semantics<subcore_parallel>], iteration_bounds = array<i64: 2, 16>, scalar_prefetch = 0 : i64, scratch_operands = 11 : i64, tpu.core_type = #tpu.core_type<sc_vector_subcore>, window_params = [{transform_indices = #map}, {transform_indices = #map1}, {transform_indices = #map1}]} {
    %mul3A = arith.constant 2 : i32
    %mul3A_0 = arith.muli %arg1, %mul3A : i32
    %add3A = arith.addi %mul3A_0, %arg0 : i32
    %mul3A_1 = arith.constant 512 : i32
    %mul3A_2 = arith.muli %add3A, %mul3A_1 : i32
    %broadcast_in_dim3A = arith.constant 0.000000e+00 : f32
    %broadcast_in_dim3A_3 = vector.broadcast %broadcast_in_dim3A : f32 to vector<16xf32>
    %scan3A = arith.constant 0 : i32
    %scan3A_4 = arith.constant 0 : i32
    %scan3A_5 = arith.constant 32 : i32
    %scan3A_6 = arith.addi %scan3A_4, %scan3A_5 : i32
    %scan3A_7 = arith.constant 1 : i32
    %scan3A_8 = scf.for %scan3A_240 = %scan3A_4 to %scan3A_6 step %scan3A_7 iter_args(%scan3A_241 = %scan3A) -> (i32)  : i32 {
      %swap3A_242 = arith.index_cast %scan3A_240 : i32 to index
      %swap3A_243 = arith.constant 0 : index
      %swap3A_244 = tpu.vector_load %arg10[%swap3A_242, %swap3A_243] {strides = array<i32>} : memref<32x768xf32, #tpu.memory_space<vmem>>, vector<1x16xf32>,
      %swap3A_245 = vector.shape_cast %swap3A_244 : vector<1x16xf32> to vector<16xf32>
      %swap3A_246 = vector.shape_cast %broadcast_in_dim3A_3 : vector<16xf32> to vector<1x16xf32>
      tpu.vector_store %arg10[%swap3A_242, %swap3A_243], %swap3A_246 {strides = array<i32>} : memref<32x768xf32, #tpu.memory_space<vmem>>, vector<1x16xf32>,
      %swap3A_247 = arith.index_cast %scan3A_240 : i32 to index
      %swap3A_248 = arith.constant 16 : index
      %swap3A_249 = tpu.vector_load %arg10[%swap3A_247, %swap3A_248] {strides = array<i32>} : memref<32x768xf32, #tpu.memory_space<vmem>>, vector<1x16xf32>,
      %swap3A_250 = vector.shape_cast %swap3A_249 : vector<1x16xf32> to vector<16xf32>
      %swap3A_251 = vector.shape_cast %broadcast_in_dim3A_3 : vector<16xf32> to vector<1x16xf32>
      tpu.vector_store %arg10[%swap3A_247, %swap3A_248], %swap3A_251 {strides = array<i32>} : memref<32x768xf32, #tpu.memory_space<vmem>>, vector<1x16xf32>,
      %swap3A_252 = arith.index_cast %scan3A_240 : i32 to index
      %swap3A_253 = arith.constant 32 : index
      %swap3A_254 = tpu.vector_load %arg10[%swap3A_252, %swap3A_253] {strides = array<i32>} : memref<32x768xf32, #tpu.memory_space<vmem>>, vector<1x16xf32>,
      %swap3A_255 = vector.shape_cast %swap3A_254 : vector<1x16xf32> to vector<16xf32>
      %swap3A_256 = vector.shape_cast %broadcast_in_dim3A_3 : vector<16xf32> to vector<1x16xf32>
      tpu.vector_store %arg10[%swap3A_252, %swap3A_253], %swap3A_256 {strides = array<i32>} : memref<32x768xf32, #tpu.memory_space<vmem>>, vector<1x16xf32>,
      %swap3A_257 = arith.index_cast %scan3A_240 : i32 to index
      %swap3A_258 = arith.constant 48 : index
      %swap3A_259 = tpu.vector_load %arg10[%swap3A_257, %swap3A_258] {strides = array<i32>} : memref<32x768xf32, #tpu.memory_space<vmem>>, vector<1x16xf32>,
      %swap3A_260 = vector.shape_cast %swap3A_259 : vector<1x16xf32> to vector<16xf32>
      %swap3A_261 = vector.shape_cast %broadcast_in_dim3A_3 : vector<16xf32> to vector<1x16xf32>
      tpu.vector_store %arg10[%swap3A_257, %swap3A_258], %swap3A_261 {strides = array<i32>} : memref<32x768xf32, #tpu.memory_space<vmem>>, vector<1x16xf32>,
      %swap3A_262 = arith.index_cast %scan3A_240 : i32 to index
      %swap3A_263 = arith.constant 64 : index
      %swap3A_264 = tpu.vector_load %arg10[%swap3A_262, %swap3A_263] {strides = array<i32>} : memref<32x768xf32, #tpu.memory_space<vmem>>, vector<1x16xf32>,
      %swap3A_265 = vector.shape_cast %swap3A_264 : vector<1x16xf32> to vector<16xf32>
      %swap3A_266 = vector.shape_cast %broadcast_in_dim3A_3 : vector<16xf32> to vector<1x16xf32>
      tpu.vector_store %arg10[%swap3A_262, %swap3A_263], %swap3A_266 {strides = array<i32>} : memref<32x768xf32, #tpu.memory_space<vmem>>, vector<1x16xf32>,
      %swap3A_267 = arith.index_cast %scan3A_240 : i32 to index
      %swap3A_268 = arith.constant 80 : index
      %swap3A_269 = tpu.vector_load %arg10[%swap3A_267, %swap3A_268] {strides = array<i32>} : memref<32x768xf32, #tpu.memory_space<vmem>>, vector<1x16xf32>,
      %swap3A_270 = vector.shape_cast %swap3A_269 : vector<1x16xf32> to vector<16xf32>
      %swap3A_271 = vector.shape_cast %broadcast_in_dim3A_3 : vector<16xf32> to vector<1x16xf32>
      tpu.vector_store %arg10[%swap3A_267, %swap3A_268], %swap3A_271 {strides = array<i32>} : memref<32x768xf32, #tpu.memory_space<vmem>>, vector<1x16xf32>,
      %swap3A_272 = arith.index_cast %scan3A_240 : i32 to index
      %swap3A_273 = arith.constant 96 : index
      %swap3A_274 = tpu.vector_load %arg10[%swap3A_272, %swap3A_273] {strides = array<i32>} : memref<32x768xf32, #tpu.memory_space<vmem>>, vector<1x16xf32>,
      %swap3A_275 = vector.shape_cast %swap3A_274 : vector<1x16xf32> to vector<16xf32>
      %swap3A_276 = vector.shape_cast %broadcast_in_dim3A_3 : vector<16xf32> to vector<1x16xf32>
      tpu.vector_store %arg10[%swap3A_272, %swap3A_273], %swap3A_276 {strides = array<i32>} : memref<32x768xf32, #tpu.memory_space<vmem>>, vector<1x16xf32>,
      %swap3A_277 = arith.index_cast %scan3A_240 : i32 to index
      %swap3A_278 = arith.constant 112 : index
      %swap3A_279 = tpu.vector_load %arg10[%swap3A_277, %swap3A_278] {strides = array<i32>} : memref<32x768xf32, #tpu.memory_space<vmem>>, vector<1x16xf32>,
      %swap3A_280 = vector.shape_cast %swap3A_279 : vector<1x16xf32> to vector<16xf32>
      %swap3A_281 = vector.shape_cast %broadcast_in_dim3A_3 : vector<16xf32> to vector<1x16xf32>
      tpu.vector_store %arg10[%swap3A_277, %swap3A_278], %swap3A_281 {strides = array<i32>} : memref<32x768xf32, #tpu.memory_space<vmem>>, vector<1x16xf32>,
      %swap3A_282 = arith.index_cast %scan3A_240 : i32 to index
      %swap3A_283 = arith.constant 128 : index
      %swap3A_284 = tpu.vector_load %arg10[%swap3A_282, %swap3A_283] {strides = array<i32>} : memref<32x768xf32, #tpu.memory_space<vmem>>, vector<1x16xf32>,
      %swap3A_285 = vector.shape_cast %swap3A_284 : vector<1x16xf32> to vector<16xf32>
      %swap3A_286 = vector.shape_cast %broadcast_in_dim3A_3 : vector<16xf32> to vector<1x16xf32>
      tpu.vector_store %arg10[%swap3A_282, %swap3A_283], %swap3A_286 {strides = array<i32>} : memref<32x768xf32, #tpu.memory_space<vmem>>, vector<1x16xf32>,
      %swap3A_287 = arith.index_cast %scan3A_240 : i32 to index
      %swap3A_288 = arith.constant 144 : index
      %swap3A_289 = tpu.vector_load %arg10[%swap3A_287, %swap3A_288] {strides = array<i32>} : memref<32x768xf32, #tpu.memory_space<vmem>>, vector<1x16xf32>,
      %swap3A_290 = vector.shape_cast %swap3A_289 : vector<1x16xf32> to vector<16xf32>
      %swap3A_291 = vector.shape_cast %broadcast_in_dim3A_3 : vector<16xf32> to vector<1x16xf32>
      tpu.vector_store %arg10[%swap3A_287, %swap3A_288], %swap3A_291 {strides = array<i32>} : memref<32x768xf32, #tpu.memory_space<vmem>>, vector<1x16xf32>,
      %swap3A_292 = arith.index_cast %scan3A_240 : i32 to index
      %swap3A_293 = arith.constant 160 : index
      %swap3A_294 = tpu.vector_load %arg10[%swap3A_292, %swap3A_293] {strides = array<i32>} : memref<32x768xf32, #tpu.memory_space<vmem>>, vector<1x16xf32>,
      %swap3A_295 = vector.shape_cast %swap3A_294 : vector<1x16xf32> to vector<16xf32>
      %swap3A_296 = vector.shape_cast %broadcast_in_dim3A_3 : vector<16xf32> to vector<1x16xf32>
      tpu.vector_store %arg10[%swap3A_292, %swap3A_293], %swap3A_296 {strides = array<i32>} : memref<32x768xf32, #tpu.memory_space<vmem>>, vector<1x16xf32>,
      %swap3A_297 = arith.index_cast %scan3A_240 : i32 to index
      %swap3A_298 = arith.constant 176 : index
      %swap3A_299 = tpu.vector_load %arg10[%swap3A_297, %swap3A_298] {strides = array<i32>} : memref<32x768xf32, #tpu.memory_space<vmem>>, vector<1x16xf32>,
      %swap3A_300 = vector.shape_cast %swap3A_299 : vector<1x16xf32> to vector<16xf32>
      %swap3A_301 = vector.shape_cast %broadcast_in_dim3A_3 : vector<16xf32> to vector<1x16xf32>
      tpu.vector_store %arg10[%swap3A_297, %swap3A_298], %swap3A_301 {strides = array<i32>} : memref<32x768xf32, #tpu.memory_space<vmem>>, vector<1x16xf32>,
      %swap3A_302 = arith.index_cast %scan3A_240 : i32 to index
      %swap3A_303 = arith.constant 192 : index
      %swap3A_304 = tpu.vector_load %arg10[%swap3A_302, %swap3A_303] {strides = array<i32>} : memref<32x768xf32, #tpu.memory_space<vmem>>, vector<1x16xf32>,
      %swap3A_305 = vector.shape_cast %swap3A_304 : vector<1x16xf32> to vector<16xf32>
      %swap3A_306 = vector.shape_cast %broadcast_in_dim3A_3 : vector<16xf32> to vector<1x16xf32>
      tpu.vector_store %arg10[%swap3A_302, %swap3A_303], %swap3A_306 {strides = array<i32>} : memref<32x768xf32, #tpu.memory_space<vmem>>, vector<1x16xf32>,
      %swap3A_307 = arith.index_cast %scan3A_240 : i32 to index
      %swap3A_308 = arith.constant 208 : index
      %swap3A_309 = tpu.vector_load %arg10[%swap3A_307, %swap3A_308] {strides = array<i32>} : memref<32x768xf32, #tpu.memory_space<vmem>>, vector<1x16xf32>,
      %swap3A_310 = vector.shape_cast %swap3A_309 : vector<1x16xf32> to vector<16xf32>
      %swap3A_311 = vector.shape_cast %broadcast_in_dim3A_3 : vector<16xf32> to vector<1x16xf32>
      tpu.vector_store %arg10[%swap3A_307, %swap3A_308], %swap3A_311 {strides = array<i32>} : memref<32x768xf32, #tpu.memory_space<vmem>>, vector<1x16xf32>,
      %swap3A_312 = arith.index_cast %scan3A_240 : i32 to index
      %swap3A_313 = arith.constant 224 : index
      %swap3A_314 = tpu.vector_load %arg10[%swap3A_312, %swap3A_313] {strides = array<i32>} : memref<32x768xf32, #tpu.memory_space<vmem>>, vector<1x16xf32>,
      %swap3A_315 = vector.shape_cast %swap3A_314 : vector<1x16xf32> to vector<16xf32>
      %swap3A_316 = vector.shape_cast %broadcast_in_dim3A_3 : vector<16xf32> to vector<1x16xf32>
      tpu.vector_store %arg10[%swap3A_312, %swap3A_313], %swap3A_316 {strides = array<i32>} : memref<32x768xf32, #tpu.memory_space<vmem>>, vector<1x16xf32>,
      %swap3A_317 = arith.index_cast %scan3A_240 : i32 to index
      %swap3A_318 = arith.constant 240 : index
      %swap3A_319 = tpu.vector_load %arg10[%swap3A_317, %swap3A_318] {strides = array<i32>} : memref<32x768xf32, #tpu.memory_space<vmem>>, vector<1x16xf32>,
      %swap3A_320 = vector.shape_cast %swap3A_319 : vector<1x16xf32> to vector<16xf32>
      %swap3A_321 = vector.shape_cast %broadcast_in_dim3A_3 : vector<16xf32> to vector<1x16xf32>
      tpu.vector_store %arg10[%swap3A_317, %swap3A_318], %swap3A_321 {strides = array<i32>} : memref<32x768xf32, #tpu.memory_space<vmem>>, vector<1x16xf32>,
      %swap3A_322 = arith.index_cast %scan3A_240 : i32 to index
      %swap3A_323 = arith.constant 256 : index
      %swap3A_324 = tpu.vector_load %arg10[%swap3A_322, %swap3A_323] {strides = array<i32>} : memref<32x768xf32, #tpu.memory_space<vmem>>, vector<1x16xf32>,
      %swap3A_325 = vector.shape_cast %swap3A_324 : vector<1x16xf32> to vector<16xf32>
      %swap3A_326 = vector.shape_cast %broadcast_in_dim3A_3 : vector<16xf32> to vector<1x16xf32>
      tpu.vector_store %arg10[%swap3A_322, %swap3A_323], %swap3A_326 {strides = array<i32>} : memref<32x768xf32, #tpu.memory_space<vmem>>, vector<1x16xf32>,
      %swap3A_327 = arith.index_cast %scan3A_240 : i32 to index
      %swap3A_328 = arith.constant 272 : index
      %swap3A_329 = tpu.vector_load %arg10[%swap3A_327, %swap3A_328] {strides = array<i32>} : memref<32x768xf32, #tpu.memory_space<vmem>>, vector<1x16xf32>,
      %swap3A_330 = vector.shape_cast %swap3A_329 : vector<1x16xf32> to vector<16xf32>
      %swap3A_331 = vector.shape_cast %broadcast_in_dim3A_3 : vector<16xf32> to vector<1x16xf32>
      tpu.vector_store %arg10[%swap3A_327, %swap3A_328], %swap3A_331 {strides = array<i32>} : memref<32x768xf32, #tpu.memory_space<vmem>>, vector<1x16xf32>,
      %swap3A_332 = arith.index_cast %scan3A_240 : i32 to index
      %swap3A_333 = arith.constant 288 : index
      %swap3A_334 = tpu.vector_load %arg10[%swap3A_332, %swap3A_333] {strides = array<i32>} : memref<32x768xf32, #tpu.memory_space<vmem>>, vector<1x16xf32>,
      %swap3A_335 = vector.shape_cast %swap3A_334 : vector<1x16xf32> to vector<16xf32>
      %swap3A_336 = vector.shape_cast %broadcast_in_dim3A_3 : vector<16xf32> to vector<1x16xf32>
      tpu.vector_store %arg10[%swap3A_332, %swap3A_333], %swap3A_336 {strides = array<i32>} : memref<32x768xf32, #tpu.memory_space<vmem>>, vector<1x16xf32>,
      %swap3A_337 = arith.index_cast %scan3A_240 : i32 to index
      %swap3A_338 = arith.constant 304 : index
      %swap3A_339 = tpu.vector_load %arg10[%swap3A_337, %swap3A_338] {strides = array<i32>} : memref<32x768xf32, #tpu.memory_space<vmem>>, vector<1x16xf32>,
      %swap3A_340 = vector.shape_cast %swap3A_339 : vector<1x16xf32> to vector<16xf32>
      %swap3A_341 = vector.shape_cast %broadcast_in_dim3A_3 : vector<16xf32> to vector<1x16xf32>
      tpu.vector_store %arg10[%swap3A_337, %swap3A_338], %swap3A_341 {strides = array<i32>} : memref<32x768xf32, #tpu.memory_space<vmem>>, vector<1x16xf32>,
      %swap3A_342 = arith.index_cast %scan3A_240 : i32 to index
      %swap3A_343 = arith.constant 320 : index
      %swap3A_344 = tpu.vector_load %arg10[%swap3A_342, %swap3A_343] {strides = array<i32>} : memref<32x768xf32, #tpu.memory_space<vmem>>, vector<1x16xf32>,
      %swap3A_345 = vector.shape_cast %swap3A_344 : vector<1x16xf32> to vector<16xf32>
      %swap3A_346 = vector.shape_cast %broadcast_in_dim3A_3 : vector<16xf32> to vector<1x16xf32>
      tpu.vector_store %arg10[%swap3A_342, %swap3A_343], %swap3A_346 {strides = array<i32>} : memref<32x768xf32, #tpu.memory_space<vmem>>, vector<1x16xf32>,
      %swap3A_347 = arith.index_cast %scan3A_240 : i32 to index
      %swap3A_348 = arith.constant 336 : index
      %swap3A_349 = tpu.vector_load %arg10[%swap3A_347, %swap3A_348] {strides = array<i32>} : memref<32x768xf32, #tpu.memory_space<vmem>>, vector<1x16xf32>,
      %swap3A_350 = vector.shape_cast %swap3A_349 : vector<1x16xf32> to vector<16xf32>
      %swap3A_351 = vector.shape_cast %broadcast_in_dim3A_3 : vector<16xf32> to vector<1x16xf32>
      tpu.vector_store %arg10[%swap3A_347, %swap3A_348], %swap3A_351 {strides = array<i32>} : memref<32x768xf32, #tpu.memory_space<vmem>>, vector<1x16xf32>,
      %swap3A_352 = arith.index_cast %scan3A_240 : i32 to index
      %swap3A_353 = arith.constant 352 : index
      %swap3A_354 = tpu.vector_load %arg10[%swap3A_352, %swap3A_353] {strides = array<i32>} : memref<32x768xf32, #tpu.memory_space<vmem>>, vector<1x16xf32>,
      %swap3A_355 = vector.shape_cast %swap3A_354 : vector<1x16xf32> to vector<16xf32>
      %swap3A_356 = vector.shape_cast %broadcast_in_dim3A_3 : vector<16xf32> to vector<1x16xf32>
      tpu.vector_store %arg10[%swap3A_352, %swap3A_353], %swap3A_356 {strides = array<i32>} : memref<32x768xf32, #tpu.memory_space<vmem>>, vector<1x16xf32>,
      %swap3A_357 = arith.index_cast %scan3A_240 : i32 to index
      %swap3A_358 = arith.constant 368 : index
      %swap3A_359 = tpu.vector_load %arg10[%swap3A_357, %swap3A_358] {strides = array<i32>} : memref<32x768xf32, #tpu.memory_space<vmem>>, vector<1x16xf32>,
      %swap3A_360 = vector.shape_cast %swap3A_359 : vector<1x16xf32> to vector<16xf32>
      %swap3A_361 = vector.shape_cast %broadcast_in_dim3A_3 : vector<16xf32> to vector<1x16xf32>
      tpu.vector_store %arg10[%swap3A_357, %swap3A_358], %swap3A_361 {strides = array<i32>} : memref<32x768xf32, #tpu.memory_space<vmem>>, vector<1x16xf32>,
      %swap3A_362 = arith.index_cast %scan3A_240 : i32 to index
      %swap3A_363 = arith.constant 384 : index
      %swap3A_364 = tpu.vector_load %arg10[%swap3A_362, %swap3A_363] {strides = array<i32>} : memref<32x768xf32, #tpu.memory_space<vmem>>, vector<1x16xf32>,
      %swap3A_365 = vector.shape_cast %swap3A_364 : vector<1x16xf32> to vector<16xf32>
      %swap3A_366 = vector.shape_cast %broadcast_in_dim3A_3 : vector<16xf32> to vector<1x16xf32>
      tpu.vector_store %arg10[%swap3A_362, %swap3A_363], %swap3A_366 {strides = array<i32>} : memref<32x768xf32, #tpu.memory_space<vmem>>, vector<1x16xf32>,
      %swap3A_367 = arith.index_cast %scan3A_240 : i32 to index
      %swap3A_368 = arith.constant 400 : index
      %swap3A_369 = tpu.vector_load %arg10[%swap3A_367, %swap3A_368] {strides = array<i32>} : memref<32x768xf32, #tpu.memory_space<vmem>>, vector<1x16xf32>,
      %swap3A_370 = vector.shape_cast %swap3A_369 : vector<1x16xf32> to vector<16xf32>
      %swap3A_371 = vector.shape_cast %broadcast_in_dim3A_3 : vector<16xf32> to vector<1x16xf32>
      tpu.vector_store %arg10[%swap3A_367, %swap3A_368], %swap3A_371 {strides = array<i32>} : memref<32x768xf32, #tpu.memory_space<vmem>>, vector<1x16xf32>,
      %swap3A_372 = arith.index_cast %scan3A_240 : i32 to index
      %swap3A_373 = arith.constant 416 : index
      %swap3A_374 = tpu.vector_load %arg10[%swap3A_372, %swap3A_373] {strides = array<i32>} : memref<32x768xf32, #tpu.memory_space<vmem>>, vector<1x16xf32>,
      %swap3A_375 = vector.shape_cast %swap3A_374 : vector<1x16xf32> to vector<16xf32>
      %swap3A_376 = vector.shape_cast %broadcast_in_dim3A_3 : vector<16xf32> to vector<1x16xf32>
      tpu.vector_store %arg10[%swap3A_372, %swap3A_373], %swap3A_376 {strides = array<i32>} : memref<32x768xf32, #tpu.memory_space<vmem>>, vector<1x16xf32>,
      %swap3A_377 = arith.index_cast %scan3A_240 : i32 to index
      %swap3A_378 = arith.constant 432 : index
      %swap3A_379 = tpu.vector_load %arg10[%swap3A_377, %swap3A_378] {strides = array<i32>} : memref<32x768xf32, #tpu.memory_space<vmem>>, vector<1x16xf32>,
      %swap3A_380 = vector.shape_cast %swap3A_379 : vector<1x16xf32> to vector<16xf32>
      %swap3A_381 = vector.shape_cast %broadcast_in_dim3A_3 : vector<16xf32> to vector<1x16xf32>
      tpu.vector_store %arg10[%swap3A_377, %swap3A_378], %swap3A_381 {strides = array<i32>} : memref<32x768xf32, #tpu.memory_space<vmem>>, vector<1x16xf32>,
      %swap3A_382 = arith.index_cast %scan3A_240 : i32 to index
      %swap3A_383 = arith.constant 448 : index
      %swap3A_384 = tpu.vector_load %arg10[%swap3A_382, %swap3A_383] {strides = array<i32>} : memref<32x768xf32, #tpu.memory_space<vmem>>, vector<1x16xf32>,
      %swap3A_385 = vector.shape_cast %swap3A_384 : vector<1x16xf32> to vector<16xf32>
      %swap3A_386 = vector.shape_cast %broadcast_in_dim3A_3 : vector<16xf32> to vector<1x16xf32>
      tpu.vector_store %arg10[%swap3A_382, %swap3A_383], %swap3A_386 {strides = array<i32>} : memref<32x768xf32, #tpu.memory_space<vmem>>, vector<1x16xf32>,
      %swap3A_387 = arith.index_cast %scan3A_240 : i32 to index
      %swap3A_388 = arith.constant 464 : index
      %swap3A_389 = tpu.vector_load %arg10[%swap3A_387, %swap3A_388] {strides = array<i32>} : memref<32x768xf32, #tpu.memory_space<vmem>>, vector<1x16xf32>,
      %swap3A_390 = vector.shape_cast %swap3A_389 : vector<1x16xf32> to vector<16xf32>
      %swap3A_391 = vector.shape_cast %broadcast_in_dim3A_3 : vector<16xf32> to vector<1x16xf32>
      tpu.vector_store %arg10[%swap3A_387, %swap3A_388], %swap3A_391 {strides = array<i32>} : memref<32x768xf32, #tpu.memory_space<vmem>>, vector<1x16xf32>,
      %swap3A_392 = arith.index_cast %scan3A_240 : i32 to index
      %swap3A_393 = arith.constant 480 : index
      %swap3A_394 = tpu.vector_load %arg10[%swap3A_392, %swap3A_393] {strides = array<i32>} : memref<32x768xf32, #tpu.memory_space<vmem>>, vector<1x16xf32>,
      %swap3A_395 = vector.shape_cast %swap3A_394 : vector<1x16xf32> to vector<16xf32>
      %swap3A_396 = vector.shape_cast %broadcast_in_dim3A_3 : vector<16xf32> to vector<1x16xf32>
      tpu.vector_store %arg10[%swap3A_392, %swap3A_393], %swap3A_396 {strides = array<i32>} : memref<32x768xf32, #tpu.memory_space<vmem>>, vector<1x16xf32>,
      %swap3A_397 = arith.index_cast %scan3A_240 : i32 to index
      %swap3A_398 = arith.constant 496 : index
      %swap3A_399 = tpu.vector_load %arg10[%swap3A_397, %swap3A_398] {strides = array<i32>} : memref<32x768xf32, #tpu.memory_space<vmem>>, vector<1x16xf32>,
      %swap3A_400 = vector.shape_cast %swap3A_399 : vector<1x16xf32> to vector<16xf32>
      %swap3A_401 = vector.shape_cast %broadcast_in_dim3A_3 : vector<16xf32> to vector<1x16xf32>
      tpu.vector_store %arg10[%swap3A_397, %swap3A_398], %swap3A_401 {strides = array<i32>} : memref<32x768xf32, #tpu.memory_space<vmem>>, vector<1x16xf32>,
      %swap3A_402 = arith.index_cast %scan3A_240 : i32 to index
      %swap3A_403 = arith.constant 512 : index
      %swap3A_404 = tpu.vector_load %arg10[%swap3A_402, %swap3A_403] {strides = array<i32>} : memref<32x768xf32, #tpu.memory_space<vmem>>, vector<1x16xf32>,
      %swap3A_405 = vector.shape_cast %swap3A_404 : vector<1x16xf32> to vector<16xf32>
      %swap3A_406 = vector.shape_cast %broadcast_in_dim3A_3 : vector<16xf32> to vector<1x16xf32>
      tpu.vector_store %arg10[%swap3A_402, %swap3A_403], %swap3A_406 {strides = array<i32>} : memref<32x768xf32, #tpu.memory_space<vmem>>, vector<1x16xf32>,
      %swap3A_407 = arith.index_cast %scan3A_240 : i32 to index
      %swap3A_408 = arith.constant 528 : index
      %swap3A_409 = tpu.vector_load %arg10[%swap3A_407, %swap3A_408] {strides = array<i32>} : memref<32x768xf32, #tpu.memory_space<vmem>>, vector<1x16xf32>,
      %swap3A_410 = vector.shape_cast %swap3A_409 : vector<1x16xf32> to vector<16xf32>
      %swap3A_411 = vector.shape_cast %broadcast_in_dim3A_3 : vector<16xf32> to vector<1x16xf32>
      tpu.vector_store %arg10[%swap3A_407, %swap3A_408], %swap3A_411 {strides = array<i32>} : memref<32x768xf32, #tpu.memory_space<vmem>>, vector<1x16xf32>,
      %swap3A_412 = arith.index_cast %scan3A_240 : i32 to index
      %swap3A_413 = arith.constant 544 : index
      %swap3A_414 = tpu.vector_load %arg10[%swap3A_412, %swap3A_413] {strides = array<i32>} : memref<32x768xf32, #tpu.memory_space<vmem>>, vector<1x16xf32>,
      %swap3A_415 = vector.shape_cast %swap3A_414 : vector<1x16xf32> to vector<16xf32>
      %swap3A_416 = vector.shape_cast %broadcast_in_dim3A_3 : vector<16xf32> to vector<1x16xf32>
      tpu.vector_store %arg10[%swap3A_412, %swap3A_413], %swap3A_416 {strides = array<i32>} : memref<32x768xf32, #tpu.memory_space<vmem>>, vector<1x16xf32>,
      %swap3A_417 = arith.index_cast %scan3A_240 : i32 to index
      %swap3A_418 = arith.constant 560 : index
      %swap3A_419 = tpu.vector_load %arg10[%swap3A_417, %swap3A_418] {strides = array<i32>} : memref<32x768xf32, #tpu.memory_space<vmem>>, vector<1x16xf32>,
      %swap3A_420 = vector.shape_cast %swap3A_419 : vector<1x16xf32> to vector<16xf32>
      %swap3A_421 = vector.shape_cast %broadcast_in_dim3A_3 : vector<16xf32> to vector<1x16xf32>
      tpu.vector_store %arg10[%swap3A_417, %swap3A_418], %swap3A_421 {strides = array<i32>} : memref<32x768xf32, #tpu.memory_space<vmem>>, vector<1x16xf32>,
      %swap3A_422 = arith.index_cast %scan3A_240 : i32 to index
      %swap3A_423 = arith.constant 576 : index
      %swap3A_424 = tpu.vector_load %arg10[%swap3A_422, %swap3A_423] {strides = array<i32>} : memref<32x768xf32, #tpu.memory_space<vmem>>, vector<1x16xf32>,
      %swap3A_425 = vector.shape_cast %swap3A_424 : vector<1x16xf32> to vector<16xf32>
      %swap3A_426 = vector.shape_cast %broadcast_in_dim3A_3 : vector<16xf32> to vector<1x16xf32>
      tpu.vector_store %arg10[%swap3A_422, %swap3A_423], %swap3A_426 {strides = array<i32>} : memref<32x768xf32, #tpu.memory_space<vmem>>, vector<1x16xf32>,
      %swap3A_427 = arith.index_cast %scan3A_240 : i32 to index
      %swap3A_428 = arith.constant 592 : index
      %swap3A_429 = tpu.vector_load %arg10[%swap3A_427, %swap3A_428] {strides = array<i32>} : memref<32x768xf32, #tpu.memory_space<vmem>>, vector<1x16xf32>,
      %swap3A_430 = vector.shape_cast %swap3A_429 : vector<1x16xf32> to vector<16xf32>
      %swap3A_431 = vector.shape_cast %broadcast_in_dim3A_3 : vector<16xf32> to vector<1x16xf32>
      tpu.vector_store %arg10[%swap3A_427, %swap3A_428], %swap3A_431 {strides = array<i32>} : memref<32x768xf32, #tpu.memory_space<vmem>>, vector<1x16xf32>,
      %swap3A_432 = arith.index_cast %scan3A_240 : i32 to index
      %swap3A_433 = arith.constant 608 : index
      %swap3A_434 = tpu.vector_load %arg10[%swap3A_432, %swap3A_433] {strides = array<i32>} : memref<32x768xf32, #tpu.memory_space<vmem>>, vector<1x16xf32>,
      %swap3A_435 = vector.shape_cast %swap3A_434 : vector<1x16xf32> to vector<16xf32>
      %swap3A_436 = vector.shape_cast %broadcast_in_dim3A_3 : vector<16xf32> to vector<1x16xf32>
      tpu.vector_store %arg10[%swap3A_432, %swap3A_433], %swap3A_436 {strides = array<i32>} : memref<32x768xf32, #tpu.memory_space<vmem>>, vector<1x16xf32>,
      %swap3A_437 = arith.index_cast %scan3A_240 : i32 to index
      %swap3A_438 = arith.constant 624 : index
      %swap3A_439 = tpu.vector_load %arg10[%swap3A_437, %swap3A_438] {strides = array<i32>} : memref<32x768xf32, #tpu.memory_space<vmem>>, vector<1x16xf32>,
      %swap3A_440 = vector.shape_cast %swap3A_439 : vector<1x16xf32> to vector<16xf32>
      %swap3A_441 = vector.shape_cast %broadcast_in_dim3A_3 : vector<16xf32> to vector<1x16xf32>
      tpu.vector_store %arg10[%swap3A_437, %swap3A_438], %swap3A_441 {strides = array<i32>} : memref<32x768xf32, #tpu.memory_space<vmem>>, vector<1x16xf32>,
      %swap3A_442 = arith.index_cast %scan3A_240 : i32 to index
      %swap3A_443 = arith.constant 640 : index
      %swap3A_444 = tpu.vector_load %arg10[%swap3A_442, %swap3A_443] {strides = array<i32>} : memref<32x768xf32, #tpu.memory_space<vmem>>, vector<1x16xf32>,
      %swap3A_445 = vector.shape_cast %swap3A_444 : vector<1x16xf32> to vector<16xf32>
      %swap3A_446 = vector.shape_cast %broadcast_in_dim3A_3 : vector<16xf32> to vector<1x16xf32>
      tpu.vector_store %arg10[%swap3A_442, %swap3A_443], %swap3A_446 {strides = array<i32>} : memref<32x768xf32, #tpu.memory_space<vmem>>, vector<1x16xf32>,
      %swap3A_447 = arith.index_cast %scan3A_240 : i32 to index
      %swap3A_448 = arith.constant 656 : index
      %swap3A_449 = tpu.vector_load %arg10[%swap3A_447, %swap3A_448] {strides = array<i32>} : memref<32x768xf32, #tpu.memory_space<vmem>>, vector<1x16xf32>,
      %swap3A_450 = vector.shape_cast %swap3A_449 : vector<1x16xf32> to vector<16xf32>
      %swap3A_451 = vector.shape_cast %broadcast_in_dim3A_3 : vector<16xf32> to vector<1x16xf32>
      tpu.vector_store %arg10[%swap3A_447, %swap3A_448], %swap3A_451 {strides = array<i32>} : memref<32x768xf32, #tpu.memory_space<vmem>>, vector<1x16xf32>,
      %swap3A_452 = arith.index_cast %scan3A_240 : i32 to index
      %swap3A_453 = arith.constant 672 : index
      %swap3A_454 = tpu.vector_load %arg10[%swap3A_452, %swap3A_453] {strides = array<i32>} : memref<32x768xf32, #tpu.memory_space<vmem>>, vector<1x16xf32>,
      %swap3A_455 = vector.shape_cast %swap3A_454 : vector<1x16xf32> to vector<16xf32>
      %swap3A_456 = vector.shape_cast %broadcast_in_dim3A_3 : vector<16xf32> to vector<1x16xf32>
      tpu.vector_store %arg10[%swap3A_452, %swap3A_453], %swap3A_456 {strides = array<i32>} : memref<32x768xf32, #tpu.memory_space<vmem>>, vector<1x16xf32>,
      %swap3A_457 = arith.index_cast %scan3A_240 : i32 to index
      %swap3A_458 = arith.constant 688 : index
      %swap3A_459 = tpu.vector_load %arg10[%swap3A_457, %swap3A_458] {strides = array<i32>} : memref<32x768xf32, #tpu.memory_space<vmem>>, vector<1x16xf32>,
      %swap3A_460 = vector.shape_cast %swap3A_459 : vector<1x16xf32> to vector<16xf32>
      %swap3A_461 = vector.shape_cast %broadcast_in_dim3A_3 : vector<16xf32> to vector<1x16xf32>
      tpu.vector_store %arg10[%swap3A_457, %swap3A_458], %swap3A_461 {strides = array<i32>} : memref<32x768xf32, #tpu.memory_space<vmem>>, vector<1x16xf32>,
      %swap3A_462 = arith.index_cast %scan3A_240 : i32 to index
      %swap3A_463 = arith.constant 704 : index
      %swap3A_464 = tpu.vector_load %arg10[%swap3A_462, %swap3A_463] {strides = array<i32>} : memref<32x768xf32, #tpu.memory_space<vmem>>, vector<1x16xf32>,
      %swap3A_465 = vector.shape_cast %swap3A_464 : vector<1x16xf32> to vector<16xf32>
      %swap3A_466 = vector.shape_cast %broadcast_in_dim3A_3 : vector<16xf32> to vector<1x16xf32>
      tpu.vector_store %arg10[%swap3A_462, %swap3A_463], %swap3A_466 {strides = array<i32>} : memref<32x768xf32, #tpu.memory_space<vmem>>, vector<1x16xf32>,
      %swap3A_467 = arith.index_cast %scan3A_240 : i32 to index
      %swap3A_468 = arith.constant 720 : index
      %swap3A_469 = tpu.vector_load %arg10[%swap3A_467, %swap3A_468] {strides = array<i32>} : memref<32x768xf32, #tpu.memory_space<vmem>>, vector<1x16xf32>,
      %swap3A_470 = vector.shape_cast %swap3A_469 : vector<1x16xf32> to vector<16xf32>
      %swap3A_471 = vector.shape_cast %broadcast_in_dim3A_3 : vector<16xf32> to vector<1x16xf32>
      tpu.vector_store %arg10[%swap3A_467, %swap3A_468], %swap3A_471 {strides = array<i32>} : memref<32x768xf32, #tpu.memory_space<vmem>>, vector<1x16xf32>,
      %swap3A_472 = arith.index_cast %scan3A_240 : i32 to index
      %swap3A_473 = arith.constant 736 : index
      %swap3A_474 = tpu.vector_load %arg10[%swap3A_472, %swap3A_473] {strides = array<i32>} : memref<32x768xf32, #tpu.memory_space<vmem>>, vector<1x16xf32>,
      %swap3A_475 = vector.shape_cast %swap3A_474 : vector<1x16xf32> to vector<16xf32>
      %swap3A_476 = vector.shape_cast %broadcast_in_dim3A_3 : vector<16xf32> to vector<1x16xf32>
      tpu.vector_store %arg10[%swap3A_472, %swap3A_473], %swap3A_476 {strides = array<i32>} : memref<32x768xf32, #tpu.memory_space<vmem>>, vector<1x16xf32>,
      %swap3A_477 = arith.index_cast %scan3A_240 : i32 to index
      %swap3A_478 = arith.constant 752 : index
      %swap3A_479 = tpu.vector_load %arg10[%swap3A_477, %swap3A_478] {strides = array<i32>} : memref<32x768xf32, #tpu.memory_space<vmem>>, vector<1x16xf32>,
      %swap3A_480 = vector.shape_cast %swap3A_479 : vector<1x16xf32> to vector<16xf32>
      %swap3A_481 = vector.shape_cast %broadcast_in_dim3A_3 : vector<16xf32> to vector<1x16xf32>
      tpu.vector_store %arg10[%swap3A_477, %swap3A_478], %swap3A_481 {strides = array<i32>} : memref<32x768xf32, #tpu.memory_space<vmem>>, vector<1x16xf32>,
      %scan3A_482 = arith.constant 0 : i32
      scf.yield %scan3A_482 : i32
    }
    %scan3A_9 = arith.constant 32 : i32
    "tpu.region"() ({
      %run_scoped3A = tpu.sem_alloc : memref<!tpu.dma_semaphore, #tpu.memory_space<semaphore_mem>>
      %dma_start3A = tpu.memref_slice %arg2[%mul3A_2] : memref<16384xi32, #tpu.memory_space<hbm>> -> memref<512xi32, #tpu.memory_space<hbm>>
      %dma_start3A_240 = tpu.memref_slice %arg2[%mul3A_2] : memref<16384xi32, #tpu.memory_space<hbm>> -> memref<512xi32, #tpu.memory_space<hbm>>
      tpu.enqueue_dma source(%dma_start3A_240 : memref<512xi32, #tpu.memory_space<hbm>>) target(%arg5 : memref<512xi32, #tpu.memory_space<vmem>>) target_semaphore(%run_scoped3A : memref<!tpu.dma_semaphore, #tpu.memory_space<semaphore_mem>>)
      %dma_wait3A = tpu.memref_slice %arg2[%mul3A_2] : memref<16384xi32, #tpu.memory_space<hbm>> -> memref<512xi32, #tpu.memory_space<hbm>>
      %dma_wait3A_241 = tpu.memref_slice %arg2[%mul3A_2] : memref<16384xi32, #tpu.memory_space<hbm>> -> memref<512xi32, #tpu.memory_space<hbm>>
      tpu.wait_dma2 semaphore(%run_scoped3A : memref<!tpu.dma_semaphore, #tpu.memory_space<semaphore_mem>>) src(%dma_wait3A_241 : memref<512xi32, #tpu.memory_space<hbm>>) dst(%arg5 : memref<512xi32, #tpu.memory_space<vmem>>)
      tpu.yield
    }) : () -> ()
    %scan3A_10 = arith.constant 0 : i32
    %scan3A_11 = arith.constant 0 : i32
    %scan3A_12 = arith.constant 0 : i32
    %scan3A_13 = arith.constant 32 : i32
    %scan3A_14 = arith.addi %scan3A_12, %scan3A_13 : i32
    %scan3A_15 = arith.constant 1 : i32
    %scan3A_16:2 = scf.for %scan3A_240 = %scan3A_12 to %scan3A_14 step %scan3A_15 iter_args(%scan3A_241 = %scan3A_10, %scan3A_242 = %scan3A_11) -> (i32, i32)  : i32 {
      %mul3A_243 = arith.constant 16 : i32
      %mul3A_244 = arith.muli %scan3A_240, %mul3A_243 : i32
      %get3A_245 = arith.index_cast %mul3A_244 : i32 to index
      %get3A_246 = tpu.vector_load %arg5[%get3A_245] {strides = array<i32>} : memref<512xi32, #tpu.memory_space<vmem>>, vector<16xi32>,
      %get3A_247 = vector.shape_cast %get3A_246 : vector<16xi32> to vector<16xi32>
      %slice3A_248 = vector.extract_strided_slice %get3A_247 {offsets = [0], sizes = [1], strides = [1]} : vector<16xi32> to vector<1xi32>
      %squeeze3A_249 = vector.extract %slice3A_248[0] : i32 from vector<1xi32>
      %mul3A_250 = arith.constant 16 : i32
      %mul3A_251 = arith.muli %scan3A_240, %mul3A_250 : i32
      %add3A_252 = arith.addi %mul3A_2, %mul3A_251 : i32
      %add3A_253 = arith.constant 0 : i32
      %add3A_254 = arith.addi %add3A_252, %add3A_253 : i32
      %lt3A_255 = arith.constant 100000 : i32
      %lt3A_256 = arith.cmpi slt, %squeeze3A_249, %lt3A_255 : i32
      %convert_element_type3A_257 = arith.extui %lt3A_256 : i1 to i32
      %cond3A_258 = arith.constant 0 : i32
      %cond3A_259 = arith.cmpi ne, %convert_element_type3A_257, %cond3A_258 : i32
      scf.if %cond3A_259 {
        %broadcast_in_dim3A_631 = vector.broadcast %squeeze3A_249 : i32 to vector<16xi32>
        %swap3A_632 = arith.index_cast %scan3A_241 : i32 to index
        %swap3A_633 = tpu.vector_load %arg6[%swap3A_632] {strides = array<i32>} : memref<592xi32, #tpu.memory_space<vmem>>, vector<16xi32>,
        %swap3A_634 = vector.shape_cast %swap3A_633 : vector<16xi32> to vector<16xi32>
        %swap3A_635 = vector.shape_cast %broadcast_in_dim3A_631 : vector<16xi32> to vector<16xi32>
        tpu.vector_store %arg6[%swap3A_632], %swap3A_635 {strides = array<i32>} : memref<592xi32, #tpu.memory_space<vmem>>, vector<16xi32>,
        %broadcast_in_dim3A_636 = vector.broadcast %add3A_254 : i32 to vector<16xi32>
        %swap3A_637 = arith.index_cast %scan3A_241 : i32 to index
        %swap3A_638 = tpu.vector_load %arg7[%swap3A_637] {strides = array<i32>} : memref<592xi32, #tpu.memory_space<vmem>>, vector<16xi32>,
        %swap3A_639 = vector.shape_cast %swap3A_638 : vector<16xi32> to vector<16xi32>
        %swap3A_640 = vector.shape_cast %broadcast_in_dim3A_636 : vector<16xi32> to vector<16xi32>
        tpu.vector_store %arg7[%swap3A_637], %swap3A_640 {strides = array<i32>} : memref<592xi32, #tpu.memory_space<vmem>>, vector<16xi32>,
      } else {
      }
      %not3A = arith.constant true
      %not3A_260 = arith.xori %lt3A_256, %not3A : i1
      %convert_element_type3A_261 = arith.extui %not3A_260 : i1 to i32
      %cond3A_262 = arith.constant 0 : i32
      %cond3A_263 = arith.cmpi ne, %convert_element_type3A_261, %cond3A_262 : i32
      scf.if %cond3A_263 {
        %broadcast_in_dim3A_631 = vector.broadcast %add3A_254 : i32 to vector<16xi32>
        %swap3A_632 = arith.index_cast %scan3A_242 : i32 to index
        %swap3A_633 = tpu.vector_load %arg8[%swap3A_632] {strides = array<i32>} : memref<560xi32, #tpu.memory_space<vmem>>, vector<16xi32>,
        %swap3A_634 = vector.shape_cast %swap3A_633 : vector<16xi32> to vector<16xi32>
        %swap3A_635 = vector.shape_cast %broadcast_in_dim3A_631 : vector<16xi32> to vector<16xi32>
        tpu.vector_store %arg8[%swap3A_632], %swap3A_635 {strides = array<i32>} : memref<560xi32, #tpu.memory_space<vmem>>, vector<16xi32>,
      } else {
      }
      %jit3A_264 = arith.constant 1 : i32
      %jit3A_265 = arith.constant 0 : i32
      %select_n3A_266 = arith.select %lt3A_256, %jit3A_264, %jit3A_265 : i32
      %add3A_267 = arith.addi %scan3A_241, %select_n3A_266 : i32
      %sub3A_268 = arith.constant 1 : i32
      %sub3A_269 = arith.subi %sub3A_268, %select_n3A_266 : i32
      %add3A_270 = arith.addi %scan3A_242, %sub3A_269 : i32
      %slice3A_271 = vector.extract_strided_slice %get3A_247 {offsets = [1], sizes = [1], strides = [1]} : vector<16xi32> to vector<1xi32>
      %squeeze3A_272 = vector.extract %slice3A_271[0] : i32 from vector<1xi32>
      %mul3A_273 = arith.constant 16 : i32
      %mul3A_274 = arith.muli %scan3A_240, %mul3A_273 : i32
      %add3A_275 = arith.addi %mul3A_2, %mul3A_274 : i32
      %add3A_276 = arith.constant 1 : i32
      %add3A_277 = arith.addi %add3A_275, %add3A_276 : i32
      %lt3A_278 = arith.constant 100000 : i32
      %lt3A_279 = arith.cmpi slt, %squeeze3A_272, %lt3A_278 : i32
      %convert_element_type3A_280 = arith.extui %lt3A_279 : i1 to i32
      %cond3A_281 = arith.constant 0 : i32
      %cond3A_282 = arith.cmpi ne, %convert_element_type3A_280, %cond3A_281 : i32
      scf.if %cond3A_282 {
        %broadcast_in_dim3A_631 = vector.broadcast %squeeze3A_272 : i32 to vector<16xi32>
        %swap3A_632 = arith.index_cast %add3A_267 : i32 to index
        %swap3A_633 = tpu.vector_load %arg6[%swap3A_632] {strides = array<i32>} : memref<592xi32, #tpu.memory_space<vmem>>, vector<16xi32>,
        %swap3A_634 = vector.shape_cast %swap3A_633 : vector<16xi32> to vector<16xi32>
        %swap3A_635 = vector.shape_cast %broadcast_in_dim3A_631 : vector<16xi32> to vector<16xi32>
        tpu.vector_store %arg6[%swap3A_632], %swap3A_635 {strides = array<i32>} : memref<592xi32, #tpu.memory_space<vmem>>, vector<16xi32>,
        %broadcast_in_dim3A_636 = vector.broadcast %add3A_277 : i32 to vector<16xi32>
        %swap3A_637 = arith.index_cast %add3A_267 : i32 to index
        %swap3A_638 = tpu.vector_load %arg7[%swap3A_637] {strides = array<i32>} : memref<592xi32, #tpu.memory_space<vmem>>, vector<16xi32>,
        %swap3A_639 = vector.shape_cast %swap3A_638 : vector<16xi32> to vector<16xi32>
        %swap3A_640 = vector.shape_cast %broadcast_in_dim3A_636 : vector<16xi32> to vector<16xi32>
        tpu.vector_store %arg7[%swap3A_637], %swap3A_640 {strides = array<i32>} : memref<592xi32, #tpu.memory_space<vmem>>, vector<16xi32>,
      } else {
      }
      %not3A_283 = arith.constant true
      %not3A_284 = arith.xori %lt3A_279, %not3A_283 : i1
      %convert_element_type3A_285 = arith.extui %not3A_284 : i1 to i32
      %cond3A_286 = arith.constant 0 : i32
      %cond3A_287 = arith.cmpi ne, %convert_element_type3A_285, %cond3A_286 : i32
      scf.if %cond3A_287 {
        %broadcast_in_dim3A_631 = vector.broadcast %add3A_277 : i32 to vector<16xi32>
        %swap3A_632 = arith.index_cast %add3A_270 : i32 to index
        %swap3A_633 = tpu.vector_load %arg8[%swap3A_632] {strides = array<i32>} : memref<560xi32, #tpu.memory_space<vmem>>, vector<16xi32>,
        %swap3A_634 = vector.shape_cast %swap3A_633 : vector<16xi32> to vector<16xi32>
        %swap3A_635 = vector.shape_cast %broadcast_in_dim3A_631 : vector<16xi32> to vector<16xi32>
        tpu.vector_store %arg8[%swap3A_632], %swap3A_635 {strides = array<i32>} : memref<560xi32, #tpu.memory_space<vmem>>, vector<16xi32>,
      } else {
      }
      %jit3A_288 = arith.constant 1 : i32
      %jit3A_289 = arith.constant 0 : i32
      %select_n3A_290 = arith.select %lt3A_279, %jit3A_288, %jit3A_289 : i32
      %add3A_291 = arith.addi %add3A_267, %select_n3A_290 : i32
      %sub3A_292 = arith.constant 1 : i32
      %sub3A_293 = arith.subi %sub3A_292, %select_n3A_290 : i32
      %add3A_294 = arith.addi %add3A_270, %sub3A_293 : i32
      %slice3A_295 = vector.extract_strided_slice %get3A_247 {offsets = [2], sizes = [1], strides = [1]} : vector<16xi32> to vector<1xi32>
      %squeeze3A_296 = vector.extract %slice3A_295[0] : i32 from vector<1xi32>
      %mul3A_297 = arith.constant 16 : i32
      %mul3A_298 = arith.muli %scan3A_240, %mul3A_297 : i32
      %add3A_299 = arith.addi %mul3A_2, %mul3A_298 : i32
      %add3A_300 = arith.constant 2 : i32
      %add3A_301 = arith.addi %add3A_299, %add3A_300 : i32
      %lt3A_302 = arith.constant 100000 : i32
      %lt3A_303 = arith.cmpi slt, %squeeze3A_296, %lt3A_302 : i32
      %convert_element_type3A_304 = arith.extui %lt3A_303 : i1 to i32
      %cond3A_305 = arith.constant 0 : i32
      %cond3A_306 = arith.cmpi ne, %convert_element_type3A_304, %cond3A_305 : i32
      scf.if %cond3A_306 {
        %broadcast_in_dim3A_631 = vector.broadcast %squeeze3A_296 : i32 to vector<16xi32>
        %swap3A_632 = arith.index_cast %add3A_291 : i32 to index
        %swap3A_633 = tpu.vector_load %arg6[%swap3A_632] {strides = array<i32>} : memref<592xi32, #tpu.memory_space<vmem>>, vector<16xi32>,
        %swap3A_634 = vector.shape_cast %swap3A_633 : vector<16xi32> to vector<16xi32>
        %swap3A_635 = vector.shape_cast %broadcast_in_dim3A_631 : vector<16xi32> to vector<16xi32>
        tpu.vector_store %arg6[%swap3A_632], %swap3A_635 {strides = array<i32>} : memref<592xi32, #tpu.memory_space<vmem>>, vector<16xi32>,
        %broadcast_in_dim3A_636 = vector.broadcast %add3A_301 : i32 to vector<16xi32>
        %swap3A_637 = arith.index_cast %add3A_291 : i32 to index
        %swap3A_638 = tpu.vector_load %arg7[%swap3A_637] {strides = array<i32>} : memref<592xi32, #tpu.memory_space<vmem>>, vector<16xi32>,
        %swap3A_639 = vector.shape_cast %swap3A_638 : vector<16xi32> to vector<16xi32>
        %swap3A_640 = vector.shape_cast %broadcast_in_dim3A_636 : vector<16xi32> to vector<16xi32>
        tpu.vector_store %arg7[%swap3A_637], %swap3A_640 {strides = array<i32>} : memref<592xi32, #tpu.memory_space<vmem>>, vector<16xi32>,
      } else {
      }
      %not3A_307 = arith.constant true
      %not3A_308 = arith.xori %lt3A_303, %not3A_307 : i1
      %convert_element_type3A_309 = arith.extui %not3A_308 : i1 to i32
      %cond3A_310 = arith.constant 0 : i32
      %cond3A_311 = arith.cmpi ne, %convert_element_type3A_309, %cond3A_310 : i32
      scf.if %cond3A_311 {
        %broadcast_in_dim3A_631 = vector.broadcast %add3A_301 : i32 to vector<16xi32>
        %swap3A_632 = arith.index_cast %add3A_294 : i32 to index
        %swap3A_633 = tpu.vector_load %arg8[%swap3A_632] {strides = array<i32>} : memref<560xi32, #tpu.memory_space<vmem>>, vector<16xi32>,
        %swap3A_634 = vector.shape_cast %swap3A_633 : vector<16xi32> to vector<16xi32>
        %swap3A_635 = vector.shape_cast %broadcast_in_dim3A_631 : vector<16xi32> to vector<16xi32>
        tpu.vector_store %arg8[%swap3A_632], %swap3A_635 {strides = array<i32>} : memref<560xi32, #tpu.memory_space<vmem>>, vector<16xi32>,
      } else {
      }
      %jit3A_312 = arith.constant 1 : i32
      %jit3A_313 = arith.constant 0 : i32
      %select_n3A_314 = arith.select %lt3A_303, %jit3A_312, %jit3A_313 : i32
      %add3A_315 = arith.addi %add3A_291, %select_n3A_314 : i32
      %sub3A_316 = arith.constant 1 : i32
      %sub3A_317 = arith.subi %sub3A_316, %select_n3A_314 : i32
      %add3A_318 = arith.addi %add3A_294, %sub3A_317 : i32
      %slice3A_319 = vector.extract_strided_slice %get3A_247 {offsets = [3], sizes = [1], strides = [1]} : vector<16xi32> to vector<1xi32>
      %squeeze3A_320 = vector.extract %slice3A_319[0] : i32 from vector<1xi32>
      %mul3A_321 = arith.constant 16 : i32
      %mul3A_322 = arith.muli %scan3A_240, %mul3A_321 : i32
      %add3A_323 = arith.addi %mul3A_2, %mul3A_322 : i32
      %add3A_324 = arith.constant 3 : i32
      %add3A_325 = arith.addi %add3A_323, %add3A_324 : i32
      %lt3A_326 = arith.constant 100000 : i32
      %lt3A_327 = arith.cmpi slt, %squeeze3A_320, %lt3A_326 : i32
      %convert_element_type3A_328 = arith.extui %lt3A_327 : i1 to i32
      %cond3A_329 = arith.constant 0 : i32
      %cond3A_330 = arith.cmpi ne, %convert_element_type3A_328, %cond3A_329 : i32
      scf.if %cond3A_330 {
        %broadcast_in_dim3A_631 = vector.broadcast %squeeze3A_320 : i32 to vector<16xi32>
        %swap3A_632 = arith.index_cast %add3A_315 : i32 to index
        %swap3A_633 = tpu.vector_load %arg6[%swap3A_632] {strides = array<i32>} : memref<592xi32, #tpu.memory_space<vmem>>, vector<16xi32>,
        %swap3A_634 = vector.shape_cast %swap3A_633 : vector<16xi32> to vector<16xi32>
        %swap3A_635 = vector.shape_cast %broadcast_in_dim3A_631 : vector<16xi32> to vector<16xi32>
        tpu.vector_store %arg6[%swap3A_632], %swap3A_635 {strides = array<i32>} : memref<592xi32, #tpu.memory_space<vmem>>, vector<16xi32>,
        %broadcast_in_dim3A_636 = vector.broadcast %add3A_325 : i32 to vector<16xi32>
        %swap3A_637 = arith.index_cast %add3A_315 : i32 to index
        %swap3A_638 = tpu.vector_load %arg7[%swap3A_637] {strides = array<i32>} : memref<592xi32, #tpu.memory_space<vmem>>, vector<16xi32>,
        %swap3A_639 = vector.shape_cast %swap3A_638 : vector<16xi32> to vector<16xi32>
        %swap3A_640 = vector.shape_cast %broadcast_in_dim3A_636 : vector<16xi32> to vector<16xi32>
        tpu.vector_store %arg7[%swap3A_637], %swap3A_640 {strides = array<i32>} : memref<592xi32, #tpu.memory_space<vmem>>, vector<16xi32>,
      } else {
      }
      %not3A_331 = arith.constant true
      %not3A_332 = arith.xori %lt3A_327, %not3A_331 : i1
      %convert_element_type3A_333 = arith.extui %not3A_332 : i1 to i32
      %cond3A_334 = arith.constant 0 : i32
      %cond3A_335 = arith.cmpi ne, %convert_element_type3A_333, %cond3A_334 : i32
      scf.if %cond3A_335 {
        %broadcast_in_dim3A_631 = vector.broadcast %add3A_325 : i32 to vector<16xi32>
        %swap3A_632 = arith.index_cast %add3A_318 : i32 to index
        %swap3A_633 = tpu.vector_load %arg8[%swap3A_632] {strides = array<i32>} : memref<560xi32, #tpu.memory_space<vmem>>, vector<16xi32>,
        %swap3A_634 = vector.shape_cast %swap3A_633 : vector<16xi32> to vector<16xi32>
        %swap3A_635 = vector.shape_cast %broadcast_in_dim3A_631 : vector<16xi32> to vector<16xi32>
        tpu.vector_store %arg8[%swap3A_632], %swap3A_635 {strides = array<i32>} : memref<560xi32, #tpu.memory_space<vmem>>, vector<16xi32>,
      } else {
      }
      %jit3A_336 = arith.constant 1 : i32
      %jit3A_337 = arith.constant 0 : i32
      %select_n3A_338 = arith.select %lt3A_327, %jit3A_336, %jit3A_337 : i32
      %add3A_339 = arith.addi %add3A_315, %select_n3A_338 : i32
      %sub3A_340 = arith.constant 1 : i32
      %sub3A_341 = arith.subi %sub3A_340, %select_n3A_338 : i32
      %add3A_342 = arith.addi %add3A_318, %sub3A_341 : i32
      %slice3A_343 = vector.extract_strided_slice %get3A_247 {offsets = [4], sizes = [1], strides = [1]} : vector<16xi32> to vector<1xi32>
      %squeeze3A_344 = vector.extract %slice3A_343[0] : i32 from vector<1xi32>
      %mul3A_345 = arith.constant 16 : i32
      %mul3A_346 = arith.muli %scan3A_240, %mul3A_345 : i32
      %add3A_347 = arith.addi %mul3A_2, %mul3A_346 : i32
      %add3A_348 = arith.constant 4 : i32
      %add3A_349 = arith.addi %add3A_347, %add3A_348 : i32
      %lt3A_350 = arith.constant 100000 : i32
      %lt3A_351 = arith.cmpi slt, %squeeze3A_344, %lt3A_350 : i32
      %convert_element_type3A_352 = arith.extui %lt3A_351 : i1 to i32
      %cond3A_353 = arith.constant 0 : i32
      %cond3A_354 = arith.cmpi ne, %convert_element_type3A_352, %cond3A_353 : i32
      scf.if %cond3A_354 {
        %broadcast_in_dim3A_631 = vector.broadcast %squeeze3A_344 : i32 to vector<16xi32>
        %swap3A_632 = arith.index_cast %add3A_339 : i32 to index
        %swap3A_633 = tpu.vector_load %arg6[%swap3A_632] {strides = array<i32>} : memref<592xi32, #tpu.memory_space<vmem>>, vector<16xi32>,
        %swap3A_634 = vector.shape_cast %swap3A_633 : vector<16xi32> to vector<16xi32>
        %swap3A_635 = vector.shape_cast %broadcast_in_dim3A_631 : vector<16xi32> to vector<16xi32>
        tpu.vector_store %arg6[%swap3A_632], %swap3A_635 {strides = array<i32>} : memref<592xi32, #tpu.memory_space<vmem>>, vector<16xi32>,
        %broadcast_in_dim3A_636 = vector.broadcast %add3A_349 : i32 to vector<16xi32>
        %swap3A_637 = arith.index_cast %add3A_339 : i32 to index
        %swap3A_638 = tpu.vector_load %arg7[%swap3A_637] {strides = array<i32>} : memref<592xi32, #tpu.memory_space<vmem>>, vector<16xi32>,
        %swap3A_639 = vector.shape_cast %swap3A_638 : vector<16xi32> to vector<16xi32>
        %swap3A_640 = vector.shape_cast %broadcast_in_dim3A_636 : vector<16xi32> to vector<16xi32>
        tpu.vector_store %arg7[%swap3A_637], %swap3A_640 {strides = array<i32>} : memref<592xi32, #tpu.memory_space<vmem>>, vector<16xi32>,
      } else {
      }
      %not3A_355 = arith.constant true
      %not3A_356 = arith.xori %lt3A_351, %not3A_355 : i1
      %convert_element_type3A_357 = arith.extui %not3A_356 : i1 to i32
      %cond3A_358 = arith.constant 0 : i32
      %cond3A_359 = arith.cmpi ne, %convert_element_type3A_357, %cond3A_358 : i32
      scf.if %cond3A_359 {
        %broadcast_in_dim3A_631 = vector.broadcast %add3A_349 : i32 to vector<16xi32>
        %swap3A_632 = arith.index_cast %add3A_342 : i32 to index
        %swap3A_633 = tpu.vector_load %arg8[%swap3A_632] {strides = array<i32>} : memref<560xi32, #tpu.memory_space<vmem>>, vector<16xi32>,
        %swap3A_634 = vector.shape_cast %swap3A_633 : vector<16xi32> to vector<16xi32>
        %swap3A_635 = vector.shape_cast %broadcast_in_dim3A_631 : vector<16xi32> to vector<16xi32>
        tpu.vector_store %arg8[%swap3A_632], %swap3A_635 {strides = array<i32>} : memref<560xi32, #tpu.memory_space<vmem>>, vector<16xi32>,
      } else {
      }
      %jit3A_360 = arith.constant 1 : i32
      %jit3A_361 = arith.constant 0 : i32
      %select_n3A_362 = arith.select %lt3A_351, %jit3A_360, %jit3A_361 : i32
      %add3A_363 = arith.addi %add3A_339, %select_n3A_362 : i32
      %sub3A_364 = arith.constant 1 : i32
      %sub3A_365 = arith.subi %sub3A_364, %select_n3A_362 : i32
      %add3A_366 = arith.addi %add3A_342, %sub3A_365 : i32
      %slice3A_367 = vector.extract_strided_slice %get3A_247 {offsets = [5], sizes = [1], strides = [1]} : vector<16xi32> to vector<1xi32>
      %squeeze3A_368 = vector.extract %slice3A_367[0] : i32 from vector<1xi32>
      %mul3A_369 = arith.constant 16 : i32
      %mul3A_370 = arith.muli %scan3A_240, %mul3A_369 : i32
      %add3A_371 = arith.addi %mul3A_2, %mul3A_370 : i32
      %add3A_372 = arith.constant 5 : i32
      %add3A_373 = arith.addi %add3A_371, %add3A_372 : i32
      %lt3A_374 = arith.constant 100000 : i32
      %lt3A_375 = arith.cmpi slt, %squeeze3A_368, %lt3A_374 : i32
      %convert_element_type3A_376 = arith.extui %lt3A_375 : i1 to i32
      %cond3A_377 = arith.constant 0 : i32
      %cond3A_378 = arith.cmpi ne, %convert_element_type3A_376, %cond3A_377 : i32
      scf.if %cond3A_378 {
        %broadcast_in_dim3A_631 = vector.broadcast %squeeze3A_368 : i32 to vector<16xi32>
        %swap3A_632 = arith.index_cast %add3A_363 : i32 to index
        %swap3A_633 = tpu.vector_load %arg6[%swap3A_632] {strides = array<i32>} : memref<592xi32, #tpu.memory_space<vmem>>, vector<16xi32>,
        %swap3A_634 = vector.shape_cast %swap3A_633 : vector<16xi32> to vector<16xi32>
        %swap3A_635 = vector.shape_cast %broadcast_in_dim3A_631 : vector<16xi32> to vector<16xi32>
        tpu.vector_store %arg6[%swap3A_632], %swap3A_635 {strides = array<i32>} : memref<592xi32, #tpu.memory_space<vmem>>, vector<16xi32>,
        %broadcast_in_dim3A_636 = vector.broadcast %add3A_373 : i32 to vector<16xi32>
        %swap3A_637 = arith.index_cast %add3A_363 : i32 to index
        %swap3A_638 = tpu.vector_load %arg7[%swap3A_637] {strides = array<i32>} : memref<592xi32, #tpu.memory_space<vmem>>, vector<16xi32>,
        %swap3A_639 = vector.shape_cast %swap3A_638 : vector<16xi32> to vector<16xi32>
        %swap3A_640 = vector.shape_cast %broadcast_in_dim3A_636 : vector<16xi32> to vector<16xi32>
        tpu.vector_store %arg7[%swap3A_637], %swap3A_640 {strides = array<i32>} : memref<592xi32, #tpu.memory_space<vmem>>, vector<16xi32>,
      } else {
      }
      %not3A_379 = arith.constant true
      %not3A_380 = arith.xori %lt3A_375, %not3A_379 : i1
      %convert_element_type3A_381 = arith.extui %not3A_380 : i1 to i32
      %cond3A_382 = arith.constant 0 : i32
      %cond3A_383 = arith.cmpi ne, %convert_element_type3A_381, %cond3A_382 : i32
      scf.if %cond3A_383 {
        %broadcast_in_dim3A_631 = vector.broadcast %add3A_373 : i32 to vector<16xi32>
        %swap3A_632 = arith.index_cast %add3A_366 : i32 to index
        %swap3A_633 = tpu.vector_load %arg8[%swap3A_632] {strides = array<i32>} : memref<560xi32, #tpu.memory_space<vmem>>, vector<16xi32>,
        %swap3A_634 = vector.shape_cast %swap3A_633 : vector<16xi32> to vector<16xi32>
        %swap3A_635 = vector.shape_cast %broadcast_in_dim3A_631 : vector<16xi32> to vector<16xi32>
        tpu.vector_store %arg8[%swap3A_632], %swap3A_635 {strides = array<i32>} : memref<560xi32, #tpu.memory_space<vmem>>, vector<16xi32>,
      } else {
      }
      %jit3A_384 = arith.constant 1 : i32
      %jit3A_385 = arith.constant 0 : i32
      %select_n3A_386 = arith.select %lt3A_375, %jit3A_384, %jit3A_385 : i32
      %add3A_387 = arith.addi %add3A_363, %select_n3A_386 : i32
      %sub3A_388 = arith.constant 1 : i32
      %sub3A_389 = arith.subi %sub3A_388, %select_n3A_386 : i32
      %add3A_390 = arith.addi %add3A_366, %sub3A_389 : i32
      %slice3A_391 = vector.extract_strided_slice %get3A_247 {offsets = [6], sizes = [1], strides = [1]} : vector<16xi32> to vector<1xi32>
      %squeeze3A_392 = vector.extract %slice3A_391[0] : i32 from vector<1xi32>
      %mul3A_393 = arith.constant 16 : i32
      %mul3A_394 = arith.muli %scan3A_240, %mul3A_393 : i32
      %add3A_395 = arith.addi %mul3A_2, %mul3A_394 : i32
      %add3A_396 = arith.constant 6 : i32
      %add3A_397 = arith.addi %add3A_395, %add3A_396 : i32
      %lt3A_398 = arith.constant 100000 : i32
      %lt3A_399 = arith.cmpi slt, %squeeze3A_392, %lt3A_398 : i32
      %convert_element_type3A_400 = arith.extui %lt3A_399 : i1 to i32
      %cond3A_401 = arith.constant 0 : i32
      %cond3A_402 = arith.cmpi ne, %convert_element_type3A_400, %cond3A_401 : i32
      scf.if %cond3A_402 {
        %broadcast_in_dim3A_631 = vector.broadcast %squeeze3A_392 : i32 to vector<16xi32>
        %swap3A_632 = arith.index_cast %add3A_387 : i32 to index
        %swap3A_633 = tpu.vector_load %arg6[%swap3A_632] {strides = array<i32>} : memref<592xi32, #tpu.memory_space<vmem>>, vector<16xi32>,
        %swap3A_634 = vector.shape_cast %swap3A_633 : vector<16xi32> to vector<16xi32>
        %swap3A_635 = vector.shape_cast %broadcast_in_dim3A_631 : vector<16xi32> to vector<16xi32>
        tpu.vector_store %arg6[%swap3A_632], %swap3A_635 {strides = array<i32>} : memref<592xi32, #tpu.memory_space<vmem>>, vector<16xi32>,
        %broadcast_in_dim3A_636 = vector.broadcast %add3A_397 : i32 to vector<16xi32>
        %swap3A_637 = arith.index_cast %add3A_387 : i32 to index
        %swap3A_638 = tpu.vector_load %arg7[%swap3A_637] {strides = array<i32>} : memref<592xi32, #tpu.memory_space<vmem>>, vector<16xi32>,
        %swap3A_639 = vector.shape_cast %swap3A_638 : vector<16xi32> to vector<16xi32>
        %swap3A_640 = vector.shape_cast %broadcast_in_dim3A_636 : vector<16xi32> to vector<16xi32>
        tpu.vector_store %arg7[%swap3A_637], %swap3A_640 {strides = array<i32>} : memref<592xi32, #tpu.memory_space<vmem>>, vector<16xi32>,
      } else {
      }
      %not3A_403 = arith.constant true
      %not3A_404 = arith.xori %lt3A_399, %not3A_403 : i1
      %convert_element_type3A_405 = arith.extui %not3A_404 : i1 to i32
      %cond3A_406 = arith.constant 0 : i32
      %cond3A_407 = arith.cmpi ne, %convert_element_type3A_405, %cond3A_406 : i32
      scf.if %cond3A_407 {
        %broadcast_in_dim3A_631 = vector.broadcast %add3A_397 : i32 to vector<16xi32>
        %swap3A_632 = arith.index_cast %add3A_390 : i32 to index
        %swap3A_633 = tpu.vector_load %arg8[%swap3A_632] {strides = array<i32>} : memref<560xi32, #tpu.memory_space<vmem>>, vector<16xi32>,
        %swap3A_634 = vector.shape_cast %swap3A_633 : vector<16xi32> to vector<16xi32>
        %swap3A_635 = vector.shape_cast %broadcast_in_dim3A_631 : vector<16xi32> to vector<16xi32>
        tpu.vector_store %arg8[%swap3A_632], %swap3A_635 {strides = array<i32>} : memref<560xi32, #tpu.memory_space<vmem>>, vector<16xi32>,
      } else {
      }
      %jit3A_408 = arith.constant 1 : i32
      %jit3A_409 = arith.constant 0 : i32
      %select_n3A_410 = arith.select %lt3A_399, %jit3A_408, %jit3A_409 : i32
      %add3A_411 = arith.addi %add3A_387, %select_n3A_410 : i32
      %sub3A_412 = arith.constant 1 : i32
      %sub3A_413 = arith.subi %sub3A_412, %select_n3A_410 : i32
      %add3A_414 = arith.addi %add3A_390, %sub3A_413 : i32
      %slice3A_415 = vector.extract_strided_slice %get3A_247 {offsets = [7], sizes = [1], strides = [1]} : vector<16xi32> to vector<1xi32>
      %squeeze3A_416 = vector.extract %slice3A_415[0] : i32 from vector<1xi32>
      %mul3A_417 = arith.constant 16 : i32
      %mul3A_418 = arith.muli %scan3A_240, %mul3A_417 : i32
      %add3A_419 = arith.addi %mul3A_2, %mul3A_418 : i32
      %add3A_420 = arith.constant 7 : i32
      %add3A_421 = arith.addi %add3A_419, %add3A_420 : i32
      %lt3A_422 = arith.constant 100000 : i32
      %lt3A_423 = arith.cmpi slt, %squeeze3A_416, %lt3A_422 : i32
      %convert_element_type3A_424 = arith.extui %lt3A_423 : i1 to i32
      %cond3A_425 = arith.constant 0 : i32
      %cond3A_426 = arith.cmpi ne, %convert_element_type3A_424, %cond3A_425 : i32
      scf.if %cond3A_426 {
        %broadcast_in_dim3A_631 = vector.broadcast %squeeze3A_416 : i32 to vector<16xi32>
        %swap3A_632 = arith.index_cast %add3A_411 : i32 to index
        %swap3A_633 = tpu.vector_load %arg6[%swap3A_632] {strides = array<i32>} : memref<592xi32, #tpu.memory_space<vmem>>, vector<16xi32>,
        %swap3A_634 = vector.shape_cast %swap3A_633 : vector<16xi32> to vector<16xi32>
        %swap3A_635 = vector.shape_cast %broadcast_in_dim3A_631 : vector<16xi32> to vector<16xi32>
        tpu.vector_store %arg6[%swap3A_632], %swap3A_635 {strides = array<i32>} : memref<592xi32, #tpu.memory_space<vmem>>, vector<16xi32>,
        %broadcast_in_dim3A_636 = vector.broadcast %add3A_421 : i32 to vector<16xi32>
        %swap3A_637 = arith.index_cast %add3A_411 : i32 to index
        %swap3A_638 = tpu.vector_load %arg7[%swap3A_637] {strides = array<i32>} : memref<592xi32, #tpu.memory_space<vmem>>, vector<16xi32>,
        %swap3A_639 = vector.shape_cast %swap3A_638 : vector<16xi32> to vector<16xi32>
        %swap3A_640 = vector.shape_cast %broadcast_in_dim3A_636 : vector<16xi32> to vector<16xi32>
        tpu.vector_store %arg7[%swap3A_637], %swap3A_640 {strides = array<i32>} : memref<592xi32, #tpu.memory_space<vmem>>, vector<16xi32>,
      } else {
      }
      %not3A_427 = arith.constant true
      %not3A_428 = arith.xori %lt3A_423, %not3A_427 : i1
      %convert_element_type3A_429 = arith.extui %not3A_428 : i1 to i32
      %cond3A_430 = arith.constant 0 : i32
      %cond3A_431 = arith.cmpi ne, %convert_element_type3A_429, %cond3A_430 : i32
      scf.if %cond3A_431 {
        %broadcast_in_dim3A_631 = vector.broadcast %add3A_421 : i32 to vector<16xi32>
        %swap3A_632 = arith.index_cast %add3A_414 : i32 to index
        %swap3A_633 = tpu.vector_load %arg8[%swap3A_632] {strides = array<i32>} : memref<560xi32, #tpu.memory_space<vmem>>, vector<16xi32>,
        %swap3A_634 = vector.shape_cast %swap3A_633 : vector<16xi32> to vector<16xi32>
        %swap3A_635 = vector.shape_cast %broadcast_in_dim3A_631 : vector<16xi32> to vector<16xi32>
        tpu.vector_store %arg8[%swap3A_632], %swap3A_635 {strides = array<i32>} : memref<560xi32, #tpu.memory_space<vmem>>, vector<16xi32>,
      } else {
      }
      %jit3A_432 = arith.constant 1 : i32
      %jit3A_433 = arith.constant 0 : i32
      %select_n3A_434 = arith.select %lt3A_423, %jit3A_432, %jit3A_433 : i32
      %add3A_435 = arith.addi %add3A_411, %select_n3A_434 : i32
      %sub3A_436 = arith.constant 1 : i32
      %sub3A_437 = arith.subi %sub3A_436, %select_n3A_434 : i32
      %add3A_438 = arith.addi %add3A_414, %sub3A_437 : i32
      %slice3A_439 = vector.extract_strided_slice %get3A_247 {offsets = [8], sizes = [1], strides = [1]} : vector<16xi32> to vector<1xi32>
      %squeeze3A_440 = vector.extract %slice3A_439[0] : i32 from vector<1xi32>
      %mul3A_441 = arith.constant 16 : i32
      %mul3A_442 = arith.muli %scan3A_240, %mul3A_441 : i32
      %add3A_443 = arith.addi %mul3A_2, %mul3A_442 : i32
      %add3A_444 = arith.constant 8 : i32
      %add3A_445 = arith.addi %add3A_443, %add3A_444 : i32
      %lt3A_446 = arith.constant 100000 : i32
      %lt3A_447 = arith.cmpi slt, %squeeze3A_440, %lt3A_446 : i32
      %convert_element_type3A_448 = arith.extui %lt3A_447 : i1 to i32
      %cond3A_449 = arith.constant 0 : i32
      %cond3A_450 = arith.cmpi ne, %convert_element_type3A_448, %cond3A_449 : i32
      scf.if %cond3A_450 {
        %broadcast_in_dim3A_631 = vector.broadcast %squeeze3A_440 : i32 to vector<16xi32>
        %swap3A_632 = arith.index_cast %add3A_435 : i32 to index
        %swap3A_633 = tpu.vector_load %arg6[%swap3A_632] {strides = array<i32>} : memref<592xi32, #tpu.memory_space<vmem>>, vector<16xi32>,
        %swap3A_634 = vector.shape_cast %swap3A_633 : vector<16xi32> to vector<16xi32>
        %swap3A_635 = vector.shape_cast %broadcast_in_dim3A_631 : vector<16xi32> to vector<16xi32>
        tpu.vector_store %arg6[%swap3A_632], %swap3A_635 {strides = array<i32>} : memref<592xi32, #tpu.memory_space<vmem>>, vector<16xi32>,
        %broadcast_in_dim3A_636 = vector.broadcast %add3A_445 : i32 to vector<16xi32>
        %swap3A_637 = arith.index_cast %add3A_435 : i32 to index
        %swap3A_638 = tpu.vector_load %arg7[%swap3A_637] {strides = array<i32>} : memref<592xi32, #tpu.memory_space<vmem>>, vector<16xi32>,
        %swap3A_639 = vector.shape_cast %swap3A_638 : vector<16xi32> to vector<16xi32>
        %swap3A_640 = vector.shape_cast %broadcast_in_dim3A_636 : vector<16xi32> to vector<16xi32>
        tpu.vector_store %arg7[%swap3A_637], %swap3A_640 {strides = array<i32>} : memref<592xi32, #tpu.memory_space<vmem>>, vector<16xi32>,
      } else {
      }
      %not3A_451 = arith.constant true
      %not3A_452 = arith.xori %lt3A_447, %not3A_451 : i1
      %convert_element_type3A_453 = arith.extui %not3A_452 : i1 to i32
      %cond3A_454 = arith.constant 0 : i32
      %cond3A_455 = arith.cmpi ne, %convert_element_type3A_453, %cond3A_454 : i32
      scf.if %cond3A_455 {
        %broadcast_in_dim3A_631 = vector.broadcast %add3A_445 : i32 to vector<16xi32>
        %swap3A_632 = arith.index_cast %add3A_438 : i32 to index
        %swap3A_633 = tpu.vector_load %arg8[%swap3A_632] {strides = array<i32>} : memref<560xi32, #tpu.memory_space<vmem>>, vector<16xi32>,
        %swap3A_634 = vector.shape_cast %swap3A_633 : vector<16xi32> to vector<16xi32>
        %swap3A_635 = vector.shape_cast %broadcast_in_dim3A_631 : vector<16xi32> to vector<16xi32>
        tpu.vector_store %arg8[%swap3A_632], %swap3A_635 {strides = array<i32>} : memref<560xi32, #tpu.memory_space<vmem>>, vector<16xi32>,
      } else {
      }
      %jit3A_456 = arith.constant 1 : i32
      %jit3A_457 = arith.constant 0 : i32
      %select_n3A_458 = arith.select %lt3A_447, %jit3A_456, %jit3A_457 : i32
      %add3A_459 = arith.addi %add3A_435, %select_n3A_458 : i32
      %sub3A_460 = arith.constant 1 : i32
      %sub3A_461 = arith.subi %sub3A_460, %select_n3A_458 : i32
      %add3A_462 = arith.addi %add3A_438, %sub3A_461 : i32
      %slice3A_463 = vector.extract_strided_slice %get3A_247 {offsets = [9], sizes = [1], strides = [1]} : vector<16xi32> to vector<1xi32>
      %squeeze3A_464 = vector.extract %slice3A_463[0] : i32 from vector<1xi32>
      %mul3A_465 = arith.constant 16 : i32
      %mul3A_466 = arith.muli %scan3A_240, %mul3A_465 : i32
      %add3A_467 = arith.addi %mul3A_2, %mul3A_466 : i32
      %add3A_468 = arith.constant 9 : i32
      %add3A_469 = arith.addi %add3A_467, %add3A_468 : i32
      %lt3A_470 = arith.constant 100000 : i32
      %lt3A_471 = arith.cmpi slt, %squeeze3A_464, %lt3A_470 : i32
      %convert_element_type3A_472 = arith.extui %lt3A_471 : i1 to i32
      %cond3A_473 = arith.constant 0 : i32
      %cond3A_474 = arith.cmpi ne, %convert_element_type3A_472, %cond3A_473 : i32
      scf.if %cond3A_474 {
        %broadcast_in_dim3A_631 = vector.broadcast %squeeze3A_464 : i32 to vector<16xi32>
        %swap3A_632 = arith.index_cast %add3A_459 : i32 to index
        %swap3A_633 = tpu.vector_load %arg6[%swap3A_632] {strides = array<i32>} : memref<592xi32, #tpu.memory_space<vmem>>, vector<16xi32>,
        %swap3A_634 = vector.shape_cast %swap3A_633 : vector<16xi32> to vector<16xi32>
        %swap3A_635 = vector.shape_cast %broadcast_in_dim3A_631 : vector<16xi32> to vector<16xi32>
        tpu.vector_store %arg6[%swap3A_632], %swap3A_635 {strides = array<i32>} : memref<592xi32, #tpu.memory_space<vmem>>, vector<16xi32>,
        %broadcast_in_dim3A_636 = vector.broadcast %add3A_469 : i32 to vector<16xi32>
        %swap3A_637 = arith.index_cast %add3A_459 : i32 to index
        %swap3A_638 = tpu.vector_load %arg7[%swap3A_637] {strides = array<i32>} : memref<592xi32, #tpu.memory_space<vmem>>, vector<16xi32>,
        %swap3A_639 = vector.shape_cast %swap3A_638 : vector<16xi32> to vector<16xi32>
        %swap3A_640 = vector.shape_cast %broadcast_in_dim3A_636 : vector<16xi32> to vector<16xi32>
        tpu.vector_store %arg7[%swap3A_637], %swap3A_640 {strides = array<i32>} : memref<592xi32, #tpu.memory_space<vmem>>, vector<16xi32>,
      } else {
      }
      %not3A_475 = arith.constant true
      %not3A_476 = arith.xori %lt3A_471, %not3A_475 : i1
      %convert_element_type3A_477 = arith.extui %not3A_476 : i1 to i32
      %cond3A_478 = arith.constant 0 : i32
      %cond3A_479 = arith.cmpi ne, %convert_element_type3A_477, %cond3A_478 : i32
      scf.if %cond3A_479 {
        %broadcast_in_dim3A_631 = vector.broadcast %add3A_469 : i32 to vector<16xi32>
        %swap3A_632 = arith.index_cast %add3A_462 : i32 to index
        %swap3A_633 = tpu.vector_load %arg8[%swap3A_632] {strides = array<i32>} : memref<560xi32, #tpu.memory_space<vmem>>, vector<16xi32>,
        %swap3A_634 = vector.shape_cast %swap3A_633 : vector<16xi32> to vector<16xi32>
        %swap3A_635 = vector.shape_cast %broadcast_in_dim3A_631 : vector<16xi32> to vector<16xi32>
        tpu.vector_store %arg8[%swap3A_632], %swap3A_635 {strides = array<i32>} : memref<560xi32, #tpu.memory_space<vmem>>, vector<16xi32>,
      } else {
      }
      %jit3A_480 = arith.constant 1 : i32
      %jit3A_481 = arith.constant 0 : i32
      %select_n3A_482 = arith.select %lt3A_471, %jit3A_480, %jit3A_481 : i32
      %add3A_483 = arith.addi %add3A_459, %select_n3A_482 : i32
      %sub3A_484 = arith.constant 1 : i32
      %sub3A_485 = arith.subi %sub3A_484, %select_n3A_482 : i32
      %add3A_486 = arith.addi %add3A_462, %sub3A_485 : i32
      %slice3A_487 = vector.extract_strided_slice %get3A_247 {offsets = [10], sizes = [1], strides = [1]} : vector<16xi32> to vector<1xi32>
      %squeeze3A_488 = vector.extract %slice3A_487[0] : i32 from vector<1xi32>
      %mul3A_489 = arith.constant 16 : i32
      %mul3A_490 = arith.muli %scan3A_240, %mul3A_489 : i32
      %add3A_491 = arith.addi %mul3A_2, %mul3A_490 : i32
      %add3A_492 = arith.constant 10 : i32
      %add3A_493 = arith.addi %add3A_491, %add3A_492 : i32
      %lt3A_494 = arith.constant 100000 : i32
      %lt3A_495 = arith.cmpi slt, %squeeze3A_488, %lt3A_494 : i32
      %convert_element_type3A_496 = arith.extui %lt3A_495 : i1 to i32
      %cond3A_497 = arith.constant 0 : i32
      %cond3A_498 = arith.cmpi ne, %convert_element_type3A_496, %cond3A_497 : i32
      scf.if %cond3A_498 {
        %broadcast_in_dim3A_631 = vector.broadcast %squeeze3A_488 : i32 to vector<16xi32>
        %swap3A_632 = arith.index_cast %add3A_483 : i32 to index
        %swap3A_633 = tpu.vector_load %arg6[%swap3A_632] {strides = array<i32>} : memref<592xi32, #tpu.memory_space<vmem>>, vector<16xi32>,
        %swap3A_634 = vector.shape_cast %swap3A_633 : vector<16xi32> to vector<16xi32>
        %swap3A_635 = vector.shape_cast %broadcast_in_dim3A_631 : vector<16xi32> to vector<16xi32>
        tpu.vector_store %arg6[%swap3A_632], %swap3A_635 {strides = array<i32>} : memref<592xi32, #tpu.memory_space<vmem>>, vector<16xi32>,
        %broadcast_in_dim3A_636 = vector.broadcast %add3A_493 : i32 to vector<16xi32>
        %swap3A_637 = arith.index_cast %add3A_483 : i32 to index
        %swap3A_638 = tpu.vector_load %arg7[%swap3A_637] {strides = array<i32>} : memref<592xi32, #tpu.memory_space<vmem>>, vector<16xi32>,
        %swap3A_639 = vector.shape_cast %swap3A_638 : vector<16xi32> to vector<16xi32>
        %swap3A_640 = vector.shape_cast %broadcast_in_dim3A_636 : vector<16xi32> to vector<16xi32>
        tpu.vector_store %arg7[%swap3A_637], %swap3A_640 {strides = array<i32>} : memref<592xi32, #tpu.memory_space<vmem>>, vector<16xi32>,
      } else {
      }
      %not3A_499 = arith.constant true
      %not3A_500 = arith.xori %lt3A_495, %not3A_499 : i1
      %convert_element_type3A_501 = arith.extui %not3A_500 : i1 to i32
      %cond3A_502 = arith.constant 0 : i32
      %cond3A_503 = arith.cmpi ne, %convert_element_type3A_501, %cond3A_502 : i32
      scf.if %cond3A_503 {
        %broadcast_in_dim3A_631 = vector.broadcast %add3A_493 : i32 to vector<16xi32>
        %swap3A_632 = arith.index_cast %add3A_486 : i32 to index
        %swap3A_633 = tpu.vector_load %arg8[%swap3A_632] {strides = array<i32>} : memref<560xi32, #tpu.memory_space<vmem>>, vector<16xi32>,
        %swap3A_634 = vector.shape_cast %swap3A_633 : vector<16xi32> to vector<16xi32>
        %swap3A_635 = vector.shape_cast %broadcast_in_dim3A_631 : vector<16xi32> to vector<16xi32>
        tpu.vector_store %arg8[%swap3A_632], %swap3A_635 {strides = array<i32>} : memref<560xi32, #tpu.memory_space<vmem>>, vector<16xi32>,
      } else {
      }
      %jit3A_504 = arith.constant 1 : i32
      %jit3A_505 = arith.constant 0 : i32
      %select_n3A_506 = arith.select %lt3A_495, %jit3A_504, %jit3A_505 : i32
      %add3A_507 = arith.addi %add3A_483, %select_n3A_506 : i32
      %sub3A_508 = arith.constant 1 : i32
      %sub3A_509 = arith.subi %sub3A_508, %select_n3A_506 : i32
      %add3A_510 = arith.addi %add3A_486, %sub3A_509 : i32
      %slice3A_511 = vector.extract_strided_slice %get3A_247 {offsets = [11], sizes = [1], strides = [1]} : vector<16xi32> to vector<1xi32>
      %squeeze3A_512 = vector.extract %slice3A_511[0] : i32 from vector<1xi32>
      %mul3A_513 = arith.constant 16 : i32
      %mul3A_514 = arith.muli %scan3A_240, %mul3A_513 : i32
      %add3A_515 = arith.addi %mul3A_2, %mul3A_514 : i32
      %add3A_516 = arith.constant 11 : i32
      %add3A_517 = arith.addi %add3A_515, %add3A_516 : i32
      %lt3A_518 = arith.constant 100000 : i32
      %lt3A_519 = arith.cmpi slt, %squeeze3A_512, %lt3A_518 : i32
      %convert_element_type3A_520 = arith.extui %lt3A_519 : i1 to i32
      %cond3A_521 = arith.constant 0 : i32
      %cond3A_522 = arith.cmpi ne, %convert_element_type3A_520, %cond3A_521 : i32
      scf.if %cond3A_522 {
        %broadcast_in_dim3A_631 = vector.broadcast %squeeze3A_512 : i32 to vector<16xi32>
        %swap3A_632 = arith.index_cast %add3A_507 : i32 to index
        %swap3A_633 = tpu.vector_load %arg6[%swap3A_632] {strides = array<i32>} : memref<592xi32, #tpu.memory_space<vmem>>, vector<16xi32>,
        %swap3A_634 = vector.shape_cast %swap3A_633 : vector<16xi32> to vector<16xi32>
        %swap3A_635 = vector.shape_cast %broadcast_in_dim3A_631 : vector<16xi32> to vector<16xi32>
        tpu.vector_store %arg6[%swap3A_632], %swap3A_635 {strides = array<i32>} : memref<592xi32, #tpu.memory_space<vmem>>, vector<16xi32>,
        %broadcast_in_dim3A_636 = vector.broadcast %add3A_517 : i32 to vector<16xi32>
        %swap3A_637 = arith.index_cast %add3A_507 : i32 to index
        %swap3A_638 = tpu.vector_load %arg7[%swap3A_637] {strides = array<i32>} : memref<592xi32, #tpu.memory_space<vmem>>, vector<16xi32>,
        %swap3A_639 = vector.shape_cast %swap3A_638 : vector<16xi32> to vector<16xi32>
        %swap3A_640 = vector.shape_cast %broadcast_in_dim3A_636 : vector<16xi32> to vector<16xi32>
        tpu.vector_store %arg7[%swap3A_637], %swap3A_640 {strides = array<i32>} : memref<592xi32, #tpu.memory_space<vmem>>, vector<16xi32>,
      } else {
      }
      %not3A_523 = arith.constant true
      %not3A_524 = arith.xori %lt3A_519, %not3A_523 : i1
      %convert_element_type3A_525 = arith.extui %not3A_524 : i1 to i32
      %cond3A_526 = arith.constant 0 : i32
      %cond3A_527 = arith.cmpi ne, %convert_element_type3A_525, %cond3A_526 : i32
      scf.if %cond3A_527 {
        %broadcast_in_dim3A_631 = vector.broadcast %add3A_517 : i32 to vector<16xi32>
        %swap3A_632 = arith.index_cast %add3A_510 : i32 to index
        %swap3A_633 = tpu.vector_load %arg8[%swap3A_632] {strides = array<i32>} : memref<560xi32, #tpu.memory_space<vmem>>, vector<16xi32>,
        %swap3A_634 = vector.shape_cast %swap3A_633 : vector<16xi32> to vector<16xi32>
        %swap3A_635 = vector.shape_cast %broadcast_in_dim3A_631 : vector<16xi32> to vector<16xi32>
        tpu.vector_store %arg8[%swap3A_632], %swap3A_635 {strides = array<i32>} : memref<560xi32, #tpu.memory_space<vmem>>, vector<16xi32>,
      } else {
      }
      %jit3A_528 = arith.constant 1 : i32
      %jit3A_529 = arith.constant 0 : i32
      %select_n3A_530 = arith.select %lt3A_519, %jit3A_528, %jit3A_529 : i32
      %add3A_531 = arith.addi %add3A_507, %select_n3A_530 : i32
      %sub3A_532 = arith.constant 1 : i32
      %sub3A_533 = arith.subi %sub3A_532, %select_n3A_530 : i32
      %add3A_534 = arith.addi %add3A_510, %sub3A_533 : i32
      %slice3A_535 = vector.extract_strided_slice %get3A_247 {offsets = [12], sizes = [1], strides = [1]} : vector<16xi32> to vector<1xi32>
      %squeeze3A_536 = vector.extract %slice3A_535[0] : i32 from vector<1xi32>
      %mul3A_537 = arith.constant 16 : i32
      %mul3A_538 = arith.muli %scan3A_240, %mul3A_537 : i32
      %add3A_539 = arith.addi %mul3A_2, %mul3A_538 : i32
      %add3A_540 = arith.constant 12 : i32
      %add3A_541 = arith.addi %add3A_539, %add3A_540 : i32
      %lt3A_542 = arith.constant 100000 : i32
      %lt3A_543 = arith.cmpi slt, %squeeze3A_536, %lt3A_542 : i32
      %convert_element_type3A_544 = arith.extui %lt3A_543 : i1 to i32
      %cond3A_545 = arith.constant 0 : i32
      %cond3A_546 = arith.cmpi ne, %convert_element_type3A_544, %cond3A_545 : i32
      scf.if %cond3A_546 {
        %broadcast_in_dim3A_631 = vector.broadcast %squeeze3A_536 : i32 to vector<16xi32>
        %swap3A_632 = arith.index_cast %add3A_531 : i32 to index
        %swap3A_633 = tpu.vector_load %arg6[%swap3A_632] {strides = array<i32>} : memref<592xi32, #tpu.memory_space<vmem>>, vector<16xi32>,
        %swap3A_634 = vector.shape_cast %swap3A_633 : vector<16xi32> to vector<16xi32>
        %swap3A_635 = vector.shape_cast %broadcast_in_dim3A_631 : vector<16xi32> to vector<16xi32>
        tpu.vector_store %arg6[%swap3A_632], %swap3A_635 {strides = array<i32>} : memref<592xi32, #tpu.memory_space<vmem>>, vector<16xi32>,
        %broadcast_in_dim3A_636 = vector.broadcast %add3A_541 : i32 to vector<16xi32>
        %swap3A_637 = arith.index_cast %add3A_531 : i32 to index
        %swap3A_638 = tpu.vector_load %arg7[%swap3A_637] {strides = array<i32>} : memref<592xi32, #tpu.memory_space<vmem>>, vector<16xi32>,
        %swap3A_639 = vector.shape_cast %swap3A_638 : vector<16xi32> to vector<16xi32>
        %swap3A_640 = vector.shape_cast %broadcast_in_dim3A_636 : vector<16xi32> to vector<16xi32>
        tpu.vector_store %arg7[%swap3A_637], %swap3A_640 {strides = array<i32>} : memref<592xi32, #tpu.memory_space<vmem>>, vector<16xi32>,
      } else {
      }
      %not3A_547 = arith.constant true
      %not3A_548 = arith.xori %lt3A_543, %not3A_547 : i1
      %convert_element_type3A_549 = arith.extui %not3A_548 : i1 to i32
      %cond3A_550 = arith.constant 0 : i32
      %cond3A_551 = arith.cmpi ne, %convert_element_type3A_549, %cond3A_550 : i32
      scf.if %cond3A_551 {
        %broadcast_in_dim3A_631 = vector.broadcast %add3A_541 : i32 to vector<16xi32>
        %swap3A_632 = arith.index_cast %add3A_534 : i32 to index
        %swap3A_633 = tpu.vector_load %arg8[%swap3A_632] {strides = array<i32>} : memref<560xi32, #tpu.memory_space<vmem>>, vector<16xi32>,
        %swap3A_634 = vector.shape_cast %swap3A_633 : vector<16xi32> to vector<16xi32>
        %swap3A_635 = vector.shape_cast %broadcast_in_dim3A_631 : vector<16xi32> to vector<16xi32>
        tpu.vector_store %arg8[%swap3A_632], %swap3A_635 {strides = array<i32>} : memref<560xi32, #tpu.memory_space<vmem>>, vector<16xi32>,
      } else {
      }
      %jit3A_552 = arith.constant 1 : i32
      %jit3A_553 = arith.constant 0 : i32
      %select_n3A_554 = arith.select %lt3A_543, %jit3A_552, %jit3A_553 : i32
      %add3A_555 = arith.addi %add3A_531, %select_n3A_554 : i32
      %sub3A_556 = arith.constant 1 : i32
      %sub3A_557 = arith.subi %sub3A_556, %select_n3A_554 : i32
      %add3A_558 = arith.addi %add3A_534, %sub3A_557 : i32
      %slice3A_559 = vector.extract_strided_slice %get3A_247 {offsets = [13], sizes = [1], strides = [1]} : vector<16xi32> to vector<1xi32>
      %squeeze3A_560 = vector.extract %slice3A_559[0] : i32 from vector<1xi32>
      %mul3A_561 = arith.constant 16 : i32
      %mul3A_562 = arith.muli %scan3A_240, %mul3A_561 : i32
      %add3A_563 = arith.addi %mul3A_2, %mul3A_562 : i32
      %add3A_564 = arith.constant 13 : i32
      %add3A_565 = arith.addi %add3A_563, %add3A_564 : i32
      %lt3A_566 = arith.constant 100000 : i32
      %lt3A_567 = arith.cmpi slt, %squeeze3A_560, %lt3A_566 : i32
      %convert_element_type3A_568 = arith.extui %lt3A_567 : i1 to i32
      %cond3A_569 = arith.constant 0 : i32
      %cond3A_570 = arith.cmpi ne, %convert_element_type3A_568, %cond3A_569 : i32
      scf.if %cond3A_570 {
        %broadcast_in_dim3A_631 = vector.broadcast %squeeze3A_560 : i32 to vector<16xi32>
        %swap3A_632 = arith.index_cast %add3A_555 : i32 to index
        %swap3A_633 = tpu.vector_load %arg6[%swap3A_632] {strides = array<i32>} : memref<592xi32, #tpu.memory_space<vmem>>, vector<16xi32>,
        %swap3A_634 = vector.shape_cast %swap3A_633 : vector<16xi32> to vector<16xi32>
        %swap3A_635 = vector.shape_cast %broadcast_in_dim3A_631 : vector<16xi32> to vector<16xi32>
        tpu.vector_store %arg6[%swap3A_632], %swap3A_635 {strides = array<i32>} : memref<592xi32, #tpu.memory_space<vmem>>, vector<16xi32>,
        %broadcast_in_dim3A_636 = vector.broadcast %add3A_565 : i32 to vector<16xi32>
        %swap3A_637 = arith.index_cast %add3A_555 : i32 to index
        %swap3A_638 = tpu.vector_load %arg7[%swap3A_637] {strides = array<i32>} : memref<592xi32, #tpu.memory_space<vmem>>, vector<16xi32>,
        %swap3A_639 = vector.shape_cast %swap3A_638 : vector<16xi32> to vector<16xi32>
        %swap3A_640 = vector.shape_cast %broadcast_in_dim3A_636 : vector<16xi32> to vector<16xi32>
        tpu.vector_store %arg7[%swap3A_637], %swap3A_640 {strides = array<i32>} : memref<592xi32, #tpu.memory_space<vmem>>, vector<16xi32>,
      } else {
      }
      %not3A_571 = arith.constant true
      %not3A_572 = arith.xori %lt3A_567, %not3A_571 : i1
      %convert_element_type3A_573 = arith.extui %not3A_572 : i1 to i32
      %cond3A_574 = arith.constant 0 : i32
      %cond3A_575 = arith.cmpi ne, %convert_element_type3A_573, %cond3A_574 : i32
      scf.if %cond3A_575 {
        %broadcast_in_dim3A_631 = vector.broadcast %add3A_565 : i32 to vector<16xi32>
        %swap3A_632 = arith.index_cast %add3A_558 : i32 to index
        %swap3A_633 = tpu.vector_load %arg8[%swap3A_632] {strides = array<i32>} : memref<560xi32, #tpu.memory_space<vmem>>, vector<16xi32>,
        %swap3A_634 = vector.shape_cast %swap3A_633 : vector<16xi32> to vector<16xi32>
        %swap3A_635 = vector.shape_cast %broadcast_in_dim3A_631 : vector<16xi32> to vector<16xi32>
        tpu.vector_store %arg8[%swap3A_632], %swap3A_635 {strides = array<i32>} : memref<560xi32, #tpu.memory_space<vmem>>, vector<16xi32>,
      } else {
      }
      %jit3A_576 = arith.constant 1 : i32
      %jit3A_577 = arith.constant 0 : i32
      %select_n3A_578 = arith.select %lt3A_567, %jit3A_576, %jit3A_577 : i32
      %add3A_579 = arith.addi %add3A_555, %select_n3A_578 : i32
      %sub3A_580 = arith.constant 1 : i32
      %sub3A_581 = arith.subi %sub3A_580, %select_n3A_578 : i32
      %add3A_582 = arith.addi %add3A_558, %sub3A_581 : i32
      %slice3A_583 = vector.extract_strided_slice %get3A_247 {offsets = [14], sizes = [1], strides = [1]} : vector<16xi32> to vector<1xi32>
      %squeeze3A_584 = vector.extract %slice3A_583[0] : i32 from vector<1xi32>
      %mul3A_585 = arith.constant 16 : i32
      %mul3A_586 = arith.muli %scan3A_240, %mul3A_585 : i32
      %add3A_587 = arith.addi %mul3A_2, %mul3A_586 : i32
      %add3A_588 = arith.constant 14 : i32
      %add3A_589 = arith.addi %add3A_587, %add3A_588 : i32
      %lt3A_590 = arith.constant 100000 : i32
      %lt3A_591 = arith.cmpi slt, %squeeze3A_584, %lt3A_590 : i32
      %convert_element_type3A_592 = arith.extui %lt3A_591 : i1 to i32
      %cond3A_593 = arith.constant 0 : i32
      %cond3A_594 = arith.cmpi ne, %convert_element_type3A_592, %cond3A_593 : i32
      scf.if %cond3A_594 {
        %broadcast_in_dim3A_631 = vector.broadcast %squeeze3A_584 : i32 to vector<16xi32>
        %swap3A_632 = arith.index_cast %add3A_579 : i32 to index
        %swap3A_633 = tpu.vector_load %arg6[%swap3A_632] {strides = array<i32>} : memref<592xi32, #tpu.memory_space<vmem>>, vector<16xi32>,
        %swap3A_634 = vector.shape_cast %swap3A_633 : vector<16xi32> to vector<16xi32>
        %swap3A_635 = vector.shape_cast %broadcast_in_dim3A_631 : vector<16xi32> to vector<16xi32>
        tpu.vector_store %arg6[%swap3A_632], %swap3A_635 {strides = array<i32>} : memref<592xi32, #tpu.memory_space<vmem>>, vector<16xi32>,
        %broadcast_in_dim3A_636 = vector.broadcast %add3A_589 : i32 to vector<16xi32>
        %swap3A_637 = arith.index_cast %add3A_579 : i32 to index
        %swap3A_638 = tpu.vector_load %arg7[%swap3A_637] {strides = array<i32>} : memref<592xi32, #tpu.memory_space<vmem>>, vector<16xi32>,
        %swap3A_639 = vector.shape_cast %swap3A_638 : vector<16xi32> to vector<16xi32>
        %swap3A_640 = vector.shape_cast %broadcast_in_dim3A_636 : vector<16xi32> to vector<16xi32>
        tpu.vector_store %arg7[%swap3A_637], %swap3A_640 {strides = array<i32>} : memref<592xi32, #tpu.memory_space<vmem>>, vector<16xi32>,
      } else {
      }
      %not3A_595 = arith.constant true
      %not3A_596 = arith.xori %lt3A_591, %not3A_595 : i1
      %convert_element_type3A_597 = arith.extui %not3A_596 : i1 to i32
      %cond3A_598 = arith.constant 0 : i32
      %cond3A_599 = arith.cmpi ne, %convert_element_type3A_597, %cond3A_598 : i32
      scf.if %cond3A_599 {
        %broadcast_in_dim3A_631 = vector.broadcast %add3A_589 : i32 to vector<16xi32>
        %swap3A_632 = arith.index_cast %add3A_582 : i32 to index
        %swap3A_633 = tpu.vector_load %arg8[%swap3A_632] {strides = array<i32>} : memref<560xi32, #tpu.memory_space<vmem>>, vector<16xi32>,
        %swap3A_634 = vector.shape_cast %swap3A_633 : vector<16xi32> to vector<16xi32>
        %swap3A_635 = vector.shape_cast %broadcast_in_dim3A_631 : vector<16xi32> to vector<16xi32>
        tpu.vector_store %arg8[%swap3A_632], %swap3A_635 {strides = array<i32>} : memref<560xi32, #tpu.memory_space<vmem>>, vector<16xi32>,
      } else {
      }
      %jit3A_600 = arith.constant 1 : i32
      %jit3A_601 = arith.constant 0 : i32
      %select_n3A_602 = arith.select %lt3A_591, %jit3A_600, %jit3A_601 : i32
      %add3A_603 = arith.addi %add3A_579, %select_n3A_602 : i32
      %sub3A_604 = arith.constant 1 : i32
      %sub3A_605 = arith.subi %sub3A_604, %select_n3A_602 : i32
      %add3A_606 = arith.addi %add3A_582, %sub3A_605 : i32
      %slice3A_607 = vector.extract_strided_slice %get3A_247 {offsets = [15], sizes = [1], strides = [1]} : vector<16xi32> to vector<1xi32>
      %squeeze3A_608 = vector.extract %slice3A_607[0] : i32 from vector<1xi32>
      %mul3A_609 = arith.constant 16 : i32
      %mul3A_610 = arith.muli %scan3A_240, %mul3A_609 : i32
      %add3A_611 = arith.addi %mul3A_2, %mul3A_610 : i32
      %add3A_612 = arith.constant 15 : i32
      %add3A_613 = arith.addi %add3A_611, %add3A_612 : i32
      %lt3A_614 = arith.constant 100000 : i32
      %lt3A_615 = arith.cmpi slt, %squeeze3A_608, %lt3A_614 : i32
      %convert_element_type3A_616 = arith.extui %lt3A_615 : i1 to i32
      %cond3A_617 = arith.constant 0 : i32
      %cond3A_618 = arith.cmpi ne, %convert_element_type3A_616, %cond3A_617 : i32
      scf.if %cond3A_618 {
        %broadcast_in_dim3A_631 = vector.broadcast %squeeze3A_608 : i32 to vector<16xi32>
        %swap3A_632 = arith.index_cast %add3A_603 : i32 to index
        %swap3A_633 = tpu.vector_load %arg6[%swap3A_632] {strides = array<i32>} : memref<592xi32, #tpu.memory_space<vmem>>, vector<16xi32>,
        %swap3A_634 = vector.shape_cast %swap3A_633 : vector<16xi32> to vector<16xi32>
        %swap3A_635 = vector.shape_cast %broadcast_in_dim3A_631 : vector<16xi32> to vector<16xi32>
        tpu.vector_store %arg6[%swap3A_632], %swap3A_635 {strides = array<i32>} : memref<592xi32, #tpu.memory_space<vmem>>, vector<16xi32>,
        %broadcast_in_dim3A_636 = vector.broadcast %add3A_613 : i32 to vector<16xi32>
        %swap3A_637 = arith.index_cast %add3A_603 : i32 to index
        %swap3A_638 = tpu.vector_load %arg7[%swap3A_637] {strides = array<i32>} : memref<592xi32, #tpu.memory_space<vmem>>, vector<16xi32>,
        %swap3A_639 = vector.shape_cast %swap3A_638 : vector<16xi32> to vector<16xi32>
        %swap3A_640 = vector.shape_cast %broadcast_in_dim3A_636 : vector<16xi32> to vector<16xi32>
        tpu.vector_store %arg7[%swap3A_637], %swap3A_640 {strides = array<i32>} : memref<592xi32, #tpu.memory_space<vmem>>, vector<16xi32>,
      } else {
      }
      %not3A_619 = arith.constant true
      %not3A_620 = arith.xori %lt3A_615, %not3A_619 : i1
      %convert_element_type3A_621 = arith.extui %not3A_620 : i1 to i32
      %cond3A_622 = arith.constant 0 : i32
      %cond3A_623 = arith.cmpi ne, %convert_element_type3A_621, %cond3A_622 : i32
      scf.if %cond3A_623 {
        %broadcast_in_dim3A_631 = vector.broadcast %add3A_613 : i32 to vector<16xi32>
        %swap3A_632 = arith.index_cast %add3A_606 : i32 to index
        %swap3A_633 = tpu.vector_load %arg8[%swap3A_632] {strides = array<i32>} : memref<560xi32, #tpu.memory_space<vmem>>, vector<16xi32>,
        %swap3A_634 = vector.shape_cast %swap3A_633 : vector<16xi32> to vector<16xi32>
        %swap3A_635 = vector.shape_cast %broadcast_in_dim3A_631 : vector<16xi32> to vector<16xi32>
        tpu.vector_store %arg8[%swap3A_632], %swap3A_635 {strides = array<i32>} : memref<560xi32, #tpu.memory_space<vmem>>, vector<16xi32>,
      } else {
      }
      %jit3A_624 = arith.constant 1 : i32
      %jit3A_625 = arith.constant 0 : i32
      %select_n3A_626 = arith.select %lt3A_615, %jit3A_624, %jit3A_625 : i32
      %add3A_627 = arith.addi %add3A_603, %select_n3A_626 : i32
      %sub3A_628 = arith.constant 1 : i32
      %sub3A_629 = arith.subi %sub3A_628, %select_n3A_626 : i32
      %add3A_630 = arith.addi %add3A_606, %sub3A_629 : i32
      scf.yield %add3A_627, %add3A_630 : i32, i32
    }
    %scan3A_17 = arith.constant 32 : i32
    %get3A = arith.constant 0 : index
    %get3A_18 = tpu.vector_load %arg8[%get3A] {strides = array<i32>} : memref<560xi32, #tpu.memory_space<vmem>>, vector<16xi32>,
    %get3A_19 = vector.shape_cast %get3A_18 : vector<16xi32> to vector<16xi32>
    %slice3A = vector.extract_strided_slice %get3A_19 {offsets = [0], sizes = [1], strides = [1]} : vector<16xi32> to vector<1xi32>
    %squeeze3A = vector.extract %slice3A[0] : i32 from vector<1xi32>
    %add3A_20 = arith.constant 0 : i32
    %add3A_21 = arith.addi %scan3A_16#0, %add3A_20 : i32
    %mul3A_22 = arith.constant 3 : i32
    %mul3A_23 = arith.muli %mul3A_2, %mul3A_22 : i32
    %add3A_24 = arith.constant 0 : i32
    %add3A_25 = arith.addi %mul3A_23, %add3A_24 : i32
    %iota3A = tpu.iota {dimensions = array<i32: 0>} : vector<16xi32>
    %add3A_26 = vector.broadcast %add3A_25 : i32 to vector<16xi32>
    %add3A_27 = arith.addi %add3A_26, %iota3A : vector<16xi32>
    %swap3A = arith.index_cast %add3A_21 : i32 to index
    %swap3A_28 = tpu.vector_load %arg6[%swap3A] {strides = array<i32>} : memref<592xi32, #tpu.memory_space<vmem>>, vector<16xi32>,
    %swap3A_29 = vector.shape_cast %swap3A_28 : vector<16xi32> to vector<16xi32>
    %swap3A_30 = vector.shape_cast %add3A_27 : vector<16xi32> to vector<16xi32>
    tpu.vector_store %arg6[%swap3A], %swap3A_30 {strides = array<i32>} : memref<592xi32, #tpu.memory_space<vmem>>, vector<16xi32>,
    %broadcast_in_dim3A_31 = vector.broadcast %squeeze3A : i32 to vector<16xi32>
    %swap3A_32 = arith.index_cast %add3A_21 : i32 to index
    %swap3A_33 = tpu.vector_load %arg7[%swap3A_32] {strides = array<i32>} : memref<592xi32, #tpu.memory_space<vmem>>, vector<16xi32>,
    %swap3A_34 = vector.shape_cast %swap3A_33 : vector<16xi32> to vector<16xi32>
    %swap3A_35 = vector.shape_cast %broadcast_in_dim3A_31 : vector<16xi32> to vector<16xi32>
    tpu.vector_store %arg7[%swap3A_32], %swap3A_35 {strides = array<i32>} : memref<592xi32, #tpu.memory_space<vmem>>, vector<16xi32>,
    %add3A_36 = arith.constant 16 : i32
    %add3A_37 = arith.addi %scan3A_16#0, %add3A_36 : i32
    %mul3A_38 = arith.constant 3 : i32
    %mul3A_39 = arith.muli %mul3A_2, %mul3A_38 : i32
    %add3A_40 = arith.constant 16 : i32
    %add3A_41 = arith.addi %mul3A_39, %add3A_40 : i32
    %iota3A_42 = tpu.iota {dimensions = array<i32: 0>} : vector<16xi32>
    %add3A_43 = vector.broadcast %add3A_41 : i32 to vector<16xi32>
    %add3A_44 = arith.addi %add3A_43, %iota3A_42 : vector<16xi32>
    %swap3A_45 = arith.index_cast %add3A_37 : i32 to index
    %swap3A_46 = tpu.vector_load %arg6[%swap3A_45] {strides = array<i32>} : memref<592xi32, #tpu.memory_space<vmem>>, vector<16xi32>,
    %swap3A_47 = vector.shape_cast %swap3A_46 : vector<16xi32> to vector<16xi32>
    %swap3A_48 = vector.shape_cast %add3A_44 : vector<16xi32> to vector<16xi32>
    tpu.vector_store %arg6[%swap3A_45], %swap3A_48 {strides = array<i32>} : memref<592xi32, #tpu.memory_space<vmem>>, vector<16xi32>,
    %broadcast_in_dim3A_49 = vector.broadcast %squeeze3A : i32 to vector<16xi32>
    %swap3A_50 = arith.index_cast %add3A_37 : i32 to index
    %swap3A_51 = tpu.vector_load %arg7[%swap3A_50] {strides = array<i32>} : memref<592xi32, #tpu.memory_space<vmem>>, vector<16xi32>,
    %swap3A_52 = vector.shape_cast %swap3A_51 : vector<16xi32> to vector<16xi32>
    %swap3A_53 = vector.shape_cast %broadcast_in_dim3A_49 : vector<16xi32> to vector<16xi32>
    tpu.vector_store %arg7[%swap3A_50], %swap3A_53 {strides = array<i32>} : memref<592xi32, #tpu.memory_space<vmem>>, vector<16xi32>,
    %add3A_54 = arith.constant 32 : i32
    %add3A_55 = arith.addi %scan3A_16#0, %add3A_54 : i32
    %mul3A_56 = arith.constant 3 : i32
    %mul3A_57 = arith.muli %mul3A_2, %mul3A_56 : i32
    %add3A_58 = arith.constant 32 : i32
    %add3A_59 = arith.addi %mul3A_57, %add3A_58 : i32
    %iota3A_60 = tpu.iota {dimensions = array<i32: 0>} : vector<16xi32>
    %add3A_61 = vector.broadcast %add3A_59 : i32 to vector<16xi32>
    %add3A_62 = arith.addi %add3A_61, %iota3A_60 : vector<16xi32>
    %swap3A_63 = arith.index_cast %add3A_55 : i32 to index
    %swap3A_64 = tpu.vector_load %arg6[%swap3A_63] {strides = array<i32>} : memref<592xi32, #tpu.memory_space<vmem>>, vector<16xi32>,
    %swap3A_65 = vector.shape_cast %swap3A_64 : vector<16xi32> to vector<16xi32>
    %swap3A_66 = vector.shape_cast %add3A_62 : vector<16xi32> to vector<16xi32>
    tpu.vector_store %arg6[%swap3A_63], %swap3A_66 {strides = array<i32>} : memref<592xi32, #tpu.memory_space<vmem>>, vector<16xi32>,
    %broadcast_in_dim3A_67 = vector.broadcast %squeeze3A : i32 to vector<16xi32>
    %swap3A_68 = arith.index_cast %add3A_55 : i32 to index
    %swap3A_69 = tpu.vector_load %arg7[%swap3A_68] {strides = array<i32>} : memref<592xi32, #tpu.memory_space<vmem>>, vector<16xi32>,
    %swap3A_70 = vector.shape_cast %swap3A_69 : vector<16xi32> to vector<16xi32>
    %swap3A_71 = vector.shape_cast %broadcast_in_dim3A_67 : vector<16xi32> to vector<16xi32>
    tpu.vector_store %arg7[%swap3A_68], %swap3A_71 {strides = array<i32>} : memref<592xi32, #tpu.memory_space<vmem>>, vector<16xi32>,
    %add3A_72 = arith.constant 48 : i32
    %add3A_73 = arith.addi %scan3A_16#0, %add3A_72 : i32
    %mul3A_74 = arith.constant 3 : i32
    %mul3A_75 = arith.muli %mul3A_2, %mul3A_74 : i32
    %add3A_76 = arith.constant 48 : i32
    %add3A_77 = arith.addi %mul3A_75, %add3A_76 : i32
    %iota3A_78 = tpu.iota {dimensions = array<i32: 0>} : vector<16xi32>
    %add3A_79 = vector.broadcast %add3A_77 : i32 to vector<16xi32>
    %add3A_80 = arith.addi %add3A_79, %iota3A_78 : vector<16xi32>
    %swap3A_81 = arith.index_cast %add3A_73 : i32 to index
    %swap3A_82 = tpu.vector_load %arg6[%swap3A_81] {strides = array<i32>} : memref<592xi32, #tpu.memory_space<vmem>>, vector<16xi32>,
    %swap3A_83 = vector.shape_cast %swap3A_82 : vector<16xi32> to vector<16xi32>
    %swap3A_84 = vector.shape_cast %add3A_80 : vector<16xi32> to vector<16xi32>
    tpu.vector_store %arg6[%swap3A_81], %swap3A_84 {strides = array<i32>} : memref<592xi32, #tpu.memory_space<vmem>>, vector<16xi32>,
    %broadcast_in_dim3A_85 = vector.broadcast %squeeze3A : i32 to vector<16xi32>
    %swap3A_86 = arith.index_cast %add3A_73 : i32 to index
    %swap3A_87 = tpu.vector_load %arg7[%swap3A_86] {strides = array<i32>} : memref<592xi32, #tpu.memory_space<vmem>>, vector<16xi32>,
    %swap3A_88 = vector.shape_cast %swap3A_87 : vector<16xi32> to vector<16xi32>
    %swap3A_89 = vector.shape_cast %broadcast_in_dim3A_85 : vector<16xi32> to vector<16xi32>
    tpu.vector_store %arg7[%swap3A_86], %swap3A_89 {strides = array<i32>} : memref<592xi32, #tpu.memory_space<vmem>>, vector<16xi32>,
    %broadcast_in_dim3A_90 = vector.broadcast %squeeze3A : i32 to vector<16xi32>
    %add3A_91 = arith.constant 0 : i32
    %add3A_92 = arith.addi %scan3A_16#1, %add3A_91 : i32
    %swap3A_93 = arith.index_cast %add3A_92 : i32 to index
    %swap3A_94 = tpu.vector_load %arg8[%swap3A_93] {strides = array<i32>} : memref<560xi32, #tpu.memory_space<vmem>>, vector<16xi32>,
    %swap3A_95 = vector.shape_cast %swap3A_94 : vector<16xi32> to vector<16xi32>
    %swap3A_96 = vector.shape_cast %broadcast_in_dim3A_90 : vector<16xi32> to vector<16xi32>
    tpu.vector_store %arg8[%swap3A_93], %swap3A_96 {strides = array<i32>} : memref<560xi32, #tpu.memory_space<vmem>>, vector<16xi32>,
    %broadcast_in_dim3A_97 = vector.broadcast %squeeze3A : i32 to vector<16xi32>
    %add3A_98 = arith.constant 16 : i32
    %add3A_99 = arith.addi %scan3A_16#1, %add3A_98 : i32
    %swap3A_100 = arith.index_cast %add3A_99 : i32 to index
    %swap3A_101 = tpu.vector_load %arg8[%swap3A_100] {strides = array<i32>} : memref<560xi32, #tpu.memory_space<vmem>>, vector<16xi32>,
    %swap3A_102 = vector.shape_cast %swap3A_101 : vector<16xi32> to vector<16xi32>
    %swap3A_103 = vector.shape_cast %broadcast_in_dim3A_97 : vector<16xi32> to vector<16xi32>
    tpu.vector_store %arg8[%swap3A_100], %swap3A_103 {strides = array<i32>} : memref<560xi32, #tpu.memory_space<vmem>>, vector<16xi32>,
    %add3A_104 = arith.constant 32 : i32
    %add3A_105 = arith.addi %scan3A_16#1, %add3A_104 : i32
    %sub3A = arith.constant 1 : i32
    %sub3A_106 = arith.subi %add3A_105, %sub3A : i32
    %jit3A = arith.constant 32 : i32
    %div3A = arith.divsi %sub3A_106, %jit3A : i32
    %sign3A = arith.constant 0 : i32
    %sign3A_107 = arith.cmpi sgt, %sub3A_106, %sign3A : i32
    %sign3A_108 = arith.extui %sign3A_107 : i1 to i32
    %sign3A_109 = arith.constant 0 : i32
    %sign3A_110 = arith.cmpi slt, %sub3A_106, %sign3A_109 : i32
    %sign3A_111 = arith.extui %sign3A_110 : i1 to i32
    %sign3A_112 = arith.subi %sign3A_108, %sign3A_111 : i32
    %sign3A_113 = arith.constant 0 : i32
    %sign3A_114 = arith.cmpi sgt, %jit3A, %sign3A_113 : i32
    %sign3A_115 = arith.extui %sign3A_114 : i1 to i32
    %sign3A_116 = arith.constant 0 : i32
    %sign3A_117 = arith.cmpi slt, %jit3A, %sign3A_116 : i32
    %sign3A_118 = arith.extui %sign3A_117 : i1 to i32
    %sign3A_119 = arith.subi %sign3A_115, %sign3A_118 : i32
    %ne3A = arith.cmpi ne, %sign3A_112, %sign3A_119 : i32
    %rem3A = arith.remsi %sub3A_106, %jit3A : i32
    %ne3A_120 = arith.constant 0 : i32
    %ne3A_121 = arith.cmpi ne, %rem3A, %ne3A_120 : i32
    %and3A = arith.andi %ne3A, %ne3A_121 : i1
    %sub3A_122 = arith.constant 1 : i32
    %sub3A_123 = arith.subi %div3A, %sub3A_122 : i32
    %select_n3A = arith.select %and3A, %sub3A_123, %div3A : i32
    %sub3A_124 = arith.constant 1 : i32
    %sub3A_125 = arith.subi %select_n3A, %sub3A_124 : i32
    %max3A = arith.constant 1 : i32
    %max3A_126 = arith.maxsi %sub3A_125, %max3A : i32
    %while3A = arith.constant 1 : i32
    %while3A_127 = arith.constant 0 : i32
    %while3A_128 = arith.subi %max3A_126, %while3A : i32
    %while3A_129 = arith.addi %while3A, %while3A_128 : i32
    %while3A_130 = arith.constant 1 : i32
    %while3A_131 = arith.divsi %while3A_128, %while3A_130 : i32
    %while3A_132 = arith.muli %while3A_131, %while3A_130 : i32
    %while3A_133 = arith.addi %while3A, %while3A_132 : i32
    %while3A_134 = arith.constant 1 : i32
    %while3A_135 = scf.for %while3A_240 = %while3A to %while3A_133 step %while3A_134 iter_args(%while3A_241 = %while3A_127) -> (i32)  : i32 {
      %mul3A_242 = arith.constant 32 : i32
      %mul3A_243 = arith.muli %while3A_240, %mul3A_242 : i32
      %dma_start3A = tpu.memref_slice %arg8[%mul3A_243] : memref<560xi32, #tpu.memory_space<vmem>> -> memref<32xi32, #tpu.memory_space<vmem>>
      %dma_start3A_244 = arith.constant 0 : i32
      %dma_start3A_245 = arith.constant 0 : i32
      %dma_start3A_246 = tpu.memref_slice %arg4[%dma_start3A_244, %dma_start3A_245] : memref<16384x768xf32, #tpu.memory_space<hbm>> -> memref<16384x768xf32, #tpu.memory_space<hbm>>
      tpu.enqueue_indirect_dma source(%arg10 : memref<32x768xf32, #tpu.memory_space<vmem>>) target(%dma_start3A_246 : memref<16384x768xf32, #tpu.memory_space<hbm>>) offsets(%dma_start3A : memref<32xi32, #tpu.memory_space<vmem>>) semaphore(%arg15 : memref<!tpu.dma_semaphore, #tpu.memory_space<semaphore_mem>>)
      %while3A_247 = arith.constant 0 : i32
      scf.yield %while3A_247 : i32
    }
    %while3A_136 = arith.constant 1 : i32
    %while3A_137 = scf.for %while3A_240 = %while3A_133 to %while3A_129 step %while3A_136 iter_args(%while3A_241 = %while3A_135) -> (i32)  : i32 {
      %mul3A_242 = arith.constant 32 : i32
      %mul3A_243 = arith.muli %while3A_240, %mul3A_242 : i32
      %dma_start3A = tpu.memref_slice %arg8[%mul3A_243] : memref<560xi32, #tpu.memory_space<vmem>> -> memref<32xi32, #tpu.memory_space<vmem>>
      %dma_start3A_244 = arith.constant 0 : i32
      %dma_start3A_245 = arith.constant 0 : i32
      %dma_start3A_246 = tpu.memref_slice %arg4[%dma_start3A_244, %dma_start3A_245] : memref<16384x768xf32, #tpu.memory_space<hbm>> -> memref<16384x768xf32, #tpu.memory_space<hbm>>
      tpu.enqueue_indirect_dma source(%arg10 : memref<32x768xf32, #tpu.memory_space<vmem>>) target(%dma_start3A_246 : memref<16384x768xf32, #tpu.memory_space<hbm>>) offsets(%dma_start3A : memref<32xi32, #tpu.memory_space<vmem>>) semaphore(%arg15 : memref<!tpu.dma_semaphore, #tpu.memory_space<semaphore_mem>>)
      %while3A_247 = arith.constant 0 : i32
      scf.yield %while3A_247 : i32
    }
    %add3A_138 = arith.constant 64 : i32
    %add3A_139 = arith.addi %scan3A_16#0, %add3A_138 : i32
    %sub3A_140 = arith.constant 1 : i32
    %sub3A_141 = arith.subi %add3A_139, %sub3A_140 : i32
    %jit3A_142 = arith.constant 64 : i32
    %div3A_143 = arith.divsi %sub3A_141, %jit3A_142 : i32
    %sign3A_144 = arith.constant 0 : i32
    %sign3A_145 = arith.cmpi sgt, %sub3A_141, %sign3A_144 : i32
    %sign3A_146 = arith.extui %sign3A_145 : i1 to i32
    %sign3A_147 = arith.constant 0 : i32
    %sign3A_148 = arith.cmpi slt, %sub3A_141, %sign3A_147 : i32
    %sign3A_149 = arith.extui %sign3A_148 : i1 to i32
    %sign3A_150 = arith.subi %sign3A_146, %sign3A_149 : i32
    %sign3A_151 = arith.constant 0 : i32
    %sign3A_152 = arith.cmpi sgt, %jit3A_142, %sign3A_151 : i32
    %sign3A_153 = arith.extui %sign3A_152 : i1 to i32
    %sign3A_154 = arith.constant 0 : i32
    %sign3A_155 = arith.cmpi slt, %jit3A_142, %sign3A_154 : i32
    %sign3A_156 = arith.extui %sign3A_155 : i1 to i32
    %sign3A_157 = arith.subi %sign3A_153, %sign3A_156 : i32
    %ne3A_158 = arith.cmpi ne, %sign3A_150, %sign3A_157 : i32
    %rem3A_159 = arith.remsi %sub3A_141, %jit3A_142 : i32
    %ne3A_160 = arith.constant 0 : i32
    %ne3A_161 = arith.cmpi ne, %rem3A_159, %ne3A_160 : i32
    %and3A_162 = arith.andi %ne3A_158, %ne3A_161 : i1
    %sub3A_163 = arith.constant 1 : i32
    %sub3A_164 = arith.subi %div3A_143, %sub3A_163 : i32
    %select_n3A_165 = arith.select %and3A_162, %sub3A_164, %div3A_143 : i32
    %jit3A_166 = arith.constant 2 : i32
    %div3A_167 = arith.divsi %select_n3A_165, %jit3A_166 : i32
    %sign3A_168 = arith.constant 0 : i32
    %sign3A_169 = arith.cmpi sgt, %select_n3A_165, %sign3A_168 : i32
    %sign3A_170 = arith.extui %sign3A_169 : i1 to i32
    %sign3A_171 = arith.constant 0 : i32
    %sign3A_172 = arith.cmpi slt, %select_n3A_165, %sign3A_171 : i32
    %sign3A_173 = arith.extui %sign3A_172 : i1 to i32
    %sign3A_174 = arith.subi %sign3A_170, %sign3A_173 : i32
    %sign3A_175 = arith.constant 0 : i32
    %sign3A_176 = arith.cmpi sgt, %jit3A_166, %sign3A_175 : i32
    %sign3A_177 = arith.extui %sign3A_176 : i1 to i32
    %sign3A_178 = arith.constant 0 : i32
    %sign3A_179 = arith.cmpi slt, %jit3A_166, %sign3A_178 : i32
    %sign3A_180 = arith.extui %sign3A_179 : i1 to i32
    %sign3A_181 = arith.subi %sign3A_177, %sign3A_180 : i32
    %ne3A_182 = arith.cmpi ne, %sign3A_174, %sign3A_181 : i32
    %rem3A_183 = arith.remsi %select_n3A_165, %jit3A_166 : i32
    %ne3A_184 = arith.constant 0 : i32
    %ne3A_185 = arith.cmpi ne, %rem3A_183, %ne3A_184 : i32
    %and3A_186 = arith.andi %ne3A_182, %ne3A_185 : i1
    %sub3A_187 = arith.constant 1 : i32
    %sub3A_188 = arith.subi %div3A_167, %sub3A_187 : i32
    %select_n3A_189 = arith.select %and3A_186, %sub3A_188, %div3A_167 : i32
    %while3A_190 = arith.constant 0 : i32
    %while3A_191 = arith.constant 0 : i32
    %while3A_192 = arith.subi %select_n3A_189, %while3A_190 : i32
    %while3A_193 = arith.addi %while3A_190, %while3A_192 : i32
    %while3A_194 = arith.constant 1 : i32
    %while3A_195 = arith.divsi %while3A_192, %while3A_194 : i32
    %while3A_196 = arith.muli %while3A_195, %while3A_194 : i32
    %while3A_197 = arith.addi %while3A_190, %while3A_196 : i32
    %while3A_198 = arith.constant 1 : i32
    %while3A_199 = scf.for %while3A_240 = %while3A_190 to %while3A_197 step %while3A_198 iter_args(%while3A_241 = %while3A_191) -> (i32)  : i32 {
      %mul3A_242 = arith.constant 2 : i32
      %mul3A_243 = arith.muli %mul3A_242, %while3A_240 : i32
      %mul3A_244 = arith.constant 64 : i32
      %mul3A_245 = arith.muli %mul3A_243, %mul3A_244 : i32
      %dma_start3A = arith.constant 0 : i32
      %dma_start3A_246 = arith.constant 0 : i32
      %dma_start3A_247 = arith.constant 0 : i32
      %dma_start3A_248 = tpu.memref_slice %arg9[%dma_start3A, %dma_start3A_246, %dma_start3A_247] : memref<2x64x768xf32, #tpu.memory_space<vmem>> -> memref<1x64x768xf32, #tpu.memory_space<vmem>>
      %dma_start3A_249 = tpu.memref_squeeze %dma_start3A_248 : memref<1x64x768xf32, #tpu.memory_space<vmem>> -> memref<64x768xf32, #tpu.memory_space<vmem>>
      %dma_start3A_250 = tpu.memref_slice %arg6[%mul3A_245] : memref<592xi32, #tpu.memory_space<vmem>> -> memref<64xi32, #tpu.memory_space<vmem>>
      %dma_start3A_251 = arith.constant 0 : i32
      %dma_start3A_252 = arith.constant 0 : i32
      %dma_start3A_253 = tpu.memref_slice %arg3[%dma_start3A_251, %dma_start3A_252] : memref<100000x768xf32, #tpu.memory_space<hbm>> -> memref<100000x768xf32, #tpu.memory_space<hbm>>
      tpu.enqueue_indirect_dma source(%dma_start3A_253 : memref<100000x768xf32, #tpu.memory_space<hbm>>) target(%dma_start3A_249 : memref<64x768xf32, #tpu.memory_space<vmem>>) offsets(%dma_start3A_250 : memref<64xi32, #tpu.memory_space<vmem>>) semaphore(%arg11 : memref<!tpu.dma_semaphore, #tpu.memory_space<semaphore_mem>>)
      %add3A_254 = arith.constant 1 : i32
      %add3A_255 = arith.addi %mul3A_243, %add3A_254 : i32
      %mul3A_256 = arith.constant 64 : i32
      %mul3A_257 = arith.muli %add3A_255, %mul3A_256 : i32
      %dma_start3A_258 = arith.constant 1 : i32
      %dma_start3A_259 = arith.constant 0 : i32
      %dma_start3A_260 = arith.constant 0 : i32
      %dma_start3A_261 = tpu.memref_slice %arg9[%dma_start3A_258, %dma_start3A_259, %dma_start3A_260] : memref<2x64x768xf32, #tpu.memory_space<vmem>> -> memref<1x64x768xf32, #tpu.memory_space<vmem>>
      %dma_start3A_262 = tpu.memref_squeeze %dma_start3A_261 : memref<1x64x768xf32, #tpu.memory_space<vmem>> -> memref<64x768xf32, #tpu.memory_space<vmem>>
      %dma_start3A_263 = tpu.memref_slice %arg6[%mul3A_257] : memref<592xi32, #tpu.memory_space<vmem>> -> memref<64xi32, #tpu.memory_space<vmem>>
      %dma_start3A_264 = arith.constant 0 : i32
      %dma_start3A_265 = arith.constant 0 : i32
      %dma_start3A_266 = tpu.memref_slice %arg3[%dma_start3A_264, %dma_start3A_265] : memref<100000x768xf32, #tpu.memory_space<hbm>> -> memref<100000x768xf32, #tpu.memory_space<hbm>>
      tpu.enqueue_indirect_dma source(%dma_start3A_266 : memref<100000x768xf32, #tpu.memory_space<hbm>>) target(%dma_start3A_262 : memref<64x768xf32, #tpu.memory_space<vmem>>) offsets(%dma_start3A_263 : memref<64xi32, #tpu.memory_space<vmem>>) semaphore(%arg12 : memref<!tpu.dma_semaphore, #tpu.memory_space<semaphore_mem>>)
      %mul3A_267 = arith.constant 64 : i32
      %mul3A_268 = arith.muli %mul3A_243, %mul3A_267 : i32
      %dma_wait3A = arith.constant 0 : i32
      %dma_wait3A_269 = arith.constant 0 : i32
      %dma_wait3A_270 = arith.constant 0 : i32
      %dma_wait3A_271 = tpu.memref_slice %arg9[%dma_wait3A, %dma_wait3A_269, %dma_wait3A_270] : memref<2x64x768xf32, #tpu.memory_space<vmem>> -> memref<1x64x768xf32, #tpu.memory_space<vmem>>
      %dma_wait3A_272 = tpu.memref_squeeze %dma_wait3A_271 : memref<1x64x768xf32, #tpu.memory_space<vmem>> -> memref<64x768xf32, #tpu.memory_space<vmem>>
      %dma_wait3A_273 = tpu.memref_slice %arg6[%mul3A_268] : memref<592xi32, #tpu.memory_space<vmem>> -> memref<64xi32, #tpu.memory_space<vmem>>
      %dma_wait3A_274 = arith.constant 0 : i32
      %dma_wait3A_275 = arith.constant 0 : i32
      %dma_wait3A_276 = tpu.memref_slice %arg3[%dma_wait3A_274, %dma_wait3A_275] : memref<100000x768xf32, #tpu.memory_space<hbm>> -> memref<100000x768xf32, #tpu.memory_space<hbm>>
      tpu.wait_indirect_dma semaphore(%arg11 : memref<!tpu.dma_semaphore, #tpu.memory_space<semaphore_mem>>) src(%dma_wait3A_276 : memref<100000x768xf32, #tpu.memory_space<hbm>>) dst(%dma_wait3A_272 : memref<64x768xf32, #tpu.memory_space<vmem>>)
      %mul3A_277 = arith.constant 64 : i32
      %mul3A_278 = arith.muli %mul3A_243, %mul3A_277 : i32
      %dma_start3A_279 = arith.constant 0 : i32
      %dma_start3A_280 = arith.constant 0 : i32
      %dma_start3A_281 = arith.constant 0 : i32
      %dma_start3A_282 = tpu.memref_slice %arg9[%dma_start3A_279, %dma_start3A_280, %dma_start3A_281] : memref<2x64x768xf32, #tpu.memory_space<vmem>> -> memref<1x64x768xf32, #tpu.memory_space<vmem>>
      %dma_start3A_283 = tpu.memref_squeeze %dma_start3A_282 : memref<1x64x768xf32, #tpu.memory_space<vmem>> -> memref<64x768xf32, #tpu.memory_space<vmem>>
      %dma_start3A_284 = tpu.memref_slice %arg7[%mul3A_278] : memref<592xi32, #tpu.memory_space<vmem>> -> memref<64xi32, #tpu.memory_space<vmem>>
      %dma_start3A_285 = arith.constant 0 : i32
      %dma_start3A_286 = arith.constant 0 : i32
      %dma_start3A_287 = tpu.memref_slice %arg4[%dma_start3A_285, %dma_start3A_286] : memref<16384x768xf32, #tpu.memory_space<hbm>> -> memref<16384x768xf32, #tpu.memory_space<hbm>>
      tpu.enqueue_indirect_dma source(%dma_start3A_283 : memref<64x768xf32, #tpu.memory_space<vmem>>) target(%dma_start3A_287 : memref<16384x768xf32, #tpu.memory_space<hbm>>) offsets(%dma_start3A_284 : memref<64xi32, #tpu.memory_space<vmem>>) semaphore(%arg13 : memref<!tpu.dma_semaphore, #tpu.memory_space<semaphore_mem>>)
      %add3A_288 = arith.constant 1 : i32
      %add3A_289 = arith.addi %mul3A_243, %add3A_288 : i32
      %mul3A_290 = arith.constant 64 : i32
      %mul3A_291 = arith.muli %add3A_289, %mul3A_290 : i32
      %dma_wait3A_292 = arith.constant 1 : i32
      %dma_wait3A_293 = arith.constant 0 : i32
      %dma_wait3A_294 = arith.constant 0 : i32
      %dma_wait3A_295 = tpu.memref_slice %arg9[%dma_wait3A_292, %dma_wait3A_293, %dma_wait3A_294] : memref<2x64x768xf32, #tpu.memory_space<vmem>> -> memref<1x64x768xf32, #tpu.memory_space<vmem>>
      %dma_wait3A_296 = tpu.memref_squeeze %dma_wait3A_295 : memref<1x64x768xf32, #tpu.memory_space<vmem>> -> memref<64x768xf32, #tpu.memory_space<vmem>>
      %dma_wait3A_297 = tpu.memref_slice %arg6[%mul3A_291] : memref<592xi32, #tpu.memory_space<vmem>> -> memref<64xi32, #tpu.memory_space<vmem>>
      %dma_wait3A_298 = arith.constant 0 : i32
      %dma_wait3A_299 = arith.constant 0 : i32
      %dma_wait3A_300 = tpu.memref_slice %arg3[%dma_wait3A_298, %dma_wait3A_299] : memref<100000x768xf32, #tpu.memory_space<hbm>> -> memref<100000x768xf32, #tpu.memory_space<hbm>>
      tpu.wait_indirect_dma semaphore(%arg12 : memref<!tpu.dma_semaphore, #tpu.memory_space<semaphore_mem>>) src(%dma_wait3A_300 : memref<100000x768xf32, #tpu.memory_space<hbm>>) dst(%dma_wait3A_296 : memref<64x768xf32, #tpu.memory_space<vmem>>)
      %add3A_301 = arith.constant 1 : i32
      %add3A_302 = arith.addi %mul3A_243, %add3A_301 : i32
      %mul3A_303 = arith.constant 64 : i32
      %mul3A_304 = arith.muli %add3A_302, %mul3A_303 : i32
      %dma_start3A_305 = arith.constant 1 : i32
      %dma_start3A_306 = arith.constant 0 : i32
      %dma_start3A_307 = arith.constant 0 : i32
      %dma_start3A_308 = tpu.memref_slice %arg9[%dma_start3A_305, %dma_start3A_306, %dma_start3A_307] : memref<2x64x768xf32, #tpu.memory_space<vmem>> -> memref<1x64x768xf32, #tpu.memory_space<vmem>>
      %dma_start3A_309 = tpu.memref_squeeze %dma_start3A_308 : memref<1x64x768xf32, #tpu.memory_space<vmem>> -> memref<64x768xf32, #tpu.memory_space<vmem>>
      %dma_start3A_310 = tpu.memref_slice %arg7[%mul3A_304] : memref<592xi32, #tpu.memory_space<vmem>> -> memref<64xi32, #tpu.memory_space<vmem>>
      %dma_start3A_311 = arith.constant 0 : i32
      %dma_start3A_312 = arith.constant 0 : i32
      %dma_start3A_313 = tpu.memref_slice %arg4[%dma_start3A_311, %dma_start3A_312] : memref<16384x768xf32, #tpu.memory_space<hbm>> -> memref<16384x768xf32, #tpu.memory_space<hbm>>
      tpu.enqueue_indirect_dma source(%dma_start3A_309 : memref<64x768xf32, #tpu.memory_space<vmem>>) target(%dma_start3A_313 : memref<16384x768xf32, #tpu.memory_space<hbm>>) offsets(%dma_start3A_310 : memref<64xi32, #tpu.memory_space<vmem>>) semaphore(%arg14 : memref<!tpu.dma_semaphore, #tpu.memory_space<semaphore_mem>>)
      %mul3A_314 = arith.constant 64 : i32
      %mul3A_315 = arith.muli %mul3A_243, %mul3A_314 : i32
      %dma_wait3A_316 = arith.constant 0 : i32
      %dma_wait3A_317 = arith.constant 0 : i32
      %dma_wait3A_318 = arith.constant 0 : i32
      %dma_wait3A_319 = tpu.memref_slice %arg9[%dma_wait3A_316, %dma_wait3A_317, %dma_wait3A_318] : memref<2x64x768xf32, #tpu.memory_space<vmem>> -> memref<1x64x768xf32, #tpu.memory_space<vmem>>
      %dma_wait3A_320 = tpu.memref_squeeze %dma_wait3A_319 : memref<1x64x768xf32, #tpu.memory_space<vmem>> -> memref<64x768xf32, #tpu.memory_space<vmem>>
      %dma_wait3A_321 = tpu.memref_slice %arg7[%mul3A_315] : memref<592xi32, #tpu.memory_space<vmem>> -> memref<64xi32, #tpu.memory_space<vmem>>
      %dma_wait3A_322 = arith.constant 0 : i32
      %dma_wait3A_323 = arith.constant 0 : i32
      %dma_wait3A_324 = tpu.memref_slice %arg4[%dma_wait3A_322, %dma_wait3A_323] : memref<16384x768xf32, #tpu.memory_space<hbm>> -> memref<16384x768xf32, #tpu.memory_space<hbm>>
      tpu.wait_indirect_dma semaphore(%arg13 : memref<!tpu.dma_semaphore, #tpu.memory_space<semaphore_mem>>) src(%dma_wait3A_320 : memref<64x768xf32, #tpu.memory_space<vmem>>) dst(%dma_wait3A_324 : memref<16384x768xf32, #tpu.memory_space<hbm>>)
      %add3A_325 = arith.constant 1 : i32
      %add3A_326 = arith.addi %mul3A_243, %add3A_325 : i32
      %mul3A_327 = arith.constant 64 : i32
      %mul3A_328 = arith.muli %add3A_326, %mul3A_327 : i32
      %dma_wait3A_329 = arith.constant 1 : i32
      %dma_wait3A_330 = arith.constant 0 : i32
      %dma_wait3A_331 = arith.constant 0 : i32
      %dma_wait3A_332 = tpu.memref_slice %arg9[%dma_wait3A_329, %dma_wait3A_330, %dma_wait3A_331] : memref<2x64x768xf32, #tpu.memory_space<vmem>> -> memref<1x64x768xf32, #tpu.memory_space<vmem>>
      %dma_wait3A_333 = tpu.memref_squeeze %dma_wait3A_332 : memref<1x64x768xf32, #tpu.memory_space<vmem>> -> memref<64x768xf32, #tpu.memory_space<vmem>>
      %dma_wait3A_334 = tpu.memref_slice %arg7[%mul3A_328] : memref<592xi32, #tpu.memory_space<vmem>> -> memref<64xi32, #tpu.memory_space<vmem>>
      %dma_wait3A_335 = arith.constant 0 : i32
      %dma_wait3A_336 = arith.constant 0 : i32
      %dma_wait3A_337 = tpu.memref_slice %arg4[%dma_wait3A_335, %dma_wait3A_336] : memref<16384x768xf32, #tpu.memory_space<hbm>> -> memref<16384x768xf32, #tpu.memory_space<hbm>>
      tpu.wait_indirect_dma semaphore(%arg14 : memref<!tpu.dma_semaphore, #tpu.memory_space<semaphore_mem>>) src(%dma_wait3A_333 : memref<64x768xf32, #tpu.memory_space<vmem>>) dst(%dma_wait3A_337 : memref<16384x768xf32, #tpu.memory_space<hbm>>)
      %while3A_338 = arith.constant 0 : i32
      scf.yield %while3A_338 : i32
    }
    %while3A_200 = arith.constant 1 : i32
    %while3A_201 = scf.for %while3A_240 = %while3A_197 to %while3A_193 step %while3A_200 iter_args(%while3A_241 = %while3A_199) -> (i32)  : i32 {
      %mul3A_242 = arith.constant 2 : i32
      %mul3A_243 = arith.muli %mul3A_242, %while3A_240 : i32
      %mul3A_244 = arith.constant 64 : i32
      %mul3A_245 = arith.muli %mul3A_243, %mul3A_244 : i32
      %dma_start3A = arith.constant 0 : i32
      %dma_start3A_246 = arith.constant 0 : i32
      %dma_start3A_247 = arith.constant 0 : i32
      %dma_start3A_248 = tpu.memref_slice %arg9[%dma_start3A, %dma_start3A_246, %dma_start3A_247] : memref<2x64x768xf32, #tpu.memory_space<vmem>> -> memref<1x64x768xf32, #tpu.memory_space<vmem>>
      %dma_start3A_249 = tpu.memref_squeeze %dma_start3A_248 : memref<1x64x768xf32, #tpu.memory_space<vmem>> -> memref<64x768xf32, #tpu.memory_space<vmem>>
      %dma_start3A_250 = tpu.memref_slice %arg6[%mul3A_245] : memref<592xi32, #tpu.memory_space<vmem>> -> memref<64xi32, #tpu.memory_space<vmem>>
      %dma_start3A_251 = arith.constant 0 : i32
      %dma_start3A_252 = arith.constant 0 : i32
      %dma_start3A_253 = tpu.memref_slice %arg3[%dma_start3A_251, %dma_start3A_252] : memref<100000x768xf32, #tpu.memory_space<hbm>> -> memref<100000x768xf32, #tpu.memory_space<hbm>>
      tpu.enqueue_indirect_dma source(%dma_start3A_253 : memref<100000x768xf32, #tpu.memory_space<hbm>>) target(%dma_start3A_249 : memref<64x768xf32, #tpu.memory_space<vmem>>) offsets(%dma_start3A_250 : memref<64xi32, #tpu.memory_space<vmem>>) semaphore(%arg11 : memref<!tpu.dma_semaphore, #tpu.memory_space<semaphore_mem>>)
      %add3A_254 = arith.constant 1 : i32
      %add3A_255 = arith.addi %mul3A_243, %add3A_254 : i32
      %mul3A_256 = arith.constant 64 : i32
      %mul3A_257 = arith.muli %add3A_255, %mul3A_256 : i32
      %dma_start3A_258 = arith.constant 1 : i32
      %dma_start3A_259 = arith.constant 0 : i32
      %dma_start3A_260 = arith.constant 0 : i32
      %dma_start3A_261 = tpu.memref_slice %arg9[%dma_start3A_258, %dma_start3A_259, %dma_start3A_260] : memref<2x64x768xf32, #tpu.memory_space<vmem>> -> memref<1x64x768xf32, #tpu.memory_space<vmem>>
      %dma_start3A_262 = tpu.memref_squeeze %dma_start3A_261 : memref<1x64x768xf32, #tpu.memory_space<vmem>> -> memref<64x768xf32, #tpu.memory_space<vmem>>
      %dma_start3A_263 = tpu.memref_slice %arg6[%mul3A_257] : memref<592xi32, #tpu.memory_space<vmem>> -> memref<64xi32, #tpu.memory_space<vmem>>
      %dma_start3A_264 = arith.constant 0 : i32
      %dma_start3A_265 = arith.constant 0 : i32
      %dma_start3A_266 = tpu.memref_slice %arg3[%dma_start3A_264, %dma_start3A_265] : memref<100000x768xf32, #tpu.memory_space<hbm>> -> memref<100000x768xf32, #tpu.memory_space<hbm>>
      tpu.enqueue_indirect_dma source(%dma_start3A_266 : memref<100000x768xf32, #tpu.memory_space<hbm>>) target(%dma_start3A_262 : memref<64x768xf32, #tpu.memory_space<vmem>>) offsets(%dma_start3A_263 : memref<64xi32, #tpu.memory_space<vmem>>) semaphore(%arg12 : memref<!tpu.dma_semaphore, #tpu.memory_space<semaphore_mem>>)
      %mul3A_267 = arith.constant 64 : i32
      %mul3A_268 = arith.muli %mul3A_243, %mul3A_267 : i32
      %dma_wait3A = arith.constant 0 : i32
      %dma_wait3A_269 = arith.constant 0 : i32
      %dma_wait3A_270 = arith.constant 0 : i32
      %dma_wait3A_271 = tpu.memref_slice %arg9[%dma_wait3A, %dma_wait3A_269, %dma_wait3A_270] : memref<2x64x768xf32, #tpu.memory_space<vmem>> -> memref<1x64x768xf32, #tpu.memory_space<vmem>>
      %dma_wait3A_272 = tpu.memref_squeeze %dma_wait3A_271 : memref<1x64x768xf32, #tpu.memory_space<vmem>> -> memref<64x768xf32, #tpu.memory_space<vmem>>
      %dma_wait3A_273 = tpu.memref_slice %arg6[%mul3A_268] : memref<592xi32, #tpu.memory_space<vmem>> -> memref<64xi32, #tpu.memory_space<vmem>>
      %dma_wait3A_274 = arith.constant 0 : i32
      %dma_wait3A_275 = arith.constant 0 : i32
      %dma_wait3A_276 = tpu.memref_slice %arg3[%dma_wait3A_274, %dma_wait3A_275] : memref<100000x768xf32, #tpu.memory_space<hbm>> -> memref<100000x768xf32, #tpu.memory_space<hbm>>
      tpu.wait_indirect_dma semaphore(%arg11 : memref<!tpu.dma_semaphore, #tpu.memory_space<semaphore_mem>>) src(%dma_wait3A_276 : memref<100000x768xf32, #tpu.memory_space<hbm>>) dst(%dma_wait3A_272 : memref<64x768xf32, #tpu.memory_space<vmem>>)
      %mul3A_277 = arith.constant 64 : i32
      %mul3A_278 = arith.muli %mul3A_243, %mul3A_277 : i32
      %dma_start3A_279 = arith.constant 0 : i32
      %dma_start3A_280 = arith.constant 0 : i32
      %dma_start3A_281 = arith.constant 0 : i32
      %dma_start3A_282 = tpu.memref_slice %arg9[%dma_start3A_279, %dma_start3A_280, %dma_start3A_281] : memref<2x64x768xf32, #tpu.memory_space<vmem>> -> memref<1x64x768xf32, #tpu.memory_space<vmem>>
      %dma_start3A_283 = tpu.memref_squeeze %dma_start3A_282 : memref<1x64x768xf32, #tpu.memory_space<vmem>> -> memref<64x768xf32, #tpu.memory_space<vmem>>
      %dma_start3A_284 = tpu.memref_slice %arg7[%mul3A_278] : memref<592xi32, #tpu.memory_space<vmem>> -> memref<64xi32, #tpu.memory_space<vmem>>
      %dma_start3A_285 = arith.constant 0 : i32
      %dma_start3A_286 = arith.constant 0 : i32
      %dma_start3A_287 = tpu.memref_slice %arg4[%dma_start3A_285, %dma_start3A_286] : memref<16384x768xf32, #tpu.memory_space<hbm>> -> memref<16384x768xf32, #tpu.memory_space<hbm>>
      tpu.enqueue_indirect_dma source(%dma_start3A_283 : memref<64x768xf32, #tpu.memory_space<vmem>>) target(%dma_start3A_287 : memref<16384x768xf32, #tpu.memory_space<hbm>>) offsets(%dma_start3A_284 : memref<64xi32, #tpu.memory_space<vmem>>) semaphore(%arg13 : memref<!tpu.dma_semaphore, #tpu.memory_space<semaphore_mem>>)
      %add3A_288 = arith.constant 1 : i32
      %add3A_289 = arith.addi %mul3A_243, %add3A_288 : i32
      %mul3A_290 = arith.constant 64 : i32
      %mul3A_291 = arith.muli %add3A_289, %mul3A_290 : i32
      %dma_wait3A_292 = arith.constant 1 : i32
      %dma_wait3A_293 = arith.constant 0 : i32
      %dma_wait3A_294 = arith.constant 0 : i32
      %dma_wait3A_295 = tpu.memref_slice %arg9[%dma_wait3A_292, %dma_wait3A_293, %dma_wait3A_294] : memref<2x64x768xf32, #tpu.memory_space<vmem>> -> memref<1x64x768xf32, #tpu.memory_space<vmem>>
      %dma_wait3A_296 = tpu.memref_squeeze %dma_wait3A_295 : memref<1x64x768xf32, #tpu.memory_space<vmem>> -> memref<64x768xf32, #tpu.memory_space<vmem>>
      %dma_wait3A_297 = tpu.memref_slice %arg6[%mul3A_291] : memref<592xi32, #tpu.memory_space<vmem>> -> memref<64xi32, #tpu.memory_space<vmem>>
      %dma_wait3A_298 = arith.constant 0 : i32
      %dma_wait3A_299 = arith.constant 0 : i32
      %dma_wait3A_300 = tpu.memref_slice %arg3[%dma_wait3A_298, %dma_wait3A_299] : memref<100000x768xf32, #tpu.memory_space<hbm>> -> memref<100000x768xf32, #tpu.memory_space<hbm>>
      tpu.wait_indirect_dma semaphore(%arg12 : memref<!tpu.dma_semaphore, #tpu.memory_space<semaphore_mem>>) src(%dma_wait3A_300 : memref<100000x768xf32, #tpu.memory_space<hbm>>) dst(%dma_wait3A_296 : memref<64x768xf32, #tpu.memory_space<vmem>>)
      %add3A_301 = arith.constant 1 : i32
      %add3A_302 = arith.addi %mul3A_243, %add3A_301 : i32
      %mul3A_303 = arith.constant 64 : i32
      %mul3A_304 = arith.muli %add3A_302, %mul3A_303 : i32
      %dma_start3A_305 = arith.constant 1 : i32
      %dma_start3A_306 = arith.constant 0 : i32
      %dma_start3A_307 = arith.constant 0 : i32
      %dma_start3A_308 = tpu.memref_slice %arg9[%dma_start3A_305, %dma_start3A_306, %dma_start3A_307] : memref<2x64x768xf32, #tpu.memory_space<vmem>> -> memref<1x64x768xf32, #tpu.memory_space<vmem>>
      %dma_start3A_309 = tpu.memref_squeeze %dma_start3A_308 : memref<1x64x768xf32, #tpu.memory_space<vmem>> -> memref<64x768xf32, #tpu.memory_space<vmem>>
      %dma_start3A_310 = tpu.memref_slice %arg7[%mul3A_304] : memref<592xi32, #tpu.memory_space<vmem>> -> memref<64xi32, #tpu.memory_space<vmem>>
      %dma_start3A_311 = arith.constant 0 : i32
      %dma_start3A_312 = arith.constant 0 : i32
      %dma_start3A_313 = tpu.memref_slice %arg4[%dma_start3A_311, %dma_start3A_312] : memref<16384x768xf32, #tpu.memory_space<hbm>> -> memref<16384x768xf32, #tpu.memory_space<hbm>>
      tpu.enqueue_indirect_dma source(%dma_start3A_309 : memref<64x768xf32, #tpu.memory_space<vmem>>) target(%dma_start3A_313 : memref<16384x768xf32, #tpu.memory_space<hbm>>) offsets(%dma_start3A_310 : memref<64xi32, #tpu.memory_space<vmem>>) semaphore(%arg14 : memref<!tpu.dma_semaphore, #tpu.memory_space<semaphore_mem>>)
      %mul3A_314 = arith.constant 64 : i32
      %mul3A_315 = arith.muli %mul3A_243, %mul3A_314 : i32
      %dma_wait3A_316 = arith.constant 0 : i32
      %dma_wait3A_317 = arith.constant 0 : i32
      %dma_wait3A_318 = arith.constant 0 : i32
      %dma_wait3A_319 = tpu.memref_slice %arg9[%dma_wait3A_316, %dma_wait3A_317, %dma_wait3A_318] : memref<2x64x768xf32, #tpu.memory_space<vmem>> -> memref<1x64x768xf32, #tpu.memory_space<vmem>>
      %dma_wait3A_320 = tpu.memref_squeeze %dma_wait3A_319 : memref<1x64x768xf32, #tpu.memory_space<vmem>> -> memref<64x768xf32, #tpu.memory_space<vmem>>
      %dma_wait3A_321 = tpu.memref_slice %arg7[%mul3A_315] : memref<592xi32, #tpu.memory_space<vmem>> -> memref<64xi32, #tpu.memory_space<vmem>>
      %dma_wait3A_322 = arith.constant 0 : i32
      %dma_wait3A_323 = arith.constant 0 : i32
      %dma_wait3A_324 = tpu.memref_slice %arg4[%dma_wait3A_322, %dma_wait3A_323] : memref<16384x768xf32, #tpu.memory_space<hbm>> -> memref<16384x768xf32, #tpu.memory_space<hbm>>
      tpu.wait_indirect_dma semaphore(%arg13 : memref<!tpu.dma_semaphore, #tpu.memory_space<semaphore_mem>>) src(%dma_wait3A_320 : memref<64x768xf32, #tpu.memory_space<vmem>>) dst(%dma_wait3A_324 : memref<16384x768xf32, #tpu.memory_space<hbm>>)
      %add3A_325 = arith.constant 1 : i32
      %add3A_326 = arith.addi %mul3A_243, %add3A_325 : i32
      %mul3A_327 = arith.constant 64 : i32
      %mul3A_328 = arith.muli %add3A_326, %mul3A_327 : i32
      %dma_wait3A_329 = arith.constant 1 : i32
      %dma_wait3A_330 = arith.constant 0 : i32
      %dma_wait3A_331 = arith.constant 0 : i32
      %dma_wait3A_332 = tpu.memref_slice %arg9[%dma_wait3A_329, %dma_wait3A_330, %dma_wait3A_331] : memref<2x64x768xf32, #tpu.memory_space<vmem>> -> memref<1x64x768xf32, #tpu.memory_space<vmem>>
      %dma_wait3A_333 = tpu.memref_squeeze %dma_wait3A_332 : memref<1x64x768xf32, #tpu.memory_space<vmem>> -> memref<64x768xf32, #tpu.memory_space<vmem>>
      %dma_wait3A_334 = tpu.memref_slice %arg7[%mul3A_328] : memref<592xi32, #tpu.memory_space<vmem>> -> memref<64xi32, #tpu.memory_space<vmem>>
      %dma_wait3A_335 = arith.constant 0 : i32
      %dma_wait3A_336 = arith.constant 0 : i32
      %dma_wait3A_337 = tpu.memref_slice %arg4[%dma_wait3A_335, %dma_wait3A_336] : memref<16384x768xf32, #tpu.memory_space<hbm>> -> memref<16384x768xf32, #tpu.memory_space<hbm>>
      tpu.wait_indirect_dma semaphore(%arg14 : memref<!tpu.dma_semaphore, #tpu.memory_space<semaphore_mem>>) src(%dma_wait3A_333 : memref<64x768xf32, #tpu.memory_space<vmem>>) dst(%dma_wait3A_337 : memref<16384x768xf32, #tpu.memory_space<hbm>>)
      %while3A_338 = arith.constant 0 : i32
      scf.yield %while3A_338 : i32
    }
    %jit3A_202 = arith.constant 2 : i32
    %eq3A = arith.constant 0 : i32
    %eq3A_203 = arith.cmpi eq, %jit3A_202, %eq3A : i32
    %jit3A_204 = arith.constant 1 : i32
    %select_n3A_205 = arith.select %eq3A_203, %jit3A_204, %jit3A_202 : i32
    %rem3A_206 = arith.remsi %select_n3A_165, %select_n3A_205 : i32
    %ne3A_207 = arith.constant 0 : i32
    %ne3A_208 = arith.cmpi ne, %rem3A_206, %ne3A_207 : i32
    %lt3A = arith.constant 0 : i32
    %lt3A_209 = arith.cmpi slt, %rem3A_206, %lt3A : i32
    %lt3A_210 = arith.constant 0 : i32
    %lt3A_211 = arith.cmpi slt, %select_n3A_205, %lt3A_210 : i32
    %ne3A_212 = arith.xori %lt3A_209, %lt3A_211 : i1
    %and3A_213 = arith.andi %ne3A_212, %ne3A_208 : i1
    %add3A_214 = arith.addi %rem3A_206, %select_n3A_205 : i32
    %select_n3A_215 = arith.select %and3A_213, %add3A_214, %rem3A_206 : i32
    %eq3A_216 = arith.constant 1 : i32
    %eq3A_217 = arith.cmpi eq, %select_n3A_215, %eq3A_216 : i32
    %convert_element_type3A = arith.extui %eq3A_217 : i1 to i32
    %cond3A = arith.constant 0 : i32
    %cond3A_218 = arith.cmpi ne, %convert_element_type3A, %cond3A : i32
    scf.if %cond3A_218 {
      %sub3A_240 = arith.constant 1 : i32
      %sub3A_241 = arith.subi %select_n3A_165, %sub3A_240 : i32
      %mul3A_242 = arith.constant 64 : i32
      %mul3A_243 = arith.muli %sub3A_241, %mul3A_242 : i32
      %dma_start3A = arith.constant 0 : i32
      %dma_start3A_244 = arith.constant 0 : i32
      %dma_start3A_245 = arith.constant 0 : i32
      %dma_start3A_246 = tpu.memref_slice %arg9[%dma_start3A, %dma_start3A_244, %dma_start3A_245] : memref<2x64x768xf32, #tpu.memory_space<vmem>> -> memref<1x64x768xf32, #tpu.memory_space<vmem>>
      %dma_start3A_247 = tpu.memref_squeeze %dma_start3A_246 : memref<1x64x768xf32, #tpu.memory_space<vmem>> -> memref<64x768xf32, #tpu.memory_space<vmem>>
      %dma_start3A_248 = tpu.memref_slice %arg6[%mul3A_243] : memref<592xi32, #tpu.memory_space<vmem>> -> memref<64xi32, #tpu.memory_space<vmem>>
      %dma_start3A_249 = arith.constant 0 : i32
      %dma_start3A_250 = arith.constant 0 : i32
      %dma_start3A_251 = tpu.memref_slice %arg3[%dma_start3A_249, %dma_start3A_250] : memref<100000x768xf32, #tpu.memory_space<hbm>> -> memref<100000x768xf32, #tpu.memory_space<hbm>>
      tpu.enqueue_indirect_dma source(%dma_start3A_251 : memref<100000x768xf32, #tpu.memory_space<hbm>>) target(%dma_start3A_247 : memref<64x768xf32, #tpu.memory_space<vmem>>) offsets(%dma_start3A_248 : memref<64xi32, #tpu.memory_space<vmem>>) semaphore(%arg11 : memref<!tpu.dma_semaphore, #tpu.memory_space<semaphore_mem>>)
      %mul3A_252 = arith.constant 64 : i32
      %mul3A_253 = arith.muli %sub3A_241, %mul3A_252 : i32
      %dma_wait3A = arith.constant 0 : i32
      %dma_wait3A_254 = arith.constant 0 : i32
      %dma_wait3A_255 = arith.constant 0 : i32
      %dma_wait3A_256 = tpu.memref_slice %arg9[%dma_wait3A, %dma_wait3A_254, %dma_wait3A_255] : memref<2x64x768xf32, #tpu.memory_space<vmem>> -> memref<1x64x768xf32, #tpu.memory_space<vmem>>
      %dma_wait3A_257 = tpu.memref_squeeze %dma_wait3A_256 : memref<1x64x768xf32, #tpu.memory_space<vmem>> -> memref<64x768xf32, #tpu.memory_space<vmem>>
      %dma_wait3A_258 = tpu.memref_slice %arg6[%mul3A_253] : memref<592xi32, #tpu.memory_space<vmem>> -> memref<64xi32, #tpu.memory_space<vmem>>
      %dma_wait3A_259 = arith.constant 0 : i32
      %dma_wait3A_260 = arith.constant 0 : i32
      %dma_wait3A_261 = tpu.memref_slice %arg3[%dma_wait3A_259, %dma_wait3A_260] : memref<100000x768xf32, #tpu.memory_space<hbm>> -> memref<100000x768xf32, #tpu.memory_space<hbm>>
      tpu.wait_indirect_dma semaphore(%arg11 : memref<!tpu.dma_semaphore, #tpu.memory_space<semaphore_mem>>) src(%dma_wait3A_261 : memref<100000x768xf32, #tpu.memory_space<hbm>>) dst(%dma_wait3A_257 : memref<64x768xf32, #tpu.memory_space<vmem>>)
      %mul3A_262 = arith.constant 64 : i32
      %mul3A_263 = arith.muli %sub3A_241, %mul3A_262 : i32
      %dma_start3A_264 = arith.constant 0 : i32
      %dma_start3A_265 = arith.constant 0 : i32
      %dma_start3A_266 = arith.constant 0 : i32
      %dma_start3A_267 = tpu.memref_slice %arg9[%dma_start3A_264, %dma_start3A_265, %dma_start3A_266] : memref<2x64x768xf32, #tpu.memory_space<vmem>> -> memref<1x64x768xf32, #tpu.memory_space<vmem>>
      %dma_start3A_268 = tpu.memref_squeeze %dma_start3A_267 : memref<1x64x768xf32, #tpu.memory_space<vmem>> -> memref<64x768xf32, #tpu.memory_space<vmem>>
      %dma_start3A_269 = tpu.memref_slice %arg7[%mul3A_263] : memref<592xi32, #tpu.memory_space<vmem>> -> memref<64xi32, #tpu.memory_space<vmem>>
      %dma_start3A_270 = arith.constant 0 : i32
      %dma_start3A_271 = arith.constant 0 : i32
      %dma_start3A_272 = tpu.memref_slice %arg4[%dma_start3A_270, %dma_start3A_271] : memref<16384x768xf32, #tpu.memory_space<hbm>> -> memref<16384x768xf32, #tpu.memory_space<hbm>>
      tpu.enqueue_indirect_dma source(%dma_start3A_268 : memref<64x768xf32, #tpu.memory_space<vmem>>) target(%dma_start3A_272 : memref<16384x768xf32, #tpu.memory_space<hbm>>) offsets(%dma_start3A_269 : memref<64xi32, #tpu.memory_space<vmem>>) semaphore(%arg13 : memref<!tpu.dma_semaphore, #tpu.memory_space<semaphore_mem>>)
      %mul3A_273 = arith.constant 64 : i32
      %mul3A_274 = arith.muli %sub3A_241, %mul3A_273 : i32
      %dma_wait3A_275 = arith.constant 0 : i32
      %dma_wait3A_276 = arith.constant 0 : i32
      %dma_wait3A_277 = arith.constant 0 : i32
      %dma_wait3A_278 = tpu.memref_slice %arg9[%dma_wait3A_275, %dma_wait3A_276, %dma_wait3A_277] : memref<2x64x768xf32, #tpu.memory_space<vmem>> -> memref<1x64x768xf32, #tpu.memory_space<vmem>>
      %dma_wait3A_279 = tpu.memref_squeeze %dma_wait3A_278 : memref<1x64x768xf32, #tpu.memory_space<vmem>> -> memref<64x768xf32, #tpu.memory_space<vmem>>
      %dma_wait3A_280 = tpu.memref_slice %arg7[%mul3A_274] : memref<592xi32, #tpu.memory_space<vmem>> -> memref<64xi32, #tpu.memory_space<vmem>>
      %dma_wait3A_281 = arith.constant 0 : i32
      %dma_wait3A_282 = arith.constant 0 : i32
      %dma_wait3A_283 = tpu.memref_slice %arg4[%dma_wait3A_281, %dma_wait3A_282] : memref<16384x768xf32, #tpu.memory_space<hbm>> -> memref<16384x768xf32, #tpu.memory_space<hbm>>
      tpu.wait_indirect_dma semaphore(%arg13 : memref<!tpu.dma_semaphore, #tpu.memory_space<semaphore_mem>>) src(%dma_wait3A_279 : memref<64x768xf32, #tpu.memory_space<vmem>>) dst(%dma_wait3A_283 : memref<16384x768xf32, #tpu.memory_space<hbm>>)
    } else {
    }
    %ge3A = arith.constant 1 : i32
    %ge3A_219 = arith.cmpi sge, %select_n3A, %ge3A : i32
    %convert_element_type3A_220 = arith.extui %ge3A_219 : i1 to i32
    %cond3A_221 = arith.constant 0 : i32
    %cond3A_222 = arith.cmpi ne, %convert_element_type3A_220, %cond3A_221 : i32
    scf.if %cond3A_222 {
      %dma_start3A = arith.constant 0 : i32
      %dma_start3A_240 = tpu.memref_slice %arg8[%dma_start3A] : memref<560xi32, #tpu.memory_space<vmem>> -> memref<32xi32, #tpu.memory_space<vmem>>
      %dma_start3A_241 = arith.constant 0 : i32
      %dma_start3A_242 = arith.constant 0 : i32
      %dma_start3A_243 = tpu.memref_slice %arg4[%dma_start3A_241, %dma_start3A_242] : memref<16384x768xf32, #tpu.memory_space<hbm>> -> memref<16384x768xf32, #tpu.memory_space<hbm>>
      tpu.enqueue_indirect_dma source(%arg10 : memref<32x768xf32, #tpu.memory_space<vmem>>) target(%dma_start3A_243 : memref<16384x768xf32, #tpu.memory_space<hbm>>) offsets(%dma_start3A_240 : memref<32xi32, #tpu.memory_space<vmem>>) semaphore(%arg15 : memref<!tpu.dma_semaphore, #tpu.memory_space<semaphore_mem>>)
    } else {
    }
    %ge3A_223 = arith.constant 2 : i32
    %ge3A_224 = arith.cmpi sge, %select_n3A, %ge3A_223 : i32
    %convert_element_type3A_225 = arith.extui %ge3A_224 : i1 to i32
    %cond3A_226 = arith.constant 0 : i32
    %cond3A_227 = arith.cmpi ne, %convert_element_type3A_225, %cond3A_226 : i32
    scf.if %cond3A_227 {
      %sub3A_240 = arith.constant 1 : i32
      %sub3A_241 = arith.subi %select_n3A, %sub3A_240 : i32
      %mul3A_242 = arith.constant 32 : i32
      %mul3A_243 = arith.muli %sub3A_241, %mul3A_242 : i32
      %dma_start3A = tpu.memref_slice %arg8[%mul3A_243] : memref<560xi32, #tpu.memory_space<vmem>> -> memref<32xi32, #tpu.memory_space<vmem>>
      %dma_start3A_244 = arith.constant 0 : i32
      %dma_start3A_245 = arith.constant 0 : i32
      %dma_start3A_246 = tpu.memref_slice %arg4[%dma_start3A_244, %dma_start3A_245] : memref<16384x768xf32, #tpu.memory_space<hbm>> -> memref<16384x768xf32, #tpu.memory_space<hbm>>
      tpu.enqueue_indirect_dma source(%arg10 : memref<32x768xf32, #tpu.memory_space<vmem>>) target(%dma_start3A_246 : memref<16384x768xf32, #tpu.memory_space<hbm>>) offsets(%dma_start3A : memref<32xi32, #tpu.memory_space<vmem>>) semaphore(%arg15 : memref<!tpu.dma_semaphore, #tpu.memory_space<semaphore_mem>>)
    } else {
    }
    %while3A_228 = arith.constant 0 : i32
    %while3A_229 = arith.constant 0 : i32
    %while3A_230 = arith.subi %select_n3A, %while3A_228 : i32
    %while3A_231 = arith.addi %while3A_228, %while3A_230 : i32
    %while3A_232 = arith.constant 1 : i32
    %while3A_233 = arith.divsi %while3A_230, %while3A_232 : i32
    %while3A_234 = arith.muli %while3A_233, %while3A_232 : i32
    %while3A_235 = arith.addi %while3A_228, %while3A_234 : i32
    %while3A_236 = arith.constant 1 : i32
    %while3A_237 = scf.for %while3A_240 = %while3A_228 to %while3A_235 step %while3A_236 iter_args(%while3A_241 = %while3A_229) -> (i32)  : i32 {
      %dma_wait3A = arith.constant 0 : i32
      %dma_wait3A_242 = tpu.memref_slice %arg8[%dma_wait3A] : memref<560xi32, #tpu.memory_space<vmem>> -> memref<32xi32, #tpu.memory_space<vmem>>
      %dma_wait3A_243 = arith.constant 0 : i32
      %dma_wait3A_244 = arith.constant 0 : i32
      %dma_wait3A_245 = tpu.memref_slice %arg4[%dma_wait3A_243, %dma_wait3A_244] : memref<16384x768xf32, #tpu.memory_space<hbm>> -> memref<16384x768xf32, #tpu.memory_space<hbm>>
      tpu.wait_indirect_dma semaphore(%arg15 : memref<!tpu.dma_semaphore, #tpu.memory_space<semaphore_mem>>) src(%arg10 : memref<32x768xf32, #tpu.memory_space<vmem>>) dst(%dma_wait3A_245 : memref<16384x768xf32, #tpu.memory_space<hbm>>)
      %while3A_246 = arith.constant 0 : i32
      scf.yield %while3A_246 : i32
    }
    %while3A_238 = arith.constant 1 : i32
    %while3A_239 = scf.for %while3A_240 = %while3A_235 to %while3A_231 step %while3A_238 iter_args(%while3A_241 = %while3A_237) -> (i32)  : i32 {
      %dma_wait3A = arith.constant 0 : i32
      %dma_wait3A_242 = tpu.memref_slice %arg8[%dma_wait3A] : memref<560xi32, #tpu.memory_space<vmem>> -> memref<32xi32, #tpu.memory_space<vmem>>
      %dma_wait3A_243 = arith.constant 0 : i32
      %dma_wait3A_244 = arith.constant 0 : i32
      %dma_wait3A_245 = tpu.memref_slice %arg4[%dma_wait3A_243, %dma_wait3A_244] : memref<16384x768xf32, #tpu.memory_space<hbm>> -> memref<16384x768xf32, #tpu.memory_space<hbm>>
      tpu.wait_indirect_dma semaphore(%arg15 : memref<!tpu.dma_semaphore, #tpu.memory_space<semaphore_mem>>) src(%arg10 : memref<32x768xf32, #tpu.memory_space<vmem>>) dst(%dma_wait3A_245 : memref<16384x768xf32, #tpu.memory_space<hbm>>)
      %while3A_246 = arith.constant 0 : i32
      scf.yield %while3A_246 : i32
    }
    return
  }
}

</mosaic_0001>

<sc_bundles>
// kernel: kernel.3.cloned.1.call-start
scs
__scs_entry_jumppad:
0x0: {  	(pc) =	sbr.rel $0x88, $3  }
0x1: {  	(tag) =	ssettag $0x0;
	lr =	simm.s32 $0x1  }
0x2: {  	[smem:$0x3F9F] =	sst lr;
	_ =	strace $0xD0000000  }
0x3: {  	_ = 	snop  }
0x4: {  	_ = 	snop  }
0x5: {  	_ = 	snop  }
0x6: {  	_ = 	snop  }
0x7: {  	_ = 	snop  }
__scs_overlays_trampoline_lowered:
0x8: {  	[smem:$0x3FAE] =	sst s0  }
0x9: {  	[smem:$0x3FAF] =	sst s1  }
0xa: {  	[smem:$0x3FB0] =	sst s2  }
0xb: {  	[smem:$0x3FB1] =	sst s3  }
0xc: {  	[smem:$0x3FB2] =	sst s4  }
0xd: {  	[smem:$0x3FB3] =	sst s5  }
0xe: {  	[smem:$0x3FB4] =	sst s6  }
0xf: {  	[smem:$0x3FB5] =	sst s7  }
0x10: {  	[smem:$0x3FB6] =	sst s8  }
0x11: {  	[smem:$0x3FB7] =	sst s9;
	s0 =	simm.s32 @!p0 $0x0  }
0x12: {  	s1 =	sld [smem:$0x3F9D];
	s0 =	simm.s32 @p0 $0x1  }
0x13: {  	[smem:$0x3FB8] =	sst s0;
	s0 =	simm.s32 @!p1 $0x0  }
0x14: {  	s2 =	sld [smem:$0x3F9C];
	s0 =	simm.s32 @p1 $0x1  }
0x15: {  	[smem:$0x3FB9] =	sst s0;
	s0 =	simm.s32 @!p2 $0x0  }
0x16: {  	s3 =	sld [smem:$0x3FDB];
	s0 =	simm.s32 @p2 $0x1  }
0x17: {  	s4 =	simm.s32 $0x1BF5;
	[smem:$0x3FBB] =	sst s0  }
0x18: {  	s0 =	sld [smem:$0x3F9E];
	_ =	swait.ge [sflag:s4], $0x0  }
0x19: {  	s7 =	sld [smem:$0x3F9F]  }
0x1a: {  	s8 =	sadd.s32 $0xFFFFE003, lr  }
0x1b: {  	s9 =	sadd.s32 $0xFFFFFEF7, lr;
	s5 =	simm.s32 $0xFFFFFFFF;
	p2 =	slt.u32 s8, $0xFFFFF086  }
0x1c: {  	p1 =	slt.u32 s9, $0xF7A;
	s5 =	simm.s32 @!p2 $0x0  }
0x1d: {  	s5 =	simm.s32 @p1 $0x1;
	p0 =	seq.s32 s7, s2  }
0x1e: {  	s7 =	smul.u32 @!p0 $0xF7A, s2;
	p2 =	seq.s32 @!p0 s5, $0x0  }
0x1f: {  	s9 =	smul.u32 $0xF7A, s1;
	s8 =	simm.s32 @!p0 $0x1BF5;
	p2 =	por !p2, p0  }
0x20: {  	[sflag:s8] =	ssyncset.s32 @!p0 $0xFFFFF086;
	s6 =	sadd.s32 @!p0 s3, s7;
	s7 =	simm.s32 @!p0 $0x108  }
0x21: {  	s3 =	sadd.s32 s3, s9;
	s6 =	sadd.s32 @!p0 $0x88, s6;
	s7 =	simm.s32 @p2 $0x1082  }
0x22: {  	[simem:s7], [sflag:s8] =	dma.local @!p0 [hbm:s6], $0xF7A  }
0x23: {  	s9 =	sor.u32 $0xD0000000, s2;
	s6 =	simm.s32 $0x108;
	_ =	swait.ge @!p0 [sflag:s8], $0x0  }
0x24: {  	s3 =	sadd.s32 $0x88, s3;
	s6 =	simm.s32 @!p1 $0x1082;
	[sflag:s4] =	ssyncset.s32 $0xFFFFF086  }
0x25: {  	[simem:s6], [sflag:s4] =	dma.local [hbm:s3], $0xF7A  }
0x26: {  	[smem:$0x3F9F] =	sst s1;
	(tag) =	ssettag s2;
	_ =	strace s9  }
0x27: {  	s1 =	sld [smem:$0x3FAF]  }
0x28: {  	s2 =	sld [smem:$0x3FB0]  }
0x29: {  	s4 =	sld [smem:$0x3FB2]  }
0x2a: {  	p0 =	seq.s32 s5, $0x0;
	s5 =	sld [smem:$0x3FB3]  }
0x2b: {  	s6 =	sld [smem:$0x3FB4]  }
0x2c: {  	s7 =	sld [smem:$0x3FB5]  }
0x2d: {  	s3 =	simm.s32 $0x108;
	s8 =	sld [smem:$0x3FB6]  }
0x2e: {  	s3 =	simm.s32 @!p0 $0x1082;
	s9 =	sld [smem:$0x3FB7]  }
0x2f: {  	lr =	sadd.s32 s0, s3;
	s0 =	sld [smem:$0x3FAE]  }
0x30: {  	s3 =	sld [smem:$0x3FB1]  }
0x31: {  	[smem:$0x3FBA] =	sst s10  }
0x32: {  	s10 =	sld [smem:$0x3FB8];
	_ =	sdelay $0x3  }
0x33: {  	p0 =	seq.s32 s10, $0x1;
	s10 =	sld [smem:$0x3FBA];
	_ =	sdelay $0x3  }
0x34: {  	[smem:$0x3FBA] =	sst s10  }
0x35: {  	s10 =	sld [smem:$0x3FB9];
	_ =	sdelay $0x3  }
0x36: {  	p1 =	seq.s32 s10, $0x1;
	s10 =	sld [smem:$0x3FBA];
	_ =	sdelay $0x3  }
0x37: {  	[smem:$0x3FBA] =	sst s10  }
0x38: {  	s10 =	sld [smem:$0x3FBB]  }
0x39: {  	_ = 	snop;
	(pc) =	sbr.ind lr, $3  }
0x3a: {  	_ = 	snop  }
0x3b: {  	_ = 	snop  }
0x3c: {  	p2 =	seq.s32 s10, $0x1;
	s10 =	sld [smem:$0x3FBA]  }
0x3d: {  	_ =	shalt  }
0x3e: {  	_ =	shalt  }
0x3f: {  	_ =	shalt  }
0x40: {  	_ =	shalt  }
0x41: {  	_ =	shalt  }
0x42: {  	_ =	shalt  }
0x43: {  	_ =	shalt  }
0x44: {  	_ =	shalt  }
0x45: {  	_ =	shalt  }
0x46: {  	_ =	shalt  }
0x47: {  	_ =	shalt  }
0x48: {  	_ =	shalt  }
0x49: {  	_ =	shalt  }
0x4a: {  	_ =	shalt  }
0x4b: {  	_ =	shalt  }
0x4c: {  	_ =	shalt  }
0x4d: {  	_ =	shalt  }
0x4e: {  	_ =	shalt  }
0x4f: {  	_ =	shalt  }
0x50: {  	_ =	shalt  }
0x51: {  	_ =	shalt  }
0x52: {  	_ =	shalt  }
0x53: {  	_ =	shalt  }
0x54: {  	_ =	shalt  }
0x55: {  	_ =	shalt  }
0x56: {  	_ =	shalt  }
0x57: {  	_ =	shalt  }
0x58: {  	_ =	shalt  }
0x59: {  	_ =	shalt  }
0x5a: {  	_ =	shalt  }
0x5b: {  	_ =	shalt  }
0x5c: {  	_ =	shalt  }
0x5d: {  	_ =	shalt  }
0x5e: {  	_ =	shalt  }
0x5f: {  	_ =	shalt  }
0x60: {  	_ =	shalt  }
0x61: {  	_ =	shalt  }
0x62: {  	_ =	shalt  }
0x63: {  	_ =	shalt  }
0x64: {  	_ =	shalt  }
0x65: {  	_ =	shalt  }
0x66: {  	_ =	shalt  }
0x67: {  	_ =	shalt  }
0x68: {  	_ =	shalt  }
0x69: {  	_ =	shalt  }
0x6a: {  	_ =	shalt  }
0x6b: {  	_ =	shalt  }
0x6c: {  	_ =	shalt  }
0x6d: {  	_ =	shalt  }
0x6e: {  	_ =	shalt  }
0x6f: {  	_ =	shalt  }
0x70: {  	_ =	shalt  }
0x71: {  	_ =	shalt  }
0x72: {  	_ =	shalt  }
0x73: {  	_ =	shalt  }
0x74: {  	_ =	shalt  }
0x75: {  	_ =	shalt  }
0x76: {  	_ =	shalt  }
0x77: {  	_ =	shalt  }
0x78: {  	_ =	shalt  }
0x79: {  	_ =	shalt  }
0x7a: {  	_ =	shalt  }
0x7b: {  	_ =	shalt  }
0x7c: {  	_ =	shalt  }
0x7d: {  	_ =	shalt  }
0x7e: {  	_ =	shalt  }
0x7f: {  	_ =	shalt  }
0x80: {  	_ =	shalt  }
0x81: {  	_ =	shalt  }
0x82: {  	_ =	shalt  }
0x83: {  	_ =	shalt  }
0x84: {  	_ =	shalt  }
0x85: {  	_ =	shalt  }
0x86: {  	_ =	shalt  }
0x87: {  	_ =	shalt  }
.Lfunc_end0:
.L_simem_size_0:
called_computation_lowered:
.L_overlay_start_0:
0x88: {  	s2 =	sld [smem:$0x3FD9]  }
0x89: {  	s3 =	sld [smem:$0x3FFE];
	_ =	sdelay $0x1  }
0x8a: {  	s1 =	srdreg.scid  }
0x8b: {  	s0 =	sand.u32 $0x1, s1  }
0x8c: {  	s18 =	sshll.u32 s0, $0xA;
	s2 =	sadd.s32 s3, s2  }
0x8d: {  	s2 =	sadd.s32 s2, s18  }
0x8e: {  	[smem:$0x3FC6] =	sst s2  }
0x8f: {  	_ = 	snop  }
0x90: {  	s2 =	sld [smem:$0x3FC9]  }
0x91: {  	s19 =	sld [smem:$0x3FC8]  }
0x92: {  	s4 =	sld [smem:$0x3FD0];
	(tm) =	ssettm $0x1  }
0x93: {  	s5 =	sld [smem:$0x3FFB];
	_ =	sdelay $0x3  }
0x94: {  	_ =	strace s5  }
0x95: {  	s5 =	sld [smem:$0x3FFC];
	_ =	sdelay $0x3  }
0x96: {  	_ =	strace s5  }
0x97: {  	s5 =	sld [smem:$0x3FFD];
	_ =	sdelay $0x3  }
0x98: {  	_ =	strace s5  }
0x99: {  	_ =	strace $0x8FFFFFFF  }
0x9a: {  	s20 =	sld [smem:$0x3FDB];
	_ =	sdelay $0x1  }
0x9b: {  	s6 =	simm.s32 $_scs_section_size  }
0x9c: {  	s7 =	simm.s32 $_size__tile_overlayer_lowered;
	s8 =	simm.s32 $_tile_overlayer_lowered  }
0x9d: {  	s23 =	simm.s32 $0x1BFF;
	s22 =	sshll.u32 s8, $0x1;
	s5 =	sadd.s32 s6, s20  }
0x9e: {  	s9 =	simm.s32 $0x0;
	s21 =	sshll.u32 s7, $0x1;
	s7 =	sadd.s32 s22, s5  }
0x9f: {  	[timem:s9], [sflag:s23] =	dma.local [hbm:s7], s21  }
0xa0: {  	_ =	swait.ge [sflag:s23], s21  }
0xa1: {  	s6 =	ssub.s32 $0x0, s21;
	[sflag:s23] =	ssyncset.done $0x0  }
0xa2: {  	[sflag:s23] =	ssyncadd.s32 s6;
	_ =	sdelay $0x1  }
0xa3: {  	s24 =	simm.s32 $0x1B8B  }
0xa4: {  	_ =	swait.ge [sflag:s24], $0x1  }
0xa5: {  	[sflag:s24] =	ssyncset.done $0x0  }
0xa6: {  	s25 =	simm.s32 $0x1B8E;
	[sflag:s24] =	ssyncadd.s32 $0xFFFFFFFF  }
0xa7: {  	s26 =	simm.s32 $execute0_lowered;
	[smem:$0x3FD2] =	sst s25  }
0xa8: {  	s6 =	sshll.u32 s26, $0x1;
	_ =	strace $0x80000046;
	[dreg:$0x1] =	wrdreg $0xFFFFFFFF  }
0xa9: {  	s28 =	simm.s32 $_size_execute0_lowered;
	s5 =	sadd.s32 s5, s6;
	[dreg:$0x0] =	wrdreg $0x0  }
0xaa: {  	s6 =	sshll.u32 s28, $0x1;
	[dreg:$0x2] =	wrdreg s5  }
0xab: {  	[dreg:$0x3] =	wrdreg s6  }
0xac: {  	[dreg:$0x4] =	wrdreg $0xC0  }
0xad: {  	_ =	task [dreg:s9], $0x5FFFF  }
0xae: {  	[dreg:$0x1] =	wrdreg $0xFFFFFFFF  }
0xaf: {  	[dreg:$0x0] =	wrdreg $0x60  }
0xb0: {  	[dreg:$0x2] =	wrdreg s2  }
0xb1: {  	[dreg:$0x3] =	wrdreg s19  }
0xb2: {  	[dreg:$0x4] =	wrdreg s4  }
0xb3: {  	[dreg:$0x5] =	wrdreg $0x9  }
0xb4: {  	_ =	task.clear_ibuf [dreg:s9], $0x6FFFF;
	_ =	strace $0x90000046  }
0xb5: {  	s29 =	simm.s32 $0x9;
	_ =	strace $0x80000048  }
0xb6: {  	_ =	swait.ge [sflag:s29], $0x1  }
0xb7: {  	[sflag:s29] =	ssyncadd.s32 $0xFFFFFFFF  }
0xb8: {  	_ =	strace $0x90000048  }
0xb9: {  	_ =	sfence  }
0xba: {  	s30 =	sld [smem:$0x0];
	_ =	sdelay $0x2  }
0xbb: {  	s31 =	sshll.u32 s1, $0xD;
	s1 =	sshrl.u32 s1, $0x2  }
0xbc: {  	s3 =	sand.u32 $0x4000, s31;
	s1 =	sadd.s32 s1, s30  }
0xbd: {  	s0 =	sor.u32 s3, s0;
	s1 =	sshll.u32 s1, $0x11  }
0xbe: {  	s0 =	sor.u32 s1, s0  }
0xbf: {  	s0 =	sadd.s32 $0x8F2B, s0  }
0xc0: {  	[sflag:s0] =	ssyncadd.remote.s32 $0x1  }
0xc1: {  	_ =	sfence.sel $0xFFFF  }
0xc2: {  	[dreg:$0x0] =	wrdreg $0xFFFFFFFF;
	(pc) =	sbr.abs _section_cstart, $3  }
0xc3: {  	[dreg:$0x1] =	wrdreg $0xFFFFFFFF  }
0xc4: {  	_ =	task.clear_ibuf [dreg:s9], $0x2FFFF;
	_ =	strace $0x9FFFFFFF  }
0xc5: {  	(tm) =	ssettm $0x7FFFFFFF  }
tec
execute0_lowered:
.L_overlay_start_1:
0x0: {  	(tag) =	ssettag $0x1  }
0x1: {  	s1 =	rddreg [dreg:$0x0]  }
0x2: {  	s2 =	rddreg [dreg:$0x1];
	s0 =	srdreg.scid  }
0x3: {  	s9 =	stileid.u32;
	s3 =	rddreg [dreg:$0x2]  }
0x4: {  	s4 =	simm.s32 $0x0;
	s30 =	simm.s32 $0x5;
	s13 =	sand.u32 $0x1, s0  }
0x5: {  	s26 =	sshll.u32 s9, $0x1;
	[smem:$0x7FF] =	sst s4;
	s8 =	sadd.s32 $0x100, s3  }
0x6: {  	s12 =	sshll.u32 s9, $0xA;
	s31 =	sadd.s32 $0x100, s2;
	s2 =	sadd.s32 $0x200, s2  }
0x7: {  	s5 =	sor.u32 s13, s26;
	s6 =	ssub.s32 $0x2, s13;
	_ =	strace $0x80000047  }
0x8: {  	s13 =	sshll.u32 s13, $0x9;
	[dreg:$0xa] =	wrdreg s31;
	s0 =	smul.u32 $0x600, s5  }
.Ltmp0:
0x9: {  	s5 =	sshll.u32 s5, $0x6;
	s12 =	sor.u32 s13, s12;
	(pc) =	sbr.rel .LBB2_1-.Ltmp0, $4  }
0xa: {  	v7 =	vlaneseq.u32;
	v4 =	vimm.f32 $0.0e+00;
	s7 =	sshrl.u32 s6, $0x1;
	s1 =	sadd.s32 s1, s5;
	[dreg:$0x4] =	wrdreg s12  }
0xb: {  	vm0 =	vmmov $0xffff;
	v5 =	vand.u32 $0x7, v7;
	v6 =	vshrl.u32 v7, $0x3;
	s11 =	ssub.s32 s6, s7;
	[dreg:$0x5] =	wrdreg s1;
	s28 =	sor.u32 $0x10, s0  }
0xc: {  	v6 =	vmul.u32 $0x8, v6;
	s29 =	sor.u32 $0x20, s0;
	s10 =	sor.u32 $0x30, s0;
	s11 =	smax.u32 s11, $0x1;
	v0 =	vor.u32 s0, v7;
	v1 =	vor.u32 s28, v7  }
0xd: {  	s7 =	sadd.s32 $0x200, s3;
	s0 =	simm.s32 $0x0;
	[dreg:$0x6] =	wrdreg s11;
	v2 =	vor.u32 s29, v7;
	v3 =	vor.u32 s10, v7;
	v7 =	vor.u32 $0x8, v7  }
.LBB2_16:
0xe: {  	[sflag:s30] =	ssyncadd.s32 $0xFFFFA000  }
.LBB2_17:
0xf: {  	s0 =	sadd.s32 $0x1, s0;
	s1 =	rddreg [dreg:$0x6]  }
0x10: {  	p0 =	sne.s32 s0, s1  }
.Ltmp1:
0x11: {  	_ = 	snop;
	(pc) =	sbr.rel @!p0 .LBB2_18-.Ltmp1, $1  }
0x12: {  	_ =	sdelay $0x3  }
.LBB2_1:
0x13: {  	s1 =	simm.s32 $0x0  }
0x14: {  	s1 =	smul.u32 $0x6000, s1;
	_ =	sdelay $0x1  }
0x15: {  	s10 =	sand.u32 $0x380, s4;
	s1 =	sshra.s32 s1, $0x2  }
0x16: {  	s1 =	sor.u32 s10, s1  }
0x17: {  	s10 =	sadd.s32 $0x18980, s1;
	[tilespmem:s1+$0x18980] =	vst v4  }
0x18: {  	[tilespmem:s10+$0x470] =	vst v4  }
0x19: {  	[tilespmem:s10+$0x460] =	vst v4  }
0x1a: {  	[tilespmem:s10+$0x450] =	vst v4  }
0x1b: {  	[tilespmem:s10+$0x440] =	vst v4  }
0x1c: {  	[tilespmem:s10+$0x420] =	vst v4  }
0x1d: {  	[tilespmem:s10+$0x430] =	vst v4  }
0x1e: {  	[tilespmem:s10+$0x400] =	vst v4  }
0x1f: {  	[tilespmem:s10+$0x410] =	vst v4  }
0x20: {  	[tilespmem:s10+$0x60] =	vst v4  }
0x21: {  	[tilespmem:s10+$0x50] =	vst v4  }
0x22: {  	[tilespmem:s10+$0x40] =	vst v4  }
0x23: {  	[tilespmem:s10+$0x30] =	vst v4  }
0x24: {  	[tilespmem:s10+$0x20] =	vst v4  }
0x25: {  	[tilespmem:s10+$0x70] =	vst v4  }
0x26: {  	s28 =	sadd.s32 $0x19180, s1;
	[tilespmem:s10+$0x10] =	vst v4  }
0x27: {  	[tilespmem:s28+$0x70] =	vst v4  }
0x28: {  	[tilespmem:s28+$0x60] =	vst v4  }
0x29: {  	[tilespmem:s1+$0x19180] =	vst v4  }
0x2a: {  	[tilespmem:s28+$0x50] =	vst v4  }
0x2b: {  	[tilespmem:s28+$0x40] =	vst v4  }
0x2c: {  	[tilespmem:s28+$0x30] =	vst v4  }
0x2d: {  	[tilespmem:s28+$0x20] =	vst v4  }
0x2e: {  	s29 =	sadd.s32 $0x19580, s1;
	[tilespmem:s28+$0x10] =	vst v4  }
0x2f: {  	[tilespmem:s29+$0x70] =	vst v4  }
0x30: {  	[tilespmem:s29+$0x60] =	vst v4  }
0x31: {  	[tilespmem:s29+$0x50] =	vst v4  }
0x32: {  	[tilespmem:s1+$0x19580] =	vst v4  }
0x33: {  	[tilespmem:s29+$0x40] =	vst v4  }
0x34: {  	[tilespmem:s29+$0x20] =	vst v4  }
0x35: {  	[tilespmem:s29+$0x30] =	vst v4  }
0x36: {  	s31 =	sadd.s32 $0x19980, s1;
	[tilespmem:s29+$0x10] =	vst v4  }
0x37: {  	[tilespmem:s31+$0x70] =	vst v4  }
0x38: {  	[tilespmem:s31+$0x60] =	vst v4  }
0x39: {  	[tilespmem:s31+$0x50] =	vst v4  }
0x3a: {  	[tilespmem:s1+$0x19980] =	vst v4  }
0x3b: {  	[tilespmem:s31+$0x40] =	vst v4  }
0x3c: {  	[tilespmem:s31+$0x30] =	vst v4  }
0x3d: {  	[tilespmem:s31+$0x10] =	vst v4  }
0x3e: {  	s13 =	sadd.s32 $0x19D80, s1;
	[tilespmem:s31+$0x20] =	vst v4  }
0x3f: {  	[tilespmem:s13+$0x70] =	vst v4  }
0x40: {  	[tilespmem:s13+$0x40] =	vst v4  }
0x41: {  	s14 =	simm.s32 $0x1;
	s10 =	simm.s32 $0x0;
	[tilespmem:s13+$0x60] =	vst v4  }
.LBB2_2:
0x42: {  	s15 =	sshrl.u32 s14, $0x3  }
0x43: {  	[tilespmem:s1+$0x19D80] =	vst v4;
	s10 =	sadd.s32 $0x80, s10;
	s1 =	smov.u32 s14;
	s11 =	sadd.s32 $0x1, s14  }
0x44: {  	p0 =	sne.s32 s14, $0x1F;
	s1 =	smul.u32 $0x6000, s15;
	[tilespmem:s13+$0x20] =	vst v4  }
0x45: {  	[tilespmem:s13+$0x30] =	vst v4  }
0x46: {  	s14 =	sand.u32 $0x380, s10;
	s1 =	sshra.s32 s1, $0x2;
	[tilespmem:s13+$0x10] =	vst v4  }
0x47: {  	s1 =	sor.u32 s14, s1;
	[tilespmem:s13+$0x50] =	vst v4  }
0x48: {  	s13 =	sadd.s32 $0x18980, s1;
	[tilespmem:s1+$0x18980] =	vst v4  }
0x49: {  	[tilespmem:s13+$0x470] =	vst v4  }
0x4a: {  	[tilespmem:s13+$0x460] =	vst v4  }
0x4b: {  	[tilespmem:s13+$0x450] =	vst v4  }
0x4c: {  	[tilespmem:s13+$0x440] =	vst v4  }
0x4d: {  	[tilespmem:s13+$0x420] =	vst v4  }
0x4e: {  	[tilespmem:s13+$0x430] =	vst v4  }
0x4f: {  	[tilespmem:s13+$0x400] =	vst v4  }
0x50: {  	[tilespmem:s13+$0x410] =	vst v4  }
0x51: {  	[tilespmem:s13+$0x60] =	vst v4  }
0x52: {  	[tilespmem:s13+$0x50] =	vst v4  }
0x53: {  	[tilespmem:s13+$0x40] =	vst v4  }
0x54: {  	[tilespmem:s13+$0x30] =	vst v4  }
0x55: {  	[tilespmem:s13+$0x20] =	vst v4  }
0x56: {  	[tilespmem:s13+$0x70] =	vst v4  }
0x57: {  	[tilespmem:s13+$0x10] =	vst v4;
	s13 =	sadd.s32 $0x19180, s1  }
0x58: {  	[tilespmem:s13+$0x70] =	vst v4  }
0x59: {  	[tilespmem:s13+$0x60] =	vst v4  }
0x5a: {  	[tilespmem:s1+$0x19180] =	vst v4  }
0x5b: {  	[tilespmem:s13+$0x30] =	vst v4  }
0x5c: {  	[tilespmem:s13+$0x20] =	vst v4  }
0x5d: {  	[tilespmem:s13+$0x10] =	vst v4  }
0x5e: {  	[tilespmem:s13+$0x50] =	vst v4  }
0x5f: {  	[tilespmem:s13+$0x40] =	vst v4;
	s13 =	sadd.s32 $0x19580, s1  }
0x60: {  	[tilespmem:s13+$0x70] =	vst v4  }
0x61: {  	[tilespmem:s13+$0x60] =	vst v4  }
0x62: {  	[tilespmem:s13+$0x50] =	vst v4  }
0x63: {  	[tilespmem:s1+$0x19580] =	vst v4  }
0x64: {  	[tilespmem:s13+$0x20] =	vst v4  }
0x65: {  	[tilespmem:s13+$0x30] =	vst v4  }
0x66: {  	[tilespmem:s13+$0x10] =	vst v4  }
0x67: {  	[tilespmem:s13+$0x40] =	vst v4;
	s13 =	sadd.s32 $0x19980, s1  }
0x68: {  	[tilespmem:s13+$0x70] =	vst v4  }
0x69: {  	[tilespmem:s13+$0x60] =	vst v4  }
0x6a: {  	[tilespmem:s13+$0x50] =	vst v4  }
0x6b: {  	[tilespmem:s1+$0x19980] =	vst v4  }
0x6c: {  	[tilespmem:s13+$0x30] =	vst v4  }
0x6d: {  	[tilespmem:s13+$0x10] =	vst v4  }
.Ltmp2:
0x6e: {  	[tilespmem:s13+$0x40] =	vst v4;
	(pc) =	sbr.rel @p0 .LBB2_2-.Ltmp2, $4  }
0x6f: {  	[tilespmem:s13+$0x20] =	vst v4;
	s13 =	sadd.s32 $0x19D80, s1  }
0x70: {  	[tilespmem:s13+$0x70] =	vst v4  }
0x71: {  	[tilespmem:s13+$0x40] =	vst v4  }
0x72: {  	s14 =	smov.u32 s11;
	[tilespmem:s13+$0x60] =	vst v4  }
0x73: {  	[tilespmem:s1+$0x19D80] =	vst v4  }
0x74: {  	[tilespmem:s13+$0x50] =	vst v4  }
0x75: {  	[tilespmem:s13+$0x20] =	vst v4  }
0x76: {  	[tilespmem:s13+$0x30] =	vst v4  }
0x77: {  	s28 =	rddreg [dreg:$0x5];
	s11 =	simm.s32 $0x6;
	[tilespmem:s13+$0x10] =	vst v4;
	s13 =	simm.s32 $0x0  }
0x78: {  	[tilespmem:s13], [sflag:$0x6] =	stream.linear.gather [hbm4b:s28+s13], $0x200, $0x38;
	[tilespmem:$0x1E980] =	vst v63  }
0x79: {  	_ =	swait.ge [sflag:s11], $0x200  }
0x7a: {  	s14 =	simm.s32 $0x10;
	s17 =	simm.s32 $0x0;
	s29 =	rddreg [dreg:$0x4]  }
0x7b: {  	s18 =	simm.s32 $0x0;
	[sflag:s11] =	ssyncset.done $0x0;
	s10 =	sadd.s32 $0x0, s29  }
0x7c: {  	[sflag:s11] =	ssyncadd.s32 $0xFFFFFE00;
	s15 =	sadd.s32 $0x1, s10;
	s31 =	sadd.s32 $0x3, s10  }
0x7d: {  	s26 =	sadd.s32 $0x4, s10;
	s1 =	sadd.s32 $0x2, s10;
	s11 =	sadd.s32 $0x8, s10;
	v8 =	vld [tilespmem:s13+$0x0]  }
.LBB2_4:
0x7e: {  	_ =	sdelay $0x3  }
0x7f: {  	(v2sf) =	vpush v8, $0x0;
	_ =	sdelay $0x1  }
0x80: {  	(v2sf) =	vpush v8, $0x2  }
0x81: {  	(v2sf) =	vpush v8, $0x5;
	_ =	sdelay $0x1  }
0x82: {  	(v2sf) =	vpush v8, $0x1  }
0x83: {  	(v2sf) =	vpush v8, $0x3;
	_ =	sdelay $0x2  }
0x84: {  	(v2sf) =	vpush v8, $0x4;
	_ =	sdelay $0x1  }
0x85: {  	(v2sf) =	vpush v8, $0x6  }
0x86: {  	s16 =	smov.u32 s14;
	s14 =	sadd.s32 $0x10, s14  }
0x87: {  	p0 =	sne.s32 s14, $0x200;
	(v2sf) =	vpush v8, $0x7  }
0x88: {  	s21 =	simm.s32 $0x1;
	s29 =	simm.s32 $0x1;
	s5 =	simm.s32 @!p0 $0x0;
	(v2sf) =	vpush v8, $0x8  }
0x89: {  	s23 =	simm.s32 $0x1;
	s5 =	simm.s32 @p0 $0x1;
	s19 =	spop (v2sf)  }
0x8a: {  	[smem:$0x7FD] =	sst s5;
	p0 =	sgt.s32 s19, $0x1869F;
	p1 =	slt.s32 s19, $0x186A0  }
0x8b: {  	s20 =	spop (v2sf);
	s19 =	simm.s32 $0x1;
	s21 =	simm.s32 @!p1 $0x0  }
0x8c: {  	(v2sf) =	vpush v8, $0x9;
	p2 =	slt.s32 s20, $0x186A0;
	s12 =	spop (v2sf);
	s29 =	simm.s32 @!p0 $0x0  }
0x8d: {  	(v2sf) =	vpush v8, $0xA;
	v9 =	vmov @p0 s10;
	v10 =	vbroadcast @!p0 v8, $0x0;
	p6 =	sgt.s32 s20, $0x1869F;
	s20 =	simm.s32 $0x1;
	p1 =	slt.s32 s12, $0x186A0  }
0x8e: {  	[tilespmem:s17+$0x700] =	vst @p0 v9;
	s22 =	spop (v2sf);
	s17 =	sadd.s32 s29, s17;
	s20 =	simm.s32 @!p6 $0x0  }
0x8f: {  	v9 =	vmov @!p0 s10;
	s5 =	simm.s32 @!p1 $0x0;
	[tilespmem:s18+$0x200] =	vst @!p0 v10;
	p3 =	slt.s32 s22, $0x186A0;
	s25 =	spop (v2sf)  }
0x90: {  	[tilespmem:s18+$0x480] =	vst @!p0 v9;
	s18 =	sadd.s32 s21, s18;
	s21 =	simm.s32 $0x1;
	s5 =	simm.s32 @p1 $0x1  }
0x91: {  	(v2sf) =	vpush v8, $0xB;
	p1 =	sgt.s32 s22, $0x1869F;
	s23 =	simm.s32 @!p3 $0x0;
	p4 =	slt.s32 s25, $0x186A0  }
0x92: {  	s24 =	spop (v2sf);
	p0 =	sgt.s32 s25, $0x1869F;
	s22 =	simm.s32 $0x1  }
0x93: {  	(v2sf) =	vpush v8, $0xC;
	s25 =	sadd.s32 $0x7, s10;
	[smem:$0x7F6] =	sst s5;
	v9 =	vmov @p1 s15;
	v11 =	vmov @!p1 s15;
	s15 =	sadd.s32 $0x6, s10  }
0x94: {  	(v2sf) =	vpush v8, $0xD;
	v10 =	vbroadcast @!p1 v8, $0x1;
	s21 =	simm.s32 @!p1 $0x0;
	p3 =	slt.s32 s24, $0x186A0;
	s28 =	spop (v2sf)  }
0x95: {  	s22 =	simm.s32 @!p2 $0x0;
	[tilespmem:s17+$0x700] =	vst @p1 v9;
	s17 =	sadd.s32 s21, s17;
	s21 =	sadd.s32 $0x5, s10  }
0x96: {  	p5 =	slt.s32 s28, $0x186A0;
	s6 =	spop (v2sf);
	s19 =	simm.s32 @!p3 $0x0;
	[tilespmem:s18+$0x200] =	vst @!p1 v10  }
0x97: {  	v9 =	vmov @p6 s1;
	[tilespmem:s18+$0x480] =	vst @!p1 v11;
	v10 =	vbroadcast @!p6 v8, $0x2;
	v11 =	vmov @!p6 s1;
	s1 =	sadd.s32 s23, s18;
	p1 =	slt.s32 s6, $0x186A0;
	s9 =	spop (v2sf)  }
0x98: {  	s23 =	simm.s32 $0x1;
	[tilespmem:s17+$0x700] =	vst @p6 v9;
	s5 =	simm.s32 @!p1 $0x0;
	s17 =	sadd.s32 s20, s17  }
0x99: {  	(v2sf) =	vpush v8, $0xE;
	p2 =	slt.s32 s9, $0x186A0;
	s23 =	simm.s32 @!p4 $0x0;
	s20 =	simm.s32 $0x1;
	[tilespmem:s1+$0x200] =	vst @!p6 v10  }
0x9a: {  	v9 =	vmov @p0 s31;
	s5 =	simm.s32 @p1 $0x1;
	[tilespmem:s1+$0x480] =	vst @!p6 v11;
	s1 =	sadd.s32 s22, s1;
	s22 =	simm.s32 $0x1  }
0x9b: {  	v10 =	vbroadcast @!p0 v8, $0x3;
	v11 =	vmov @!p0 s31;
	s31 =	spop (v2sf);
	p1 =	sgt.s32 s24, $0x1869F;
	[tilespmem:s17+$0x700] =	vst @p0 v9;
	s22 =	simm.s32 @!p0 $0x0  }
0x9c: {  	s24 =	simm.s32 $0x1;
	v9 =	vmov @p1 s26;
	[tilespmem:s1+$0x480] =	vst @!p0 v11;
	s17 =	sadd.s32 s22, s17;
	v11 =	vmov @!p1 s26;
	s26 =	spop (v2sf)  }
0x9d: {  	[tilespmem:s1+$0x200] =	vst @!p0 v10;
	s22 =	sadd.s32 s23, s1;
	s23 =	simm.s32 $0x1;
	p0 =	slt.s32 s26, $0x186A0  }
0x9e: {  	[smem:$0x7F7] =	sst s5;
	v10 =	vbroadcast @!p1 v8, $0x4;
	s23 =	simm.s32 @!p1 $0x0;
	s1 =	simm.s32 @!p0 $0x0  }
0x9f: {  	(v2sf) =	vpush v8, $0xF;
	p6 =	slt.s32 s31, $0x186A0;
	[tilespmem:s17+$0x700] =	vst @p1 v9;
	s23 =	sadd.s32 s23, s17;
	s1 =	simm.s32 @p0 $0x1  }
0xa0: {  	[tilespmem:s22+$0x200] =	vst @!p1 v10;
	p0 =	sgt.s32 s12, $0x1869F;
	[smem:$0x7F8] =	sst s1;
	s1 =	spop (v2sf)  }
0xa1: {  	[tilespmem:s22+$0x480] =	vst @!p1 v11;
	s22 =	sadd.s32 s19, s22;
	s12 =	sld [smem:$0x7F6];
	v9 =	vmov @p0 s21;
	v10 =	vbroadcast @!p0 v8, $0x5;
	p4 =	slt.s32 s1, $0x186A0  }
0xa2: {  	s17 =	spop (v2sf);
	[tilespmem:s23+$0x700] =	vst @p0 v9;
	v9 =	vmov @!p0 s21;
	s21 =	simm.s32 $0x1;
	s5 =	simm.s32 @!p4 $0x0  }
0xa3: {  	p1 =	slt.s32 s17, $0x186A0;
	s19 =	spop (v2sf);
	[tilespmem:s22+$0x200] =	vst @!p0 v10;
	s21 =	simm.s32 @!p0 $0x0  }
0xa4: {  	[tilespmem:s22+$0x480] =	vst @!p0 v9;
	p0 =	seq.s32 s12, $0x1;
	s12 =	rddreg [dreg:$0x4];
	s5 =	simm.s32 @p4 $0x1  }
0xa5: {  	p3 =	slt.s32 s19, $0x186A0;
	[smem:$0x7F9] =	sst s5;
	s5 =	simm.s32 @!p1 $0x0  }
0xa6: {  	s24 =	simm.s32 @!p0 $0x0;
	s5 =	simm.s32 @p1 $0x1;
	p1 =	sgt.s32 s28, $0x1869F  }
0xa7: {  	s23 =	sadd.s32 s21, s23;
	s22 =	sadd.s32 s24, s22;
	s24 =	simm.s32 $0x1;
	v9 =	vmov @p1 s15;
	v10 =	vbroadcast @!p1 v8, $0x6  }
0xa8: {  	p0 =	sgt.s32 s6, $0x1869F;
	s21 =	spop (v2sf);
	s24 =	simm.s32 @!p5 $0x0;
	[tilespmem:s23+$0x700] =	vst @p1 v9  }
0xa9: {  	[smem:$0x7FA] =	sst s5;
	s5 =	simm.s32 @!p3 $0x0;
	v9 =	vmov @!p1 s15;
	s15 =	simm.s32 $0x1;
	[tilespmem:s22+$0x200] =	vst @!p1 v10  }
0xaa: {  	s5 =	simm.s32 @p3 $0x1;
	s15 =	simm.s32 @!p1 $0x0;
	[tilespmem:s22+$0x480] =	vst @!p1 v9;
	p1 =	slt.s32 s21, $0x186A0  }
0xab: {  	[smem:$0x7FB] =	sst s5;
	s23 =	sadd.s32 s15, s23;
	s5 =	simm.s32 @!p1 $0x0  }
0xac: {  	v9 =	vmov @p0 s25;
	v10 =	vbroadcast @!p0 v8, $0x7;
	s5 =	simm.s32 @p1 $0x1;
	p1 =	sgt.s32 s9, $0x1869F;
	s9 =	sld [smem:$0x7F7]  }
0xad: {  	s6 =	sadd.s32 s16, s12;
	s16 =	simm.s32 $0x1;
	s12 =	sadd.s32 s24, s22;
	[tilespmem:s23+$0x700] =	vst @p0 v9  }
0xae: {  	s16 =	simm.s32 @!p0 $0x0;
	s28 =	spop (v2sf);
	p4 =	sgt.s32 s21, $0x1869F;
	v9 =	vmov @!p0 s25;
	[tilespmem:s12+$0x200] =	vst @!p0 v10  }
0xaf: {  	s24 =	simm.s32 $0x1;
	p3 =	sgt.s32 s31, $0x1869F;
	[tilespmem:s12+$0x480] =	vst @!p0 v9;
	p0 =	seq.s32 s9, $0x1  }
0xb0: {  	s24 =	simm.s32 @!p2 $0x0;
	s22 =	sadd.s32 s16, s23;
	v9 =	vmov @p1 s11;
	v10 =	vbroadcast @!p1 v8, $0x8;
	s20 =	simm.s32 @!p0 $0x0  }
0xb1: {  	p2 =	sgt.s32 s17, $0x1869F;
	[tilespmem:s22+$0x700] =	vst @p1 v9;
	s12 =	sadd.s32 s20, s12;
	s20 =	simm.s32 $0x1  }
0xb2: {  	s17 =	sld [smem:$0x7F8];
	s23 =	sadd.s32 $0x9, s10;
	v11 =	vmov @!p1 s11;
	[tilespmem:s12+$0x200] =	vst @!p1 v10;
	s20 =	simm.s32 @!p1 $0x0  }
0xb3: {  	s21 =	simm.s32 $0x1;
	s25 =	sadd.s32 $0xB, s10;
	v9 =	vmov @p3 s23;
	[tilespmem:s12+$0x480] =	vst @!p1 v11;
	v10 =	vbroadcast @!p3 v8, $0x9;
	s22 =	sadd.s32 s20, s22  }
0xb4: {  	p0 =	sgt.s32 s26, $0x1869F;
	s12 =	sadd.s32 s24, s12;
	[tilespmem:s22+$0x700] =	vst @p3 v9;
	v9 =	vmov @!p3 s23;
	s23 =	simm.s32 $0x1  }
0xb5: {  	s26 =	simm.s32 $0x1;
	s24 =	sadd.s32 $0xA, s10;
	[tilespmem:s12+$0x200] =	vst @!p3 v10;
	s23 =	simm.s32 @!p3 $0x0  }
0xb6: {  	s26 =	simm.s32 @!p6 $0x0;
	p6 =	sgt.s32 s19, $0x1869F;
	[tilespmem:s12+$0x480] =	vst @!p3 v9;
	v9 =	vmov @p0 s24;
	v10 =	vbroadcast @!p0 v8, $0xA;
	s22 =	sadd.s32 s23, s22  }
0xb7: {  	s19 =	simm.s32 $0x1;
	s21 =	simm.s32 @!p0 $0x0;
	s12 =	sadd.s32 s26, s12;
	[tilespmem:s22+$0x700] =	vst @p0 v9  }
0xb8: {  	p1 =	sgt.s32 s1, $0x1869F;
	s1 =	simm.s32 $0x1;
	s23 =	sld [smem:$0x7F9];
	[tilespmem:s12+$0x200] =	vst @!p0 v10;
	v10 =	vmov @!p0 s24  }
0xb9: {  	[tilespmem:s12+$0x480] =	vst @!p0 v10;
	p0 =	seq.s32 s17, $0x1;
	s17 =	sadd.s32 s21, s22;
	s21 =	simm.s32 $0x1  }
0xba: {  	s20 =	sadd.s32 $0xC, s10;
	v10 =	vmov @p1 s25;
	s1 =	simm.s32 @!p0 $0x0;
	s21 =	simm.s32 @!p1 $0x0  }
0xbb: {  	[tilespmem:s17+$0x700] =	vst @p1 v10;
	s1 =	sadd.s32 s1, s12;
	s12 =	sadd.s32 s21, s17;
	s17 =	simm.s32 $0x1  }
0xbc: {  	v13 =	vbroadcast @!p1 v8, $0xB;
	p3 =	sgt.s32 s28, $0x1869F;
	p0 =	seq.s32 s23, $0x1;
	s17 =	simm.s32 @!p2 $0x0  }
0xbd: {  	s21 =	simm.s32 $0x1;
	s22 =	sadd.s32 s17, s12;
	s17 =	simm.s32 $0x1  }
0xbe: {  	s24 =	sld [smem:$0x7FA];
	v10 =	vmov @!p1 s25;
	[tilespmem:s1+$0x200] =	vst @!p1 v13;
	s21 =	simm.s32 @!p0 $0x0;
	s17 =	simm.s32 @!p6 $0x0  }
0xbf: {  	v11 =	vbroadcast @!p4 v8, $0xE;
	v12 =	vbroadcast @!p6 v8, $0xD;
	[tilespmem:s1+$0x480] =	vst @!p1 v10;
	s1 =	sadd.s32 s21, s1;
	s21 =	sadd.s32 s17, s22;
	s17 =	simm.s32 $0x1  }
0xc0: {  	s19 =	simm.s32 @!p3 $0x0;
	v9 =	vbroadcast @!p3 v8, $0xF;
	v8 =	vbroadcast @!p2 v8, $0xC;
	v10 =	vmov @p2 s20;
	s17 =	simm.s32 @!p4 $0x0  }
0xc1: {  	s25 =	sld [smem:$0x7FB];
	p0 =	seq.s32 s24, $0x1;
	[tilespmem:s12+$0x700] =	vst @p2 v10;
	s12 =	sadd.s32 s17, s21  }
0xc2: {  	[tilespmem:s1+$0x200] =	vst @!p2 v8;
	v8 =	vmov @!p2 s20;
	s20 =	sadd.s32 $0xD, s10;
	s17 =	sadd.s32 s19, s12;
	s19 =	simm.s32 $0x1  }
0xc3: {  	p5 =	slt.s32 s28, $0x186A0;
	[smem:$0x7FC] =	sst s5;
	[tilespmem:s1+$0x480] =	vst @!p2 v8;
	v8 =	vmov @p6 s20;
	s19 =	simm.s32 @!p0 $0x0  }
0xc4: {  	s11 =	sadd.s32 $0xE, s10;
	s28 =	sld [smem:$0x7FC];
	[tilespmem:s22+$0x700] =	vst @p6 v8;
	s1 =	sadd.s32 s19, s1  }
0xc5: {  	s29 =	sld [smem:$0x7FD];
	v14 =	vmov @!p4 s11;
	v13 =	vmov @p4 s11;
	s11 =	simm.s32 $0x1;
	v8 =	vmov @!p6 s20;
	p0 =	seq.s32 s25, $0x1;
	[tilespmem:s1+$0x200] =	vst @!p6 v12  }
0xc6: {  	s11 =	simm.s32 @!p0 $0x0;
	[tilespmem:s1+$0x480] =	vst @!p6 v8  }
0xc7: {  	s18 =	simm.s32 $0x1;
	p0 =	seq.s32 s28, $0x1;
	s11 =	sadd.s32 s11, s1;
	[tilespmem:s21+$0x700] =	vst @p4 v13  }
0xc8: {  	s16 =	sadd.s32 $0xF, s10;
	s18 =	simm.s32 @!p0 $0x0;
	p0 =	seq.s32 s29, $0x1;
	[tilespmem:s11+$0x200] =	vst @!p4 v11  }
.Ltmp3:
0xc9: {  	v10 =	vmov @p3 s16;
	[tilespmem:s11+$0x480] =	vst @!p4 v14;
	(pc) =	sbr.rel @p0 .LBB2_4-.Ltmp3, $4  }
0xca: {  	s13 =	sadd.s32 $0x10, s13;
	s19 =	sadd.s32 s18, s11;
	[tilespmem:s12+$0x700] =	vst @p3 v10  }
0xcb: {  	s31 =	sadd.s32 $0x3, s6;
	s15 =	sadd.s32 $0x1, s6;
	s23 =	simm.s32 $0x1;
	v8 =	vmov @!p3 s16;
	[tilespmem:s19+$0x200] =	vst @!p3 v9  }
0xcc: {  	s26 =	sadd.s32 $0x4, s6;
	s23 =	simm.s32 @!p5 $0x0;
	s10 =	smov.u32 s6;
	[tilespmem:s19+$0x480] =	vst @!p3 v8  }
0xcd: {  	s1 =	sadd.s32 $0x2, s10;
	s18 =	sadd.s32 s23, s19;
	s11 =	sadd.s32 $0x8, s10;
	v8 =	vld [tilespmem:s13+$0x0]  }
0xce: {  	_ =	sdelay $0x3  }
0xcf: {  	(v2sf) =	vpush v8, $0x0  }
0xd0: {  	(v2sf) =	vpush v8, $0x2;
	_ =	sdelay $0x1  }
0xd1: {  	(v2sf) =	vpush v8, $0x5  }
0xd2: {  	(v2sf) =	vpush v8, $0x1;
	_ =	sdelay $0x1  }
0xd3: {  	(v2sf) =	vpush v8, $0x3;
	_ =	sdelay $0x1  }
0xd4: {  	(v2sf) =	vpush v8, $0x4;
	_ =	sdelay $0x1  }
0xd5: {  	(v2sf) =	vpush v8, $0x6;
	_ =	sdelay $0x4  }
0xd6: {  	[dreg:$0x7] =	wrdreg s0;
	s13 =	simm.s32 $0x1;
	s12 =	spop (v2sf)  }
0xd7: {  	s16 =	simm.s32 $0x1;
	(v2sf) =	vpush v8, $0x7;
	p0 =	slt.s32 s12, $0x186A0;
	s28 =	spop (v2sf)  }
0xd8: {  	p3 =	sgt.s32 s12, $0x1869F;
	s13 =	simm.s32 @!p0 $0x0;
	p2 =	slt.s32 s28, $0x186A0  }
0xd9: {  	s14 =	spop (v2sf);
	v9 =	vmov @p3 s10;
	v10 =	vbroadcast @!p3 v8, $0x0;
	s16 =	simm.s32 @!p3 $0x0;
	p6 =	sgt.s32 s28, $0x1869F  }
0xda: {  	(v2sf) =	vpush v8, $0x8;
	p0 =	slt.s32 s14, $0x186A0;
	s19 =	spop (v2sf);
	[tilespmem:s17+$0x700] =	vst @p3 v9;
	s16 =	sadd.s32 s16, s17  }
0xdb: {  	v9 =	vmov @!p3 s10;
	s17 =	sadd.s32 s13, s18;
	s13 =	sadd.s32 $0x6, s10;
	s0 =	simm.s32 @!p0 $0x0;
	[tilespmem:s18+$0x200] =	vst @!p3 v10  }
0xdc: {  	p1 =	sgt.s32 s19, $0x1869F;
	s20 =	spop (v2sf);
	[tilespmem:s18+$0x480] =	vst @!p3 v9;
	s18 =	simm.s32 $0x1  }
0xdd: {  	s0 =	simm.s32 @p0 $0x1;
	p0 =	slt.s32 s19, $0x186A0;
	s19 =	simm.s32 $0x1;
	v9 =	vmov @p1 s15;
	v10 =	vbroadcast @!p1 v8, $0x1  }
0xde: {  	p3 =	slt.s32 s20, $0x186A0;
	s21 =	spop (v2sf);
	s18 =	simm.s32 @!p1 $0x0;
	[tilespmem:s16+$0x700] =	vst @p1 v9  }
0xdf: {  	[smem:$0x7F5] =	sst s0;
	s19 =	simm.s32 @!p0 $0x0;
	v9 =	vmov @!p1 s15;
	p4 =	slt.s32 s21, $0x186A0;
	[tilespmem:s17+$0x200] =	vst @!p1 v10  }
0xe0: {  	s12 =	sadd.s32 s18, s16;
	s18 =	sadd.s32 $0x5, s10;
	s22 =	spop (v2sf);
	[tilespmem:s17+$0x480] =	vst @!p1 v9;
	v9 =	vmov @p6 s1;
	v10 =	vbroadcast @!p6 v8, $0x2  }
0xe1: {  	s15 =	simm.s32 $0x1;
	p0 =	sgt.s32 s20, $0x1869F;
	s17 =	sadd.s32 s19, s17;
	[tilespmem:s12+$0x700] =	vst @p6 v9  }
0xe2: {  	(v2sf) =	vpush v8, $0x9;
	s20 =	simm.s32 $0x1;
	s15 =	simm.s32 @!p6 $0x0;
	v9 =	vmov @!p6 s1;
	s1 =	simm.s32 $0x1;
	[tilespmem:s17+$0x200] =	vst @!p6 v10  }
0xe3: {  	s16 =	sadd.s32 $0xC, s10;
	s12 =	sadd.s32 s15, s12;
	[tilespmem:s17+$0x480] =	vst @!p6 v9;
	s1 =	simm.s32 @!p2 $0x0;
	v9 =	vmov @p0 s31;
	v10 =	vbroadcast @!p0 v8, $0x3  }
0xe4: {  	(v2sf) =	vpush v8, $0xA;
	p5 =	slt.s32 s22, $0x186A0;
	s17 =	sadd.s32 s1, s17;
	[tilespmem:s12+$0x700] =	vst @p0 v9;
	s1 =	simm.s32 $0x1  }
0xe5: {  	(v2sf) =	vpush v8, $0xB;
	s19 =	simm.s32 $0x1;
	p6 =	sgt.s32 s21, $0x1869F;
	v9 =	vmov @!p0 s31;
	[tilespmem:s17+$0x200] =	vst @!p0 v10;
	s1 =	simm.s32 @!p0 $0x0  }
0xe6: {  	s29 =	spop (v2sf);
	s19 =	simm.s32 @!p3 $0x0;
	[tilespmem:s17+$0x480] =	vst @!p0 v9;
	v9 =	vmov @p6 s26;
	v10 =	vbroadcast @!p6 v8, $0x4;
	s12 =	sadd.s32 s1, s12  }
0xe7: {  	s20 =	simm.s32 @!p4 $0x0;
	s17 =	sadd.s32 s19, s17;
	s19 =	simm.s32 $0x1;
	[tilespmem:s12+$0x700] =	vst @p6 v9  }
0xe8: {  	s0 =	sld [smem:$0x7F5];
	p0 =	sgt.s32 s14, $0x1869F;
	s19 =	simm.s32 @!p6 $0x0;
	v9 =	vmov @!p6 s26;
	[tilespmem:s17+$0x200] =	vst @!p6 v10  }
0xe9: {  	p1 =	slt.s32 s29, $0x186A0;
	s5 =	spop (v2sf);
	s12 =	sadd.s32 s19, s12;
	[tilespmem:s17+$0x480] =	vst @!p6 v9;
	v9 =	vmov @p0 s18;
	v10 =	vbroadcast @!p0 v8, $0x5  }
0xea: {  	(v2sf) =	vpush v8, $0xC;
	s15 =	simm.s32 $0x1;
	s19 =	simm.s32 $0x1;
	s17 =	sadd.s32 s20, s17;
	[tilespmem:s12+$0x700] =	vst @p0 v9  }
0xeb: {  	p2 =	slt.s32 s5, $0x186A0;
	s15 =	simm.s32 @!p1 $0x0;
	s19 =	simm.s32 @!p0 $0x0;
	v9 =	vmov @!p0 s18;
	[tilespmem:s17+$0x200] =	vst @!p0 v10  }
0xec: {  	p6 =	sgt.s32 s22, $0x1869F;
	s18 =	simm.s32 $0x1;
	[tilespmem:s17+$0x480] =	vst @!p0 v9;
	p0 =	seq.s32 s0, $0x1  }
0xed: {  	s14 =	simm.s32 $0x1;
	s12 =	sadd.s32 s19, s12;
	v9 =	vmov @p6 s13;
	v10 =	vbroadcast @!p6 v8, $0x6;
	s18 =	simm.s32 @!p0 $0x0  }
0xee: {  	s19 =	sadd.s32 $0x7, s10;
	[tilespmem:s12+$0x700] =	vst @p6 v9;
	s17 =	sadd.s32 s18, s17;
	s18 =	simm.s32 $0x1  }
0xef: {  	v9 =	vmov @!p6 s13;
	p0 =	sgt.s32 s29, $0x1869F;
	s13 =	simm.s32 $0x1;
	[tilespmem:s17+$0x200] =	vst @!p6 v10;
	s18 =	simm.s32 @!p6 $0x0  }
0xf0: {  	s1 =	simm.s32 $0x1;
	s13 =	simm.s32 @!p5 $0x0;
	[tilespmem:s17+$0x480] =	vst @!p6 v9;
	v9 =	vmov @p0 s19;
	v10 =	vbroadcast @!p0 v8, $0x7;
	s12 =	sadd.s32 s18, s12  }
0xf1: {  	s6 =	spop (v2sf);
	(v2sf) =	vpush v8, $0xD;
	s13 =	sadd.s32 s13, s17;
	s17 =	simm.s32 $0x1;
	[tilespmem:s12+$0x700] =	vst @p0 v9  }
0xf2: {  	s1 =	simm.s32 @!p2 $0x0;
	p6 =	sgt.s32 s5, $0x1869F;
	s17 =	simm.s32 @!p0 $0x0;
	v9 =	vmov @!p0 s19;
	[tilespmem:s13+$0x200] =	vst @!p0 v10  }
0xf3: {  	p3 =	slt.s32 s6, $0x186A0;
	s9 =	spop (v2sf);
	(v2sf) =	vpush v8, $0xE;
	s12 =	sadd.s32 s17, s12;
	[tilespmem:s13+$0x480] =	vst @!p0 v9;
	v9 =	vmov @p6 s11;
	v10 =	vbroadcast @!p6 v8, $0x8  }
0xf4: {  	s20 =	spop (v2sf);
	(v2sf) =	vpush v8, $0xF;
	s17 =	simm.s32 $0x1;
	s13 =	sadd.s32 s15, s13;
	[tilespmem:s12+$0x700] =	vst @p6 v9  }
0xf5: {  	s17 =	simm.s32 @!p6 $0x0;
	p0 =	sgt.s32 s6, $0x1869F;
	v9 =	vmov @!p6 s11;
	s11 =	sadd.s32 $0x9, s10;
	[tilespmem:s13+$0x200] =	vst @!p6 v10  }
0xf6: {  	p4 =	slt.s32 s9, $0x186A0;
	s15 =	simm.s32 $0x1;
	s12 =	sadd.s32 s17, s12;
	[tilespmem:s13+$0x480] =	vst @!p6 v9;
	v9 =	vmov @p0 s11;
	v10 =	vbroadcast @!p0 v8, $0x9  }
0xf7: {  	p5 =	slt.s32 s20, $0x186A0;
	s1 =	sadd.s32 s1, s13;
	s15 =	simm.s32 @!p0 $0x0;
	[tilespmem:s12+$0x700] =	vst @p0 v9  }
0xf8: {  	s13 =	sadd.s32 $0xA, s10;
	p6 =	sgt.s32 s9, $0x1869F;
	v9 =	vmov @!p0 s11;
	s11 =	simm.s32 $0x1;
	[tilespmem:s1+$0x200] =	vst @!p0 v10  }
0xf9: {  	s21 =	spop (v2sf);
	s12 =	sadd.s32 s15, s12;
	[tilespmem:s1+$0x480] =	vst @!p0 v9;
	s11 =	simm.s32 @!p3 $0x0;
	v9 =	vmov @p6 s13;
	v10 =	vbroadcast @!p6 v8, $0xA  }
0xfa: {  	p2 =	sgt.s32 s20, $0x1869F;
	s1 =	sadd.s32 s11, s1;
	[tilespmem:s12+$0x700] =	vst @p6 v9;
	s11 =	simm.s32 $0x1  }
0xfb: {  	s15 =	sadd.s32 $0xB, s10;
	v9 =	vmov @!p6 s13;
	s13 =	simm.s32 $0x1;
	[tilespmem:s1+$0x200] =	vst @!p6 v10;
	s11 =	simm.s32 @!p6 $0x0  }
0xfc: {  	p1 =	slt.s32 s21, $0x186A0;
	[tilespmem:s1+$0x480] =	vst @!p6 v9;
	s13 =	simm.s32 @!p4 $0x0;
	v9 =	vmov @p2 s15;
	v10 =	vbroadcast @!p2 v8, $0xB;
	s11 =	sadd.s32 s11, s12  }
0xfd: {  	s14 =	simm.s32 @!p1 $0x0;
	s12 =	simm.s32 $0x1;
	s1 =	sadd.s32 s13, s1;
	[tilespmem:s11+$0x700] =	vst @p2 v9  }
0xfe: {  	p3 =	sgt.s32 s21, $0x1869F;
	s13 =	simm.s32 $0x1;
	s12 =	simm.s32 @!p2 $0x0;
	v9 =	vmov @!p2 s15;
	[tilespmem:s1+$0x200] =	vst @!p2 v10  }
0xff: {  	s17 =	simm.s32 $0x1;
	s13 =	simm.s32 @!p5 $0x0;
	v10 =	vbroadcast @!p3 v8, $0xC;
	s11 =	sadd.s32 s12, s11;
	[tilespmem:s1+$0x480] =	vst @!p2 v9;
	v9 =	vmov @p3 s16  }
0x100: {  	s22 =	spop (v2sf);
	s12 =	simm.s32 $0x1;
	s1 =	sadd.s32 s13, s1;
	[tilespmem:s11+$0x700] =	vst @p3 v9  }
0x101: {  	p2 =	sgt.s32 s22, $0x1869F;
	s13 =	sadd.s32 $0xD, s10;
	s12 =	simm.s32 @!p3 $0x0;
	v9 =	vmov @!p3 s16;
	[tilespmem:s1+$0x200] =	vst @!p3 v10  }
0x102: {  	p0 =	slt.s32 s22, $0x186A0;
	s23 =	spop (v2sf);
	[tilespmem:s1+$0x480] =	vst @!p3 v9;
	v9 =	vbroadcast @!p2 v8, $0xD;
	s11 =	sadd.s32 s12, s11;
	v10 =	vmov @p2 s13  }
0x103: {  	s24 =	spop (v2sf);
	p1 =	sgt.s32 s23, $0x1869F;
	s1 =	sadd.s32 s14, s1;
	[tilespmem:s11+$0x700] =	vst @p2 v10  }
0x104: {  	s17 =	simm.s32 @!p2 $0x0;
	s12 =	sadd.s32 $0xE, s10;
	s14 =	simm.s32 $0x1;
	[tilespmem:s1+$0x200] =	vst @!p2 v9;
	v9 =	vmov @!p2 s13  }
0x105: {  	p3 =	slt.s32 s23, $0x186A0;
	s14 =	simm.s32 @!p0 $0x0;
	v10 =	vbroadcast @!p1 v8, $0xE;
	s11 =	sadd.s32 s17, s11;
	v11 =	vmov @p1 s12;
	[tilespmem:s1+$0x480] =	vst @!p2 v9  }
0x106: {  	s10 =	sadd.s32 $0xF, s10;
	s1 =	sadd.s32 s14, s1;
	v9 =	vmov @!p1 s12;
	s12 =	simm.s32 $0x1;
	[tilespmem:s11+$0x700] =	vst @p1 v11  }
0x107: {  	p0 =	sgt.s32 s24, $0x1869F;
	s13 =	simm.s32 $0x1;
	s12 =	simm.s32 @!p3 $0x0;
	[tilespmem:s1+$0x200] =	vst @!p1 v10  }
0x108: {  	s13 =	simm.s32 @!p1 $0x0;
	[tilespmem:s1+$0x480] =	vst @!p1 v9;
	s1 =	sadd.s32 s12, s1;
	s12 =	simm.s32 $0x1  }
0x109: {  	v8 =	vbroadcast @!p0 v8, $0xF;
	s11 =	sadd.s32 s13, s11;
	v10 =	vmov @p0 s10;
	s12 =	simm.s32 @!p0 $0x0  }
0x10a: {  	v9 =	vmov @!p0 s10;
	p1 =	slt.s32 s24, $0x186A0;
	s10 =	simm.s32 $0x1;
	[tilespmem:s11+$0x700] =	vst @p0 v10;
	s12 =	sadd.s32 s12, s11  }
0x10b: {  	s10 =	simm.s32 @!p1 $0x0;
	[tilespmem:s1+$0x200] =	vst @!p0 v8;
	s25 =	sadd.s32 $0x1F, s12  }
0x10c: {  	[tilespmem:s1+$0x480] =	vst @!p0 v9;
	s1 =	sadd.s32 s10, s1;
	s26 =	sand.u32 $0x1F, s25  }
0x10d: {  	v8 =	vld.msk [tilespmem:$0x700 ss:$0x0], $0xffff;
	s28 =	sshra.s32 s25, $0x1F;
	p5 =	slt.s32 s25, $0x1;
	p6 =	sne.s32 s26, $0x0  }
0x10e: {  	[tilespmem:s1+$0x200] =	vst v0;
	s29 =	sshrl.u32 s28, $0x1B;
	p0 =	por !p5, !p6  }
0x10f: {  	s13 =	simm.s32 $0x1;
	[tilespmem:s1+$0x210] =	vst v1;
	s10 =	sadd.s32 s29, s25;
	p0 =	por !p0, !p0  }
0x110: {  	[tilespmem:s1+$0x220] =	vst v2;
	s11 =	sshra.s32 s10, $0x5;
	s13 =	simm.s32 @!p0 $0x0  }
0x111: {  	[tilespmem:s1+$0x230] =	vst v3;
	s31 =	ssub.s32 s11, s13  }
0x112: {  	[tilespmem:s1+$0x480] =	vst v8;
	p1 =	slt.s32 s31, $0x3  }
.Ltmp4:
0x113: {  	s0 =	simm.s32 $0x1E180;
	[tilespmem:s1+$0x490] =	vst v8;
	(pc) =	sbr.rel @p1 .LBB2_8-.Ltmp4, $4  }
0x114: {  	s20 =	simm.s32 $0x19980;
	s5 =	simm.s32 $0x1D980;
	s18 =	simm.s32 $0x1A980;
	[tilespmem:s1+$0x4A0] =	vst v8  }
0x115: {  	s19 =	simm.s32 $0x1A180;
	s21 =	simm.s32 $0x19180;
	s15 =	simm.s32 $0x1C180;
	[tilespmem:s1+$0x4B0] =	vst v8  }
0x116: {  	s22 =	simm.s32 $0x18980;
	s16 =	simm.s32 $0x1B980;
	s17 =	simm.s32 $0x1B180;
	[tilespmem:s12+$0x700] =	vst v8  }
0x117: {  	s14 =	simm.s32 $0x1C980;
	s10 =	simm.s32 $0x1D180;
	[tilespmem:s12+$0x710] =	vst v8;
	[dreg:$0x8] =	wrdreg s31  }
0x118: {  	s12 =	simm.s32 $0xFFFFFFFF  }
0x119: {  	s12 =	simm.s32 @!p0 $0x0  }
0x11a: {  	s11 =	sadd.s32 s12, s11  }
0x11b: {  	s13 =	simm.s32 $0x730;
	s11 =	sadd.s32 $0xFFFFFFFE, s11  }
.LBB2_7:
0x11c: {  	v8 =	vld [tilespmem:s13+$0xFFFFFFF0];
	_ =	sdelay $0x4  }
0x11d: {  	v9 =	vshrl.u32 v8, $0x3  }
0x11e: {  	v9 =	vmul.u32 $0x30, v9  }
0x11f: {  	v8 =	vand.u32 $0x7, v8  }
0x120: {  	v8 =	vor.u32 v8, v9  }
0x121: {  	v9 =	vperm.xlane v8, v5;
	_ =	sdelay $0x1  }
0x122: {  	v9 =	vadd.s32 v6, v9;
	_ =	sdelay $0x3  }
0x123: {  	v8 =	vperm.xlane v8, v7  }
0x124: {  	[hbm4b:s3+s4] =	stream.indirect_vreg.scatter [tilespmem:s22], [sflag:$0x5], $0x80, v9, vm0, $0xb8;
	[tilespmem:$0x1E980] =	vst v63  }
0x125: {  	v8 =	vadd.s32 v6, v8  }
0x126: {  	[hbm4b:s8+s4] =	stream.indirect_vreg.scatter [tilespmem:s21], [sflag:$0x5], $0x80, v9, vm0, $0xb8;
	[tilespmem:$0x1E980] =	vst v63  }
0x127: {  	_ = 	snop  }
0x128: {  	[hbm4b:s7+s4] =	stream.indirect_vreg.scatter [tilespmem:s20], [sflag:$0x5], $0x80, v9, vm0, $0xb8;
	[tilespmem:$0x1E980] =	vst v63  }
0x129: {  	_ = 	snop  }
0x12a: {  	[hbm4b:s3+s4] =	stream.indirect_vreg.scatter [tilespmem:s19], [sflag:$0x5], $0x80, v8, vm0, $0xb8;
	[tilespmem:$0x1E980] =	vst v63  }
0x12b: {  	_ = 	snop  }
0x12c: {  	[hbm4b:s8+s4] =	stream.indirect_vreg.scatter [tilespmem:s18], [sflag:$0x5], $0x80, v8, vm0, $0xb8;
	[tilespmem:$0x1E980] =	vst v63  }
0x12d: {  	_ = 	snop  }
0x12e: {  	[hbm4b:s7+s4] =	stream.indirect_vreg.scatter [tilespmem:s17], [sflag:$0x5], $0x80, v8, vm0, $0xb8;
	[tilespmem:$0x1E980] =	vst v63  }
0x12f: {  	v8 =	vld [tilespmem:s13+$0x0];
	_ =	sdelay $0x4  }
0x130: {  	v63 =	vshrl.u32 v8, $0x3  }
0x131: {  	v9 =	vmul.u32 $0x30, v63  }
0x132: {  	v8 =	vand.u32 $0x7, v8  }
0x133: {  	v8 =	vor.u32 v8, v9  }
0x134: {  	v9 =	vperm.xlane v8, v5;
	_ =	sdelay $0x1  }
0x135: {  	v9 =	vadd.s32 v6, v9;
	_ =	sdelay $0x3  }
0x136: {  	v8 =	vperm.xlane v8, v7  }
0x137: {  	[hbm4b:s3+s4] =	stream.indirect_vreg.scatter [tilespmem:s16], [sflag:$0x5], $0x80, v9, vm0, $0xb8;
	[tilespmem:$0x1E980] =	vst v63  }
0x138: {  	v8 =	vadd.s32 v6, v8  }
0x139: {  	[hbm4b:s8+s4] =	stream.indirect_vreg.scatter [tilespmem:s15], [sflag:$0x5], $0x80, v9, vm0, $0xb8;
	[tilespmem:$0x1E980] =	vst v63  }
0x13a: {  	_ = 	snop  }
0x13b: {  	[hbm4b:s7+s4] =	stream.indirect_vreg.scatter [tilespmem:s14], [sflag:$0x5], $0x80, v9, vm0, $0xb8;
	[tilespmem:$0x1E980] =	vst v63  }
0x13c: {  	p0 =	sne.s32 s11, $0x1  }
0x13d: {  	[hbm4b:s3+s4] =	stream.indirect_vreg.scatter [tilespmem:s10], [sflag:$0x5], $0x80, v8, vm0, $0xb8;
	[tilespmem:$0x1E980] =	vst v63  }
.Ltmp5:
0x13e: {  	_ = 	snop;
	(pc) =	sbr.rel @p0 .LBB2_7-.Ltmp5, $4  }
0x13f: {  	_ = 	snop  }
0x140: {  	[hbm4b:s8+s4] =	stream.indirect_vreg.scatter [tilespmem:s5], [sflag:$0x5], $0x80, v8, vm0, $0xb8;
	[tilespmem:$0x1E980] =	vst v63  }
0x141: {  	s11 =	sadd.s32 $0xFFFFFFFF, s11;
	s13 =	sadd.s32 $0x20, s13  }
0x142: {  	[hbm4b:s7+s4] =	stream.indirect_vreg.scatter [tilespmem:s0], [sflag:$0x5], $0x80, v8, vm0, $0xb8;
	[tilespmem:$0x1E980] =	vst v63  }
.LBB2_8:
0x143: {  	s1 =	sadd.s32 $0x3F, s1  }
0x144: {  	s11 =	sand.u32 $0x3F, s1  }
0x145: {  	s12 =	sshra.s32 s1, $0x1F;
	p0 =	slt.s32 s1, $0x1;
	p1 =	sne.s32 s11, $0x0  }
0x146: {  	s29 =	sshrl.u32 s12, $0x1A;
	p0 =	por !p0, !p1  }
0x147: {  	s11 =	simm.s32 $0x1;
	s1 =	sadd.s32 s29, s1;
	p0 =	por !p0, !p0  }
0x148: {  	s1 =	sshra.s32 s1, $0x6;
	s11 =	simm.s32 @!p0 $0x0  }
0x149: {  	s0 =	ssub.s32 s1, s11  }
0x14a: {  	s1 =	sshrl.u32 s0, $0x1F  }
0x14b: {  	s1 =	sadd.s32 s1, s0  }
0x14c: {  	s31 =	sand.u32 $0xFFFFFFFE, s1  }
0x14d: {  	p5 =	slt.s32 s0, $0x1;
	p6 =	sne.s32 s0, s31  }
0x14e: {  	p0 =	por !p5, !p6  }
0x14f: {  	s12 =	simm.s32 $0x1;
	p0 =	por !p0, !p0  }
0x150: {  	s1 =	sshra.s32 s1, $0x1;
	s12 =	simm.s32 @!p0 $0x0  }
0x151: {  	s13 =	ssub.s32 s1, s12  }
0x152: {  	p0 =	slt.s32 s13, $0x1  }
.Ltmp6:
0x153: {  	_ = 	snop;
	(pc) =	sbr.rel @p0 .LBB2_11-.Ltmp6, $4  }
0x154: {  	_ = 	snop  }
0x155: {  	s20 =	rddreg [dreg:$0x1]  }
0x156: {  	s9 =	rddreg [dreg:$0xa]  }
0x157: {  	[dreg:$0x9] =	wrdreg s0;
	s12 =	simm.s32 $0x1  }
0x158: {  	s14 =	simm.s32 $0x240;
	s15 =	simm.s32 $0x4C0  }
.LBB2_10:
0x159: {  	v8 =	vld [tilespmem:s14+$0xFFFFFFC0];
	_ =	sdelay $0x4  }
0x15a: {  	v9 =	vshrl.u32 v8, $0x3  }
0x15b: {  	v9 =	vmul.u32 $0x30, v9  }
0x15c: {  	v8 =	vand.u32 $0x7, v8  }
0x15d: {  	v8 =	vor.u32 v8, v9  }
0x15e: {  	v9 =	vperm.xlane v8, v5;
	_ =	sdelay $0x1  }
0x15f: {  	v9 =	vadd.s32 v6, v9;
	_ =	sdelay $0x3  }
0x160: {  	s17 =	simm.s32 $0x980;
	v8 =	vperm.xlane v8, v7  }
0x161: {  	[tilespmem:s17], [sflag:$0x1] =	stream.indirect_vreg.gather [hbm4b:s20+s4], $0x80, v9, vm0, $0xb8;
	[tilespmem:$0x1E980] =	vst v63  }
0x162: {  	s16 =	simm.s32 $0x1180;
	v8 =	vadd.s32 v6, v8  }
0x163: {  	[tilespmem:s16], [sflag:$0x1] =	stream.indirect_vreg.gather [hbm4b:s9+s4], $0x80, v9, vm0, $0xb8;
	[tilespmem:$0x1E980] =	vst v63  }
0x164: {  	s0 =	simm.s32 $0x1980  }
0x165: {  	[tilespmem:s0], [sflag:$0x1] =	stream.indirect_vreg.gather [hbm4b:s2+s4], $0x80, v9, vm0, $0xb8;
	[tilespmem:$0x1E980] =	vst v63  }
0x166: {  	s5 =	simm.s32 $0x2180  }
0x167: {  	[tilespmem:s5], [sflag:$0x1] =	stream.indirect_vreg.gather [hbm4b:s20+s4], $0x80, v8, vm0, $0xb8;
	[tilespmem:$0x1E980] =	vst v63  }
0x168: {  	s5 =	simm.s32 $0x2980  }
0x169: {  	[tilespmem:s5], [sflag:$0x1] =	stream.indirect_vreg.gather [hbm4b:s9+s4], $0x80, v8, vm0, $0xb8;
	[tilespmem:$0x1E980] =	vst v63  }
0x16a: {  	s11 =	simm.s32 $0x3180  }
0x16b: {  	[tilespmem:s11], [sflag:$0x1] =	stream.indirect_vreg.gather [hbm4b:s2+s4], $0x80, v8, vm0, $0xb8;
	[tilespmem:$0x1E980] =	vst v63  }
0x16c: {  	v8 =	vld [tilespmem:s14+$0xFFFFFFD0];
	_ =	sdelay $0x4  }
0x16d: {  	v49 =	vshrl.u32 v8, $0x3  }
0x16e: {  	v9 =	vmul.u32 $0x30, v49  }
0x16f: {  	v8 =	vand.u32 $0x7, v8  }
0x170: {  	v8 =	vor.u32 v8, v9  }
0x171: {  	v9 =	vperm.xlane v8, v5;
	_ =	sdelay $0x1  }
0x172: {  	v9 =	vadd.s32 v6, v9;
	_ =	sdelay $0x3  }
0x173: {  	s11 =	simm.s32 $0x3980;
	v8 =	vperm.xlane v8, v7  }
0x174: {  	[tilespmem:s11], [sflag:$0x1] =	stream.indirect_vreg.gather [hbm4b:s20+s4], $0x80, v9, vm0, $0xb8;
	[tilespmem:$0x1E980] =	vst v63  }
0x175: {  	s28 =	simm.s32 $0x4180;
	v8 =	vadd.s32 v6, v8  }
0x176: {  	[tilespmem:s28], [sflag:$0x1] =	stream.indirect_vreg.gather [hbm4b:s9+s4], $0x80, v9, vm0, $0xb8;
	[tilespmem:$0x1E980] =	vst v63  }
0x177: {  	s28 =	simm.s32 $0x4980  }
0x178: {  	[tilespmem:s28], [sflag:$0x1] =	stream.indirect_vreg.gather [hbm4b:s2+s4], $0x80, v9, vm0, $0xb8;
	[tilespmem:$0x1E980] =	vst v63  }
0x179: {  	s31 =	simm.s32 $0x5180  }
0x17a: {  	[tilespmem:s31], [sflag:$0x1] =	stream.indirect_vreg.gather [hbm4b:s20+s4], $0x80, v8, vm0, $0xb8;
	[tilespmem:$0x1E980] =	vst v63  }
0x17b: {  	s31 =	simm.s32 $0x5980  }
0x17c: {  	[tilespmem:s31], [sflag:$0x1] =	stream.indirect_vreg.gather [hbm4b:s9+s4], $0x80, v8, vm0, $0xb8;
	[tilespmem:$0x1E980] =	vst v63  }
0x17d: {  	s1 =	simm.s32 $0x6180  }
0x17e: {  	[tilespmem:s1], [sflag:$0x1] =	stream.indirect_vreg.gather [hbm4b:s2+s4], $0x80, v8, vm0, $0xb8;
	[tilespmem:$0x1E980] =	vst v63  }
0x17f: {  	v8 =	vld [tilespmem:s14+$0xFFFFFFE0];
	_ =	sdelay $0x4  }
0x180: {  	v50 =	vshrl.u32 v8, $0x3  }
0x181: {  	v9 =	vmul.u32 $0x30, v50  }
0x182: {  	v8 =	vand.u32 $0x7, v8  }
0x183: {  	v8 =	vor.u32 v8, v9  }
0x184: {  	v9 =	vperm.xlane v8, v5;
	_ =	sdelay $0x1  }
0x185: {  	v9 =	vadd.s32 v6, v9;
	_ =	sdelay $0x3  }
0x186: {  	s1 =	simm.s32 $0x6980;
	v8 =	vperm.xlane v8, v7  }
0x187: {  	[tilespmem:s1], [sflag:$0x1] =	stream.indirect_vreg.gather [hbm4b:s20+s4], $0x80, v9, vm0, $0xb8;
	[tilespmem:$0x1E980] =	vst v63  }
0x188: {  	s10 =	simm.s32 $0x7180;
	v8 =	vadd.s32 v6, v8  }
0x189: {  	[tilespmem:s10], [sflag:$0x1] =	stream.indirect_vreg.gather [hbm4b:s9+s4], $0x80, v9, vm0, $0xb8;
	[tilespmem:$0x1E980] =	vst v63  }
0x18a: {  	s10 =	simm.s32 $0x7980  }
0x18b: {  	[tilespmem:s10], [sflag:$0x1] =	stream.indirect_vreg.gather [hbm4b:s2+s4], $0x80, v9, vm0, $0xb8;
	[tilespmem:$0x1E980] =	vst v63  }
0x18c: {  	s29 =	simm.s32 $0x8180  }
0x18d: {  	[tilespmem:s29], [sflag:$0x1] =	stream.indirect_vreg.gather [hbm4b:s20+s4], $0x80, v8, vm0, $0xb8;
	[tilespmem:$0x1E980] =	vst v63  }
0x18e: {  	s29 =	simm.s32 $0x8980  }
0x18f: {  	[tilespmem:s29], [sflag:$0x1] =	stream.indirect_vreg.gather [hbm4b:s9+s4], $0x80, v8, vm0, $0xb8;
	[tilespmem:$0x1E980] =	vst v63  }
0x190: {  	s26 =	simm.s32 $0x9180  }
0x191: {  	[tilespmem:s26], [sflag:$0x1] =	stream.indirect_vreg.gather [hbm4b:s2+s4], $0x80, v8, vm0, $0xb8;
	[tilespmem:$0x1E980] =	vst v63  }
0x192: {  	v8 =	vld [tilespmem:s14+$0xFFFFFFF0];
	_ =	sdelay $0x4  }
0x193: {  	v51 =	vshrl.u32 v8, $0x3  }
0x194: {  	v9 =	vmul.u32 $0x30, v51  }
0x195: {  	v8 =	vand.u32 $0x7, v8  }
0x196: {  	v8 =	vor.u32 v8, v9  }
0x197: {  	v9 =	vperm.xlane v8, v5;
	_ =	sdelay $0x1  }
0x198: {  	v9 =	vadd.s32 v6, v9;
	_ =	sdelay $0x3  }
0x199: {  	s26 =	simm.s32 $0x9980;
	v8 =	vperm.xlane v8, v7  }
0x19a: {  	[tilespmem:s26], [sflag:$0x1] =	stream.indirect_vreg.gather [hbm4b:s20+s4], $0x80, v9, vm0, $0xb8;
	[tilespmem:$0x1E980] =	vst v63  }
0x19b: {  	s25 =	simm.s32 $0xA180;
	v8 =	vadd.s32 v6, v8  }
0x19c: {  	[tilespmem:s25], [sflag:$0x1] =	stream.indirect_vreg.gather [hbm4b:s9+s4], $0x80, v9, vm0, $0xb8;
	[tilespmem:$0x1E980] =	vst v63  }
0x19d: {  	s25 =	simm.s32 $0xA980  }
0x19e: {  	[tilespmem:s25], [sflag:$0x1] =	stream.indirect_vreg.gather [hbm4b:s2+s4], $0x80, v9, vm0, $0xb8;
	[tilespmem:$0x1E980] =	vst v63  }
0x19f: {  	s24 =	simm.s32 $0xB180  }
0x1a0: {  	[tilespmem:s24], [sflag:$0x1] =	stream.indirect_vreg.gather [hbm4b:s20+s4], $0x80, v8, vm0, $0xb8;
	[tilespmem:$0x1E980] =	vst v63  }
0x1a1: {  	s24 =	simm.s32 $0xB980  }
0x1a2: {  	[tilespmem:s24], [sflag:$0x1] =	stream.indirect_vreg.gather [hbm4b:s9+s4], $0x80, v8, vm0, $0xb8;
	[tilespmem:$0x1E980] =	vst v63  }
0x1a3: {  	s23 =	simm.s32 $0xC180  }
0x1a4: {  	[tilespmem:s23], [sflag:$0x1] =	stream.indirect_vreg.gather [hbm4b:s2+s4], $0x80, v8, vm0, $0xb8;
	[tilespmem:$0x1E980] =	vst v63  }
0x1a5: {  	v8 =	vld [tilespmem:s14+$0x0];
	_ =	sdelay $0x4  }
0x1a6: {  	v52 =	vshrl.u32 v8, $0x3  }
0x1a7: {  	v9 =	vmul.u32 $0x30, v52  }
0x1a8: {  	v8 =	vand.u32 $0x7, v8  }
0x1a9: {  	v8 =	vor.u32 v8, v9  }
0x1aa: {  	v9 =	vperm.xlane v8, v5;
	_ =	sdelay $0x1  }
0x1ab: {  	v9 =	vadd.s32 v6, v9;
	_ =	sdelay $0x3  }
0x1ac: {  	s16 =	simm.s32 $0xC980;
	v8 =	vperm.xlane v8, v7  }
0x1ad: {  	[tilespmem:s16], [sflag:$0x2] =	stream.indirect_vreg.gather [hbm4b:s20+s4], $0x80, v9, vm0, $0xb8;
	[tilespmem:$0x1E980] =	vst v63  }
0x1ae: {  	s22 =	simm.s32 $0xD180;
	v8 =	vadd.s32 v6, v8  }
0x1af: {  	[tilespmem:s22], [sflag:$0x2] =	stream.indirect_vreg.gather [hbm4b:s9+s4], $0x80, v9, vm0, $0xb8;
	[tilespmem:$0x1E980] =	vst v63  }
0x1b0: {  	s22 =	simm.s32 $0xD980  }
0x1b1: {  	[tilespmem:s22], [sflag:$0x2] =	stream.indirect_vreg.gather [hbm4b:s2+s4], $0x80, v9, vm0, $0xb8;
	[tilespmem:$0x1E980] =	vst v63  }
0x1b2: {  	s21 =	simm.s32 $0xE180  }
0x1b3: {  	[tilespmem:s21], [sflag:$0x2] =	stream.indirect_vreg.gather [hbm4b:s20+s4], $0x80, v8, vm0, $0xb8;
	[tilespmem:$0x1E980] =	vst v63  }
0x1b4: {  	s21 =	simm.s32 $0xE980  }
0x1b5: {  	[tilespmem:s21], [sflag:$0x2] =	stream.indirect_vreg.gather [hbm4b:s9+s4], $0x80, v8, vm0, $0xb8;
	[tilespmem:$0x1E980] =	vst v63  }
0x1b6: {  	s12 =	simm.s32 $0xF180  }
0x1b7: {  	[tilespmem:s12], [sflag:$0x2] =	stream.indirect_vreg.gather [hbm4b:s2+s4], $0x80, v8, vm0, $0xb8;
	[tilespmem:$0x1E980] =	vst v63  }
0x1b8: {  	v8 =	vld [tilespmem:s14+$0x10];
	_ =	sdelay $0x4  }
0x1b9: {  	v53 =	vshrl.u32 v8, $0x3  }
0x1ba: {  	v9 =	vmul.u32 $0x30, v53  }
0x1bb: {  	v8 =	vand.u32 $0x7, v8  }
0x1bc: {  	v8 =	vor.u32 v8, v9  }
0x1bd: {  	v9 =	vperm.xlane v8, v5;
	_ =	sdelay $0x1  }
0x1be: {  	v9 =	vadd.s32 v6, v9;
	_ =	sdelay $0x3  }
0x1bf: {  	s6 =	simm.s32 $0xF980;
	v8 =	vperm.xlane v8, v7  }
0x1c0: {  	[tilespmem:s6], [sflag:$0x2] =	stream.indirect_vreg.gather [hbm4b:s20+s4], $0x80, v9, vm0, $0xb8;
	[tilespmem:$0x1E980] =	vst v63  }
0x1c1: {  	s23 =	simm.s32 $0x10180;
	v8 =	vadd.s32 v6, v8  }
0x1c2: {  	[tilespmem:s23], [sflag:$0x2] =	stream.indirect_vreg.gather [hbm4b:s9+s4], $0x80, v9, vm0, $0xb8;
	[tilespmem:$0x1E980] =	vst v63  }
0x1c3: {  	s19 =	simm.s32 $0x10980  }
0x1c4: {  	[tilespmem:s19], [sflag:$0x2] =	stream.indirect_vreg.gather [hbm4b:s2+s4], $0x80, v9, vm0, $0xb8;
	[tilespmem:$0x1E980] =	vst v63  }
0x1c5: {  	s19 =	simm.s32 $0x11180  }
0x1c6: {  	[tilespmem:s19], [sflag:$0x2] =	stream.indirect_vreg.gather [hbm4b:s20+s4], $0x80, v8, vm0, $0xb8;
	[tilespmem:$0x1E980] =	vst v63  }
0x1c7: {  	s18 =	simm.s32 $0x11980  }
0x1c8: {  	[tilespmem:s18], [sflag:$0x2] =	stream.indirect_vreg.gather [hbm4b:s9+s4], $0x80, v8, vm0, $0xb8;
	[tilespmem:$0x1E980] =	vst v63  }
0x1c9: {  	s18 =	simm.s32 $0x12180  }
0x1ca: {  	[tilespmem:s18], [sflag:$0x2] =	stream.indirect_vreg.gather [hbm4b:s2+s4], $0x80, v8, vm0, $0xb8;
	[tilespmem:$0x1E980] =	vst v63  }
0x1cb: {  	v8 =	vld [tilespmem:s14+$0x20];
	_ =	sdelay $0x4  }
0x1cc: {  	v54 =	vshrl.u32 v8, $0x3  }
0x1cd: {  	v9 =	vmul.u32 $0x30, v54  }
0x1ce: {  	v8 =	vand.u32 $0x7, v8  }
0x1cf: {  	v8 =	vor.u32 v8, v9  }
0x1d0: {  	v9 =	vperm.xlane v8, v5;
	_ =	sdelay $0x1  }
0x1d1: {  	v9 =	vadd.s32 v6, v9;
	_ =	sdelay $0x3  }
0x1d2: {  	s17 =	simm.s32 $0x12980;
	v8 =	vperm.xlane v8, v7  }
0x1d3: {  	[tilespmem:s17], [sflag:$0x2] =	stream.indirect_vreg.gather [hbm4b:s20+s4], $0x80, v9, vm0, $0xb8;
	[tilespmem:$0x1E980] =	vst v63  }
0x1d4: {  	s6 =	simm.s32 $0x13180;
	v8 =	vadd.s32 v6, v8  }
0x1d5: {  	[tilespmem:s6], [sflag:$0x2] =	stream.indirect_vreg.gather [hbm4b:s9+s4], $0x80, v9, vm0, $0xb8;
	[tilespmem:$0x1E980] =	vst v63  }
0x1d6: {  	s17 =	simm.s32 $0x13980  }
0x1d7: {  	[tilespmem:s17], [sflag:$0x2] =	stream.indirect_vreg.gather [hbm4b:s2+s4], $0x80, v9, vm0, $0xb8;
	[tilespmem:$0x1E980] =	vst v63  }
0x1d8: {  	s16 =	simm.s32 $0x14180  }
0x1d9: {  	[tilespmem:s16], [sflag:$0x2] =	stream.indirect_vreg.gather [hbm4b:s20+s4], $0x80, v8, vm0, $0xb8;
	[tilespmem:$0x1E980] =	vst v63  }
0x1da: {  	s16 =	simm.s32 $0x14980  }
0x1db: {  	[tilespmem:s16], [sflag:$0x2] =	stream.indirect_vreg.gather [hbm4b:s9+s4], $0x80, v8, vm0, $0xb8;
	[tilespmem:$0x1E980] =	vst v63  }
0x1dc: {  	s16 =	simm.s32 $0x15180  }
0x1dd: {  	[tilespmem:s16], [sflag:$0x2] =	stream.indirect_vreg.gather [hbm4b:s2+s4], $0x80, v8, vm0, $0xb8;
	[tilespmem:$0x1E980] =	vst v63  }
0x1de: {  	v8 =	vld [tilespmem:s14+$0x30];
	_ =	sdelay $0x4  }
0x1df: {  	v55 =	vshrl.u32 v8, $0x3  }
0x1e0: {  	v9 =	vmul.u32 $0x30, v55  }
0x1e1: {  	v8 =	vand.u32 $0x7, v8  }
0x1e2: {  	v8 =	vor.u32 v8, v9  }
0x1e3: {  	v9 =	vperm.xlane v8, v5;
	_ =	sdelay $0x1  }
0x1e4: {  	v9 =	vadd.s32 v6, v9;
	_ =	sdelay $0x3  }
0x1e5: {  	s16 =	simm.s32 $0x15980;
	v8 =	vperm.xlane v8, v7  }
0x1e6: {  	[tilespmem:s16], [sflag:$0x2] =	stream.indirect_vreg.gather [hbm4b:s20+s4], $0x80, v9, vm0, $0xb8;
	[tilespmem:$0x1E980] =	vst v63  }
0x1e7: {  	v8 =	vadd.s32 v6, v8;
	s16 =	simm.s32 $0x16180  }
0x1e8: {  	[tilespmem:s16], [sflag:$0x2] =	stream.indirect_vreg.gather [hbm4b:s9+s4], $0x80, v9, vm0, $0xb8;
	[tilespmem:$0x1E980] =	vst v63  }
0x1e9: {  	s16 =	simm.s32 $0x16980  }
0x1ea: {  	[tilespmem:s16], [sflag:$0x2] =	stream.indirect_vreg.gather [hbm4b:s2+s4], $0x80, v9, vm0, $0xb8;
	[tilespmem:$0x1E980] =	vst v63  }
0x1eb: {  	s16 =	simm.s32 $0x17180  }
0x1ec: {  	[tilespmem:s16], [sflag:$0x2] =	stream.indirect_vreg.gather [hbm4b:s20+s4], $0x80, v8, vm0, $0xb8;
	[tilespmem:$0x1E980] =	vst v63  }
0x1ed: {  	s16 =	simm.s32 $0x17980  }
0x1ee: {  	[tilespmem:s16], [sflag:$0x2] =	stream.indirect_vreg.gather [hbm4b:s9+s4], $0x80, v8, vm0, $0xb8;
	[tilespmem:$0x1E980] =	vst v63  }
0x1ef: {  	s12 =	simm.s32 $0x1;
	s16 =	simm.s32 $0x18180  }
0x1f0: {  	[tilespmem:s16], [sflag:$0x2] =	stream.indirect_vreg.gather [hbm4b:s2+s4], $0x80, v8, vm0, $0xb8;
	[tilespmem:$0x1E980] =	vst v63  }
0x1f1: {  	_ =	swait.ge [sflag:s12], $0xC000  }
0x1f2: {  	[sflag:s12] =	ssyncset.done $0x0  }
0x1f3: {  	[sflag:s12] =	ssyncadd.s32 $0xFFFF4000  }
0x1f4: {  	v8 =	vld [tilespmem:s15+$0xFFFFFFC0];
	_ =	sdelay $0x4  }
0x1f5: {  	v56 =	vshrl.u32 v8, $0x3  }
0x1f6: {  	v9 =	vmul.u32 $0x30, v56  }
0x1f7: {  	v8 =	vand.u32 $0x7, v8  }
0x1f8: {  	v8 =	vor.u32 v8, v9  }
0x1f9: {  	v9 =	vperm.xlane v8, v5;
	_ =	sdelay $0x1  }
0x1fa: {  	v9 =	vadd.s32 v6, v9;
	_ =	sdelay $0x3  }
0x1fb: {  	s16 =	simm.s32 $0x980;
	v8 =	vperm.xlane v8, v7  }
0x1fc: {  	[hbm4b:s3+s4] =	stream.indirect_vreg.scatter [tilespmem:s16], [sflag:$0x3], $0x80, v9, vm0, $0xb8;
	[tilespmem:$0x1E980] =	vst v63  }
0x1fd: {  	s0 =	simm.s32 $0x1180;
	v8 =	vadd.s32 v6, v8  }
0x1fe: {  	[hbm4b:s8+s4] =	stream.indirect_vreg.scatter [tilespmem:s0], [sflag:$0x3], $0x80, v9, vm0, $0xb8;
	[tilespmem:$0x1E980] =	vst v63  }
0x1ff: {  	s16 =	simm.s32 $0x1980  }
0x200: {  	[hbm4b:s7+s4] =	stream.indirect_vreg.scatter [tilespmem:s16], [sflag:$0x3], $0x80, v9, vm0, $0xb8;
	[tilespmem:$0x1E980] =	vst v63  }
0x201: {  	s16 =	simm.s32 $0x2180  }
0x202: {  	[hbm4b:s3+s4] =	stream.indirect_vreg.scatter [tilespmem:s16], [sflag:$0x3], $0x80, v8, vm0, $0xb8;
	[tilespmem:$0x1E980] =	vst v63  }
0x203: {  	_ = 	snop  }
0x204: {  	[hbm4b:s8+s4] =	stream.indirect_vreg.scatter [tilespmem:s5], [sflag:$0x3], $0x80, v8, vm0, $0xb8;
	[tilespmem:$0x1E980] =	vst v63  }
0x205: {  	s16 =	simm.s32 $0x3180  }
0x206: {  	[hbm4b:s7+s4] =	stream.indirect_vreg.scatter [tilespmem:s16], [sflag:$0x3], $0x80, v8, vm0, $0xb8;
	[tilespmem:$0x1E980] =	vst v63  }
0x207: {  	v8 =	vld [tilespmem:s15+$0xFFFFFFD0];
	_ =	sdelay $0x4  }
0x208: {  	v57 =	vshrl.u32 v8, $0x3  }
0x209: {  	v9 =	vmul.u32 $0x30, v57  }
0x20a: {  	v8 =	vand.u32 $0x7, v8  }
0x20b: {  	v8 =	vor.u32 v8, v9  }
0x20c: {  	v9 =	vperm.xlane v8, v5;
	_ =	sdelay $0x1  }
0x20d: {  	v9 =	vadd.s32 v6, v9;
	_ =	sdelay $0x3  }
0x20e: {  	v8 =	vperm.xlane v8, v7  }
0x20f: {  	[hbm4b:s3+s4] =	stream.indirect_vreg.scatter [tilespmem:s11], [sflag:$0x3], $0x80, v9, vm0, $0xb8;
	[tilespmem:$0x1E980] =	vst v63  }
0x210: {  	s5 =	simm.s32 $0x4180;
	v8 =	vadd.s32 v6, v8  }
0x211: {  	[hbm4b:s8+s4] =	stream.indirect_vreg.scatter [tilespmem:s5], [sflag:$0x3], $0x80, v9, vm0, $0xb8;
	[tilespmem:$0x1E980] =	vst v63  }
0x212: {  	_ = 	snop  }
0x213: {  	[hbm4b:s7+s4] =	stream.indirect_vreg.scatter [tilespmem:s28], [sflag:$0x3], $0x80, v9, vm0, $0xb8;
	[tilespmem:$0x1E980] =	vst v63  }
0x214: {  	s11 =	simm.s32 $0x5180  }
0x215: {  	[hbm4b:s3+s4] =	stream.indirect_vreg.scatter [tilespmem:s11], [sflag:$0x3], $0x80, v8, vm0, $0xb8;
	[tilespmem:$0x1E980] =	vst v63  }
0x216: {  	_ = 	snop  }
0x217: {  	[hbm4b:s8+s4] =	stream.indirect_vreg.scatter [tilespmem:s31], [sflag:$0x3], $0x80, v8, vm0, $0xb8;
	[tilespmem:$0x1E980] =	vst v63  }
0x218: {  	s16 =	simm.s32 $0x6180  }
0x219: {  	[hbm4b:s7+s4] =	stream.indirect_vreg.scatter [tilespmem:s16], [sflag:$0x3], $0x80, v8, vm0, $0xb8;
	[tilespmem:$0x1E980] =	vst v63  }
0x21a: {  	v8 =	vld [tilespmem:s15+$0xFFFFFFE0];
	_ =	sdelay $0x4  }
0x21b: {  	v58 =	vshrl.u32 v8, $0x3  }
0x21c: {  	v9 =	vmul.u32 $0x30, v58  }
0x21d: {  	v8 =	vand.u32 $0x7, v8  }
0x21e: {  	v8 =	vor.u32 v8, v9  }
0x21f: {  	v9 =	vperm.xlane v8, v5;
	_ =	sdelay $0x1  }
0x220: {  	v9 =	vadd.s32 v6, v9;
	_ =	sdelay $0x3  }
0x221: {  	v8 =	vperm.xlane v8, v7  }
0x222: {  	[hbm4b:s3+s4] =	stream.indirect_vreg.scatter [tilespmem:s1], [sflag:$0x3], $0x80, v9, vm0, $0xb8;
	[tilespmem:$0x1E980] =	vst v63  }
0x223: {  	s28 =	simm.s32 $0x7180;
	v8 =	vadd.s32 v6, v8  }
0x224: {  	[hbm4b:s8+s4] =	stream.indirect_vreg.scatter [tilespmem:s28], [sflag:$0x3], $0x80, v9, vm0, $0xb8;
	[tilespmem:$0x1E980] =	vst v63  }
0x225: {  	_ = 	snop  }
0x226: {  	[hbm4b:s7+s4] =	stream.indirect_vreg.scatter [tilespmem:s10], [sflag:$0x3], $0x80, v9, vm0, $0xb8;
	[tilespmem:$0x1E980] =	vst v63  }
0x227: {  	s5 =	simm.s32 $0x8180  }
0x228: {  	[hbm4b:s3+s4] =	stream.indirect_vreg.scatter [tilespmem:s5], [sflag:$0x3], $0x80, v8, vm0, $0xb8;
	[tilespmem:$0x1E980] =	vst v63  }
0x229: {  	_ = 	snop  }
0x22a: {  	[hbm4b:s8+s4] =	stream.indirect_vreg.scatter [tilespmem:s29], [sflag:$0x3], $0x80, v8, vm0, $0xb8;
	[tilespmem:$0x1E980] =	vst v63  }
0x22b: {  	s10 =	simm.s32 $0x9180  }
0x22c: {  	[hbm4b:s7+s4] =	stream.indirect_vreg.scatter [tilespmem:s10], [sflag:$0x3], $0x80, v8, vm0, $0xb8;
	[tilespmem:$0x1E980] =	vst v63  }
0x22d: {  	v8 =	vld [tilespmem:s15+$0xFFFFFFF0];
	_ =	sdelay $0x4  }
0x22e: {  	v59 =	vshrl.u32 v8, $0x3  }
0x22f: {  	v9 =	vmul.u32 $0x30, v59  }
0x230: {  	v8 =	vand.u32 $0x7, v8  }
0x231: {  	v8 =	vor.u32 v8, v9  }
0x232: {  	v9 =	vperm.xlane v8, v5;
	_ =	sdelay $0x1  }
0x233: {  	v9 =	vadd.s32 v6, v9;
	_ =	sdelay $0x3  }
0x234: {  	v8 =	vperm.xlane v8, v7  }
0x235: {  	[hbm4b:s3+s4] =	stream.indirect_vreg.scatter [tilespmem:s26], [sflag:$0x3], $0x80, v9, vm0, $0xb8;
	[tilespmem:$0x1E980] =	vst v63  }
0x236: {  	s11 =	simm.s32 $0xA180;
	v8 =	vadd.s32 v6, v8  }
0x237: {  	[hbm4b:s8+s4] =	stream.indirect_vreg.scatter [tilespmem:s11], [sflag:$0x3], $0x80, v9, vm0, $0xb8;
	[tilespmem:$0x1E980] =	vst v63  }
0x238: {  	_ = 	snop  }
0x239: {  	[hbm4b:s7+s4] =	stream.indirect_vreg.scatter [tilespmem:s25], [sflag:$0x3], $0x80, v9, vm0, $0xb8;
	[tilespmem:$0x1E980] =	vst v63  }
0x23a: {  	s16 =	simm.s32 $0xB180  }
0x23b: {  	[hbm4b:s3+s4] =	stream.indirect_vreg.scatter [tilespmem:s16], [sflag:$0x3], $0x80, v8, vm0, $0xb8;
	[tilespmem:$0x1E980] =	vst v63  }
0x23c: {  	_ = 	snop  }
0x23d: {  	[hbm4b:s8+s4] =	stream.indirect_vreg.scatter [tilespmem:s24], [sflag:$0x3], $0x80, v8, vm0, $0xb8;
	[tilespmem:$0x1E980] =	vst v63  }
0x23e: {  	s31 =	simm.s32 $0x2;
	s26 =	simm.s32 $0xC180  }
0x23f: {  	[hbm4b:s7+s4] =	stream.indirect_vreg.scatter [tilespmem:s26], [sflag:$0x3], $0x80, v8, vm0, $0xb8;
	[tilespmem:$0x1E980] =	vst v63  }
0x240: {  	_ =	swait.ge [sflag:s31], $0xC000  }
0x241: {  	[sflag:s31] =	ssyncset.done $0x0  }
0x242: {  	[sflag:s31] =	ssyncadd.s32 $0xFFFF4000  }
0x243: {  	v8 =	vld [tilespmem:s15+$0x0];
	_ =	sdelay $0x4  }
0x244: {  	v60 =	vshrl.u32 v8, $0x3  }
0x245: {  	v9 =	vmul.u32 $0x30, v60  }
0x246: {  	v8 =	vand.u32 $0x7, v8  }
0x247: {  	v8 =	vor.u32 v8, v9  }
0x248: {  	v9 =	vperm.xlane v8, v5;
	_ =	sdelay $0x1  }
0x249: {  	v9 =	vadd.s32 v6, v9;
	_ =	sdelay $0x3  }
0x24a: {  	s29 =	simm.s32 $0xC980;
	v8 =	vperm.xlane v8, v7  }
0x24b: {  	[hbm4b:s3+s4] =	stream.indirect_vreg.scatter [tilespmem:s29], [sflag:$0x4], $0x80, v9, vm0, $0xb8;
	[tilespmem:$0x1E980] =	vst v63  }
0x24c: {  	s28 =	simm.s32 $0xD180;
	v8 =	vadd.s32 v6, v8  }
0x24d: {  	[hbm4b:s8+s4] =	stream.indirect_vreg.scatter [tilespmem:s28], [sflag:$0x4], $0x80, v9, vm0, $0xb8;
	[tilespmem:$0x1E980] =	vst v63  }
0x24e: {  	_ = 	snop  }
0x24f: {  	[hbm4b:s7+s4] =	stream.indirect_vreg.scatter [tilespmem:s22], [sflag:$0x4], $0x80, v9, vm0, $0xb8;
	[tilespmem:$0x1E980] =	vst v63  }
0x250: {  	s31 =	simm.s32 $0xE180  }
0x251: {  	[hbm4b:s3+s4] =	stream.indirect_vreg.scatter [tilespmem:s31], [sflag:$0x4], $0x80, v8, vm0, $0xb8;
	[tilespmem:$0x1E980] =	vst v63  }
0x252: {  	_ = 	snop  }
0x253: {  	[hbm4b:s8+s4] =	stream.indirect_vreg.scatter [tilespmem:s21], [sflag:$0x4], $0x80, v8, vm0, $0xb8;
	[tilespmem:$0x1E980] =	vst v63  }
0x254: {  	s1 =	simm.s32 $0xF180  }
0x255: {  	[hbm4b:s7+s4] =	stream.indirect_vreg.scatter [tilespmem:s1], [sflag:$0x4], $0x80, v8, vm0, $0xb8;
	[tilespmem:$0x1E980] =	vst v63  }
0x256: {  	v8 =	vld [tilespmem:s15+$0x10];
	_ =	sdelay $0x4  }
0x257: {  	v61 =	vshrl.u32 v8, $0x3  }
0x258: {  	v9 =	vmul.u32 $0x30, v61  }
0x259: {  	v8 =	vand.u32 $0x7, v8  }
0x25a: {  	v8 =	vor.u32 v8, v9  }
0x25b: {  	v9 =	vperm.xlane v8, v5;
	_ =	sdelay $0x1  }
0x25c: {  	v9 =	vadd.s32 v6, v9;
	_ =	sdelay $0x3  }
0x25d: {  	s5 =	simm.s32 $0xF980;
	v8 =	vperm.xlane v8, v7  }
0x25e: {  	[hbm4b:s3+s4] =	stream.indirect_vreg.scatter [tilespmem:s5], [sflag:$0x4], $0x80, v9, vm0, $0xb8;
	[tilespmem:$0x1E980] =	vst v63  }
0x25f: {  	v8 =	vadd.s32 v6, v8  }
0x260: {  	[hbm4b:s8+s4] =	stream.indirect_vreg.scatter [tilespmem:s23], [sflag:$0x4], $0x80, v9, vm0, $0xb8;
	[tilespmem:$0x1E980] =	vst v63  }
0x261: {  	s10 =	simm.s32 $0x10980  }
0x262: {  	[hbm4b:s7+s4] =	stream.indirect_vreg.scatter [tilespmem:s10], [sflag:$0x4], $0x80, v9, vm0, $0xb8;
	[tilespmem:$0x1E980] =	vst v63  }
0x263: {  	_ = 	snop  }
0x264: {  	[hbm4b:s3+s4] =	stream.indirect_vreg.scatter [tilespmem:s19], [sflag:$0x4], $0x80, v8, vm0, $0xb8;
	[tilespmem:$0x1E980] =	vst v63  }
0x265: {  	s11 =	simm.s32 $0x11980  }
0x266: {  	[hbm4b:s8+s4] =	stream.indirect_vreg.scatter [tilespmem:s11], [sflag:$0x4], $0x80, v8, vm0, $0xb8;
	[tilespmem:$0x1E980] =	vst v63  }
0x267: {  	_ = 	snop  }
0x268: {  	[hbm4b:s7+s4] =	stream.indirect_vreg.scatter [tilespmem:s18], [sflag:$0x4], $0x80, v8, vm0, $0xb8;
	[tilespmem:$0x1E980] =	vst v63  }
0x269: {  	v8 =	vld [tilespmem:s15+$0x20];
	_ =	sdelay $0x4  }
0x26a: {  	v62 =	vshrl.u32 v8, $0x3  }
0x26b: {  	v9 =	vmul.u32 $0x30, v62  }
0x26c: {  	v8 =	vand.u32 $0x7, v8  }
0x26d: {  	v8 =	vor.u32 v8, v9  }
0x26e: {  	v9 =	vperm.xlane v8, v5;
	_ =	sdelay $0x1  }
0x26f: {  	v9 =	vadd.s32 v6, v9;
	_ =	sdelay $0x3  }
0x270: {  	s16 =	simm.s32 $0x12980;
	v8 =	vperm.xlane v8, v7  }
0x271: {  	[hbm4b:s3+s4] =	stream.indirect_vreg.scatter [tilespmem:s16], [sflag:$0x4], $0x80, v9, vm0, $0xb8;
	[tilespmem:$0x1E980] =	vst v63  }
0x272: {  	v8 =	vadd.s32 v6, v8  }
0x273: {  	[hbm4b:s8+s4] =	stream.indirect_vreg.scatter [tilespmem:s6], [sflag:$0x4], $0x80, v9, vm0, $0xb8;
	[tilespmem:$0x1E980] =	vst v63  }
0x274: {  	_ = 	snop  }
0x275: {  	[hbm4b:s7+s4] =	stream.indirect_vreg.scatter [tilespmem:s17], [sflag:$0x4], $0x80, v9, vm0, $0xb8;
	[tilespmem:$0x1E980] =	vst v63  }
0x276: {  	s18 =	simm.s32 $0x14180  }
0x277: {  	[hbm4b:s3+s4] =	stream.indirect_vreg.scatter [tilespmem:s18], [sflag:$0x4], $0x80, v8, vm0, $0xb8;
	[tilespmem:$0x1E980] =	vst v63  }
0x278: {  	s19 =	simm.s32 $0x14980  }
0x279: {  	[hbm4b:s8+s4] =	stream.indirect_vreg.scatter [tilespmem:s19], [sflag:$0x4], $0x80, v8, vm0, $0xb8;
	[tilespmem:$0x1E980] =	vst v63  }
0x27a: {  	s21 =	simm.s32 $0x15180  }
0x27b: {  	[hbm4b:s7+s4] =	stream.indirect_vreg.scatter [tilespmem:s21], [sflag:$0x4], $0x80, v8, vm0, $0xb8;
	[tilespmem:$0x1E980] =	vst v63  }
0x27c: {  	v8 =	vld [tilespmem:s15+$0x30];
	_ =	sdelay $0x4  }
0x27d: {  	v63 =	vshrl.u32 v8, $0x3  }
0x27e: {  	v9 =	vmul.u32 $0x30, v63  }
0x27f: {  	v8 =	vand.u32 $0x7, v8  }
0x280: {  	v8 =	vor.u32 v8, v9  }
0x281: {  	v9 =	vperm.xlane v8, v5;
	_ =	sdelay $0x1  }
0x282: {  	v9 =	vadd.s32 v6, v9;
	_ =	sdelay $0x3  }
0x283: {  	s22 =	simm.s32 $0x15980;
	v8 =	vperm.xlane v8, v7  }
0x284: {  	[hbm4b:s3+s4] =	stream.indirect_vreg.scatter [tilespmem:s22], [sflag:$0x4], $0x80, v9, vm0, $0xb8;
	[tilespmem:$0x1E980] =	vst v63  }
0x285: {  	s23 =	simm.s32 $0x16180;
	v8 =	vadd.s32 v6, v8  }
0x286: {  	[hbm4b:s8+s4] =	stream.indirect_vreg.scatter [tilespmem:s23], [sflag:$0x4], $0x80, v9, vm0, $0xb8;
	[tilespmem:$0x1E980] =	vst v63  }
0x287: {  	s24 =	simm.s32 $0x16980  }
0x288: {  	[hbm4b:s7+s4] =	stream.indirect_vreg.scatter [tilespmem:s24], [sflag:$0x4], $0x80, v9, vm0, $0xb8;
	[tilespmem:$0x1E980] =	vst v63  }
0x289: {  	s25 =	simm.s32 $0x17180  }
0x28a: {  	[hbm4b:s3+s4] =	stream.indirect_vreg.scatter [tilespmem:s25], [sflag:$0x4], $0x80, v8, vm0, $0xb8;
	[tilespmem:$0x1E980] =	vst v63  }
0x28b: {  	s26 =	simm.s32 $0x17980  }
0x28c: {  	[hbm4b:s8+s4] =	stream.indirect_vreg.scatter [tilespmem:s26], [sflag:$0x4], $0x80, v8, vm0, $0xb8;
	[tilespmem:$0x1E980] =	vst v63  }
0x28d: {  	s29 =	simm.s32 $0x3;
	s28 =	simm.s32 $0x18180  }
0x28e: {  	[hbm4b:s7+s4] =	stream.indirect_vreg.scatter [tilespmem:s28], [sflag:$0x4], $0x80, v8, vm0, $0xb8;
	[tilespmem:$0x1E980] =	vst v63  }
0x28f: {  	p0 =	sne.s32 s13, $0x1;
	_ =	swait.ge [sflag:s29], $0xC000  }
.Ltmp7:
0x290: {  	[sflag:s29] =	ssyncset.done $0x0;
	(pc) =	sbr.rel @p0 .LBB2_10-.Ltmp7, $4  }
0x291: {  	s31 =	simm.s32 $0x4;
	[sflag:s29] =	ssyncadd.s32 $0xFFFF4000  }
0x292: {  	_ =	swait.ge [sflag:s31], $0xC000  }
0x293: {  	s13 =	sadd.s32 $0xFFFFFFFF, s13;
	[sflag:s31] =	ssyncset.done $0x0  }
0x294: {  	s14 =	sadd.s32 $0x80, s14;
	s15 =	sadd.s32 $0x80, s15;
	[sflag:s31] =	ssyncadd.s32 $0xFFFF4000  }
.LBB2_11:
0x295: {  	s11 =	rddreg [dreg:$0x9]  }
0x296: {  	s1 =	sand.u32 $0x1, s11  }
0x297: {  	p0 =	seq.s32 s1, $0x0  }
.Ltmp8:
0x298: {  	_ = 	snop;
	(pc) =	sbr.rel @p0 .LBB2_13-.Ltmp8, $4  }
0x299: {  	_ = 	snop  }
0x29a: {  	s10 =	simm.s32 $0x1980  }
0x29b: {  	s13 =	simm.s32 $0x2180;
	s14 =	simm.s32 $0x2980;
	s15 =	simm.s32 $0x3180  }
0x29c: {  	s9 =	simm.s32 $0x3980;
	s31 =	simm.s32 $0xA980;
	s29 =	simm.s32 $0xB180  }
0x29d: {  	s1 =	sshll.u32 s11, $0x6  }
0x29e: {  	v8 =	vld [tilespmem:s1+$0x1C0];
	_ =	sdelay $0x4  }
0x29f: {  	v9 =	vshrl.u32 v8, $0x3  }
0x2a0: {  	v9 =	vmul.u32 $0x30, v9  }
0x2a1: {  	v8 =	vand.u32 $0x7, v8  }
0x2a2: {  	v8 =	vor.u32 v8, v9  }
0x2a3: {  	v9 =	vperm.xlane v8, v5;
	_ =	sdelay $0x1  }
0x2a4: {  	v9 =	vadd.s32 v6, v9;
	_ =	sdelay $0x3  }
0x2a5: {  	s28 =	simm.s32 $0x980;
	s26 =	smov.u32 s2;
	s2 =	rddreg [dreg:$0x1];
	v8 =	vperm.xlane v8, v7  }
0x2a6: {  	[tilespmem:s28], [sflag:$0x1] =	stream.indirect_vreg.gather [hbm4b:s2+s4], $0x80, v9, vm0, $0xb8;
	[tilespmem:$0x1E980] =	vst v63  }
0x2a7: {  	s11 =	simm.s32 $0x1180;
	s6 =	rddreg [dreg:$0xa];
	v8 =	vadd.s32 v6, v8  }
0x2a8: {  	[tilespmem:s11], [sflag:$0x1] =	stream.indirect_vreg.gather [hbm4b:s6+s4], $0x80, v9, vm0, $0xb8;
	[tilespmem:$0x1E980] =	vst v63  }
0x2a9: {  	_ = 	snop  }
0x2aa: {  	[tilespmem:s10], [sflag:$0x1] =	stream.indirect_vreg.gather [hbm4b:s26+s4], $0x80, v9, vm0, $0xb8;
	[tilespmem:$0x1E980] =	vst v63  }
0x2ab: {  	_ = 	snop  }
0x2ac: {  	[tilespmem:s13], [sflag:$0x1] =	stream.indirect_vreg.gather [hbm4b:s2+s4], $0x80, v8, vm0, $0xb8;
	[tilespmem:$0x1E980] =	vst v63  }
0x2ad: {  	_ = 	snop  }
0x2ae: {  	[tilespmem:s14], [sflag:$0x1] =	stream.indirect_vreg.gather [hbm4b:s6+s4], $0x80, v8, vm0, $0xb8;
	[tilespmem:$0x1E980] =	vst v63  }
0x2af: {  	_ = 	snop  }
0x2b0: {  	[tilespmem:s15], [sflag:$0x1] =	stream.indirect_vreg.gather [hbm4b:s26+s4], $0x80, v8, vm0, $0xb8;
	[tilespmem:$0x1E980] =	vst v63  }
0x2b1: {  	v8 =	vld [tilespmem:s1+$0x1D0];
	_ =	sdelay $0x4  }
0x2b2: {  	v57 =	vshrl.u32 v8, $0x3  }
0x2b3: {  	v9 =	vmul.u32 $0x30, v57  }
0x2b4: {  	v8 =	vand.u32 $0x7, v8  }
0x2b5: {  	v8 =	vor.u32 v8, v9  }
0x2b6: {  	v9 =	vperm.xlane v8, v5;
	_ =	sdelay $0x1  }
0x2b7: {  	v9 =	vadd.s32 v6, v9;
	_ =	sdelay $0x3  }
0x2b8: {  	v8 =	vperm.xlane v8, v7  }
0x2b9: {  	[tilespmem:s9], [sflag:$0x1] =	stream.indirect_vreg.gather [hbm4b:s2+s4], $0x80, v9, vm0, $0xb8;
	[tilespmem:$0x1E980] =	vst v63  }
0x2ba: {  	s24 =	simm.s32 $0x4180;
	v8 =	vadd.s32 v6, v8  }
0x2bb: {  	[tilespmem:s24], [sflag:$0x1] =	stream.indirect_vreg.gather [hbm4b:s6+s4], $0x80, v9, vm0, $0xb8;
	[tilespmem:$0x1E980] =	vst v63  }
0x2bc: {  	s23 =	simm.s32 $0x4980  }
0x2bd: {  	[tilespmem:s23], [sflag:$0x1] =	stream.indirect_vreg.gather [hbm4b:s26+s4], $0x80, v9, vm0, $0xb8;
	[tilespmem:$0x1E980] =	vst v63  }
0x2be: {  	s22 =	simm.s32 $0x5180  }
0x2bf: {  	[tilespmem:s22], [sflag:$0x1] =	stream.indirect_vreg.gather [hbm4b:s2+s4], $0x80, v8, vm0, $0xb8;
	[tilespmem:$0x1E980] =	vst v63  }
0x2c0: {  	s21 =	simm.s32 $0x5980  }
0x2c1: {  	[tilespmem:s21], [sflag:$0x1] =	stream.indirect_vreg.gather [hbm4b:s6+s4], $0x80, v8, vm0, $0xb8;
	[tilespmem:$0x1E980] =	vst v63  }
0x2c2: {  	s20 =	simm.s32 $0x6180  }
0x2c3: {  	[tilespmem:s20], [sflag:$0x1] =	stream.indirect_vreg.gather [hbm4b:s26+s4], $0x80, v8, vm0, $0xb8;
	[tilespmem:$0x1E980] =	vst v63  }
0x2c4: {  	v8 =	vld [tilespmem:s1+$0x1E0];
	_ =	sdelay $0x4  }
0x2c5: {  	v58 =	vshrl.u32 v8, $0x3  }
0x2c6: {  	v9 =	vmul.u32 $0x30, v58  }
0x2c7: {  	v8 =	vand.u32 $0x7, v8  }
0x2c8: {  	v8 =	vor.u32 v8, v9  }
0x2c9: {  	v9 =	vperm.xlane v8, v5;
	_ =	sdelay $0x1  }
0x2ca: {  	v9 =	vadd.s32 v6, v9;
	_ =	sdelay $0x3  }
0x2cb: {  	s19 =	simm.s32 $0x6980;
	v8 =	vperm.xlane v8, v7  }
0x2cc: {  	[tilespmem:s19], [sflag:$0x1] =	stream.indirect_vreg.gather [hbm4b:s2+s4], $0x80, v9, vm0, $0xb8;
	[tilespmem:$0x1E980] =	vst v63  }
0x2cd: {  	s18 =	simm.s32 $0x7180;
	v8 =	vadd.s32 v6, v8  }
0x2ce: {  	[tilespmem:s18], [sflag:$0x1] =	stream.indirect_vreg.gather [hbm4b:s6+s4], $0x80, v9, vm0, $0xb8;
	[tilespmem:$0x1E980] =	vst v63  }
0x2cf: {  	s17 =	simm.s32 $0x7980  }
0x2d0: {  	[tilespmem:s17], [sflag:$0x1] =	stream.indirect_vreg.gather [hbm4b:s26+s4], $0x80, v9, vm0, $0xb8;
	[tilespmem:$0x1E980] =	vst v63  }
0x2d1: {  	s16 =	simm.s32 $0x8180  }
0x2d2: {  	[tilespmem:s16], [sflag:$0x1] =	stream.indirect_vreg.gather [hbm4b:s2+s4], $0x80, v8, vm0, $0xb8;
	[tilespmem:$0x1E980] =	vst v63  }
0x2d3: {  	s0 =	simm.s32 $0x8980  }
0x2d4: {  	[tilespmem:s0], [sflag:$0x1] =	stream.indirect_vreg.gather [hbm4b:s6+s4], $0x80, v8, vm0, $0xb8;
	[tilespmem:$0x1E980] =	vst v63  }
0x2d5: {  	s5 =	simm.s32 $0x9180  }
0x2d6: {  	[tilespmem:s5], [sflag:$0x1] =	stream.indirect_vreg.gather [hbm4b:s26+s4], $0x80, v8, vm0, $0xb8;
	[tilespmem:$0x1E980] =	vst v63  }
0x2d7: {  	v8 =	vld [tilespmem:s1+$0x1F0];
	_ =	sdelay $0x4  }
0x2d8: {  	v59 =	vshrl.u32 v8, $0x3  }
0x2d9: {  	v9 =	vmul.u32 $0x30, v59  }
0x2da: {  	v8 =	vand.u32 $0x7, v8  }
0x2db: {  	v8 =	vor.u32 v8, v9  }
0x2dc: {  	v9 =	vperm.xlane v8, v5;
	_ =	sdelay $0x1  }
0x2dd: {  	v9 =	vadd.s32 v6, v9;
	_ =	sdelay $0x3  }
0x2de: {  	s25 =	simm.s32 $0x9980;
	v8 =	vperm.xlane v8, v7  }
0x2df: {  	[tilespmem:s25], [sflag:$0x1] =	stream.indirect_vreg.gather [hbm4b:s2+s4], $0x80, v9, vm0, $0xb8;
	[tilespmem:$0x1E980] =	vst v63  }
0x2e0: {  	s24 =	simm.s32 $0xA180;
	v8 =	vadd.s32 v6, v8  }
0x2e1: {  	[tilespmem:s24], [sflag:$0x1] =	stream.indirect_vreg.gather [hbm4b:s6+s4], $0x80, v9, vm0, $0xb8;
	[tilespmem:$0x1E980] =	vst v63  }
0x2e2: {  	_ = 	snop  }
0x2e3: {  	[tilespmem:s31], [sflag:$0x1] =	stream.indirect_vreg.gather [hbm4b:s26+s4], $0x80, v9, vm0, $0xb8;
	[tilespmem:$0x1E980] =	vst v63  }
0x2e4: {  	_ = 	snop  }
0x2e5: {  	[tilespmem:s29], [sflag:$0x1] =	stream.indirect_vreg.gather [hbm4b:s2+s4], $0x80, v8, vm0, $0xb8;
	[tilespmem:$0x1E980] =	vst v63  }
0x2e6: {  	s31 =	simm.s32 $0xB980  }
0x2e7: {  	[tilespmem:s31], [sflag:$0x1] =	stream.indirect_vreg.gather [hbm4b:s6+s4], $0x80, v8, vm0, $0xb8;
	[tilespmem:$0x1E980] =	vst v63  }
0x2e8: {  	s29 =	simm.s32 $0xC180  }
0x2e9: {  	[tilespmem:s29], [sflag:$0x1] =	stream.indirect_vreg.gather [hbm4b:s26+s4], $0x80, v8, vm0, $0xb8;
	[tilespmem:$0x1E980] =	vst v63  }
0x2ea: {  	_ =	swait.ge [sflag:s12], $0xC000  }
0x2eb: {  	[sflag:s12] =	ssyncset.done $0x0  }
0x2ec: {  	[sflag:s12] =	ssyncadd.s32 $0xFFFF4000  }
0x2ed: {  	v8 =	vld [tilespmem:s1+$0x440];
	_ =	sdelay $0x4  }
0x2ee: {  	v60 =	vshrl.u32 v8, $0x3  }
0x2ef: {  	v9 =	vmul.u32 $0x30, v60  }
0x2f0: {  	v8 =	vand.u32 $0x7, v8  }
0x2f1: {  	v8 =	vor.u32 v8, v9  }
0x2f2: {  	v9 =	vperm.xlane v8, v5;
	_ =	sdelay $0x1  }
0x2f3: {  	v9 =	vadd.s32 v6, v9;
	_ =	sdelay $0x3  }
0x2f4: {  	v8 =	vperm.xlane v8, v7  }
0x2f5: {  	[hbm4b:s3+s4] =	stream.indirect_vreg.scatter [tilespmem:s28], [sflag:$0x3], $0x80, v9, vm0, $0xb8;
	[tilespmem:$0x1E980] =	vst v63  }
0x2f6: {  	v8 =	vadd.s32 v6, v8  }
0x2f7: {  	[hbm4b:s8+s4] =	stream.indirect_vreg.scatter [tilespmem:s11], [sflag:$0x3], $0x80, v9, vm0, $0xb8;
	[tilespmem:$0x1E980] =	vst v63  }
0x2f8: {  	_ = 	snop  }
0x2f9: {  	[hbm4b:s7+s4] =	stream.indirect_vreg.scatter [tilespmem:s10], [sflag:$0x3], $0x80, v9, vm0, $0xb8;
	[tilespmem:$0x1E980] =	vst v63  }
0x2fa: {  	_ = 	snop  }
0x2fb: {  	[hbm4b:s3+s4] =	stream.indirect_vreg.scatter [tilespmem:s13], [sflag:$0x3], $0x80, v8, vm0, $0xb8;
	[tilespmem:$0x1E980] =	vst v63  }
0x2fc: {  	_ = 	snop  }
0x2fd: {  	[hbm4b:s8+s4] =	stream.indirect_vreg.scatter [tilespmem:s14], [sflag:$0x3], $0x80, v8, vm0, $0xb8;
	[tilespmem:$0x1E980] =	vst v63  }
0x2fe: {  	_ = 	snop  }
0x2ff: {  	[hbm4b:s7+s4] =	stream.indirect_vreg.scatter [tilespmem:s15], [sflag:$0x3], $0x80, v8, vm0, $0xb8;
	[tilespmem:$0x1E980] =	vst v63  }
0x300: {  	v8 =	vld [tilespmem:s1+$0x450];
	_ =	sdelay $0x4  }
0x301: {  	v61 =	vshrl.u32 v8, $0x3  }
0x302: {  	v9 =	vmul.u32 $0x30, v61  }
0x303: {  	v8 =	vand.u32 $0x7, v8  }
0x304: {  	v8 =	vor.u32 v8, v9  }
0x305: {  	v9 =	vperm.xlane v8, v5;
	_ =	sdelay $0x1  }
0x306: {  	v9 =	vadd.s32 v6, v9;
	_ =	sdelay $0x3  }
0x307: {  	v8 =	vperm.xlane v8, v7  }
0x308: {  	[hbm4b:s3+s4] =	stream.indirect_vreg.scatter [tilespmem:s9], [sflag:$0x3], $0x80, v9, vm0, $0xb8;
	[tilespmem:$0x1E980] =	vst v63  }
0x309: {  	s15 =	simm.s32 $0x4180;
	v8 =	vadd.s32 v6, v8  }
0x30a: {  	[hbm4b:s8+s4] =	stream.indirect_vreg.scatter [tilespmem:s15], [sflag:$0x3], $0x80, v9, vm0, $0xb8;
	[tilespmem:$0x1E980] =	vst v63  }
0x30b: {  	s23 =	simm.s32 $0x4980  }
0x30c: {  	[hbm4b:s7+s4] =	stream.indirect_vreg.scatter [tilespmem:s23], [sflag:$0x3], $0x80, v9, vm0, $0xb8;
	[tilespmem:$0x1E980] =	vst v63  }
0x30d: {  	s22 =	simm.s32 $0x5180  }
0x30e: {  	[hbm4b:s3+s4] =	stream.indirect_vreg.scatter [tilespmem:s22], [sflag:$0x3], $0x80, v8, vm0, $0xb8;
	[tilespmem:$0x1E980] =	vst v63  }
0x30f: {  	s21 =	simm.s32 $0x5980  }
0x310: {  	[hbm4b:s8+s4] =	stream.indirect_vreg.scatter [tilespmem:s21], [sflag:$0x3], $0x80, v8, vm0, $0xb8;
	[tilespmem:$0x1E980] =	vst v63  }
0x311: {  	s20 =	simm.s32 $0x6180  }
0x312: {  	[hbm4b:s7+s4] =	stream.indirect_vreg.scatter [tilespmem:s20], [sflag:$0x3], $0x80, v8, vm0, $0xb8;
	[tilespmem:$0x1E980] =	vst v63  }
0x313: {  	v8 =	vld [tilespmem:s1+$0x460];
	_ =	sdelay $0x4  }
0x314: {  	v62 =	vshrl.u32 v8, $0x3  }
0x315: {  	v9 =	vmul.u32 $0x30, v62  }
0x316: {  	v8 =	vand.u32 $0x7, v8  }
0x317: {  	v8 =	vor.u32 v8, v9  }
0x318: {  	v9 =	vperm.xlane v8, v5;
	_ =	sdelay $0x1  }
0x319: {  	v9 =	vadd.s32 v6, v9;
	_ =	sdelay $0x3  }
0x31a: {  	s19 =	simm.s32 $0x6980;
	v8 =	vperm.xlane v8, v7  }
0x31b: {  	[hbm4b:s3+s4] =	stream.indirect_vreg.scatter [tilespmem:s19], [sflag:$0x3], $0x80, v9, vm0, $0xb8;
	[tilespmem:$0x1E980] =	vst v63  }
0x31c: {  	s18 =	simm.s32 $0x7180;
	v8 =	vadd.s32 v6, v8  }
0x31d: {  	[hbm4b:s8+s4] =	stream.indirect_vreg.scatter [tilespmem:s18], [sflag:$0x3], $0x80, v9, vm0, $0xb8;
	[tilespmem:$0x1E980] =	vst v63  }
0x31e: {  	s17 =	simm.s32 $0x7980  }
0x31f: {  	[hbm4b:s7+s4] =	stream.indirect_vreg.scatter [tilespmem:s17], [sflag:$0x3], $0x80, v9, vm0, $0xb8;
	[tilespmem:$0x1E980] =	vst v63  }
0x320: {  	s16 =	simm.s32 $0x8180  }
0x321: {  	[hbm4b:s3+s4] =	stream.indirect_vreg.scatter [tilespmem:s16], [sflag:$0x3], $0x80, v8, vm0, $0xb8;
	[tilespmem:$0x1E980] =	vst v63  }
0x322: {  	s0 =	simm.s32 $0x8980  }
0x323: {  	[hbm4b:s8+s4] =	stream.indirect_vreg.scatter [tilespmem:s0], [sflag:$0x3], $0x80, v8, vm0, $0xb8;
	[tilespmem:$0x1E980] =	vst v63  }
0x324: {  	s5 =	simm.s32 $0x9180  }
0x325: {  	[hbm4b:s7+s4] =	stream.indirect_vreg.scatter [tilespmem:s5], [sflag:$0x3], $0x80, v8, vm0, $0xb8;
	[tilespmem:$0x1E980] =	vst v63  }
0x326: {  	v8 =	vld [tilespmem:s1+$0x470];
	_ =	sdelay $0x4  }
0x327: {  	v63 =	vshrl.u32 v8, $0x3  }
0x328: {  	v9 =	vmul.u32 $0x30, v63  }
0x329: {  	v8 =	vand.u32 $0x7, v8  }
0x32a: {  	v8 =	vor.u32 v8, v9  }
0x32b: {  	v9 =	vperm.xlane v8, v5;
	_ =	sdelay $0x1  }
0x32c: {  	v9 =	vadd.s32 v6, v9;
	_ =	sdelay $0x3  }
0x32d: {  	s25 =	simm.s32 $0x9980;
	v8 =	vperm.xlane v8, v7  }
0x32e: {  	[hbm4b:s3+s4] =	stream.indirect_vreg.scatter [tilespmem:s25], [sflag:$0x3], $0x80, v9, vm0, $0xb8;
	[tilespmem:$0x1E980] =	vst v63  }
0x32f: {  	s24 =	simm.s32 $0xA180;
	v8 =	vadd.s32 v6, v8  }
0x330: {  	[hbm4b:s8+s4] =	stream.indirect_vreg.scatter [tilespmem:s24], [sflag:$0x3], $0x80, v9, vm0, $0xb8;
	[tilespmem:$0x1E980] =	vst v63  }
0x331: {  	s28 =	simm.s32 $0xA980  }
0x332: {  	[hbm4b:s7+s4] =	stream.indirect_vreg.scatter [tilespmem:s28], [sflag:$0x3], $0x80, v9, vm0, $0xb8;
	[tilespmem:$0x1E980] =	vst v63  }
0x333: {  	s2 =	simm.s32 $0xB180  }
0x334: {  	[hbm4b:s3+s4] =	stream.indirect_vreg.scatter [tilespmem:s2], [sflag:$0x3], $0x80, v8, vm0, $0xb8;
	[tilespmem:$0x1E980] =	vst v63  }
0x335: {  	_ = 	snop  }
0x336: {  	[hbm4b:s8+s4] =	stream.indirect_vreg.scatter [tilespmem:s31], [sflag:$0x3], $0x80, v8, vm0, $0xb8;
	[tilespmem:$0x1E980] =	vst v63  }
0x337: {  	s31 =	simm.s32 $0x3  }
0x338: {  	[hbm4b:s7+s4] =	stream.indirect_vreg.scatter [tilespmem:s29], [sflag:$0x3], $0x80, v8, vm0, $0xb8;
	[tilespmem:$0x1E980] =	vst v63  }
0x339: {  	_ =	swait.ge [sflag:s31], $0xC000  }
0x33a: {  	[sflag:s31] =	ssyncset.done $0x0  }
0x33b: {  	s2 =	smov.u32 s26;
	[sflag:s31] =	ssyncadd.s32 $0xFFFF4000  }
.LBB2_13:
0x33c: {  	s5 =	rddreg [dreg:$0x8]  }
0x33d: {  	p0 =	slt.s32 s5, $0x1  }
.Ltmp9:
0x33e: {  	_ = 	snop;
	(pc) =	sbr.rel @p0 .LBB2_17-.Ltmp9, $2  }
0x33f: {  	_ =	sdelay $0x2  }
0x340: {  	s0 =	rddreg [dreg:$0x7]  }
0x341: {  	v8 =	vld [tilespmem:$0x700];
	_ =	sdelay $0x4  }
0x342: {  	v9 =	vshrl.u32 v8, $0x3  }
0x343: {  	v9 =	vmul.u32 $0x30, v9  }
0x344: {  	v8 =	vand.u32 $0x7, v8  }
0x345: {  	v8 =	vor.u32 v8, v9  }
0x346: {  	v9 =	vperm.xlane v8, v5;
	_ =	sdelay $0x1  }
0x347: {  	v9 =	vadd.s32 v6, v9;
	_ =	sdelay $0x3  }
0x348: {  	s1 =	simm.s32 $0x18980;
	v8 =	vperm.xlane v8, v7  }
0x349: {  	[hbm4b:s3+s4] =	stream.indirect_vreg.scatter [tilespmem:s1], [sflag:$0x5], $0x80, v9, vm0, $0xb8;
	[tilespmem:$0x1E980] =	vst v63  }
0x34a: {  	s19 =	simm.s32 $0x19180;
	v8 =	vadd.s32 v6, v8  }
0x34b: {  	[hbm4b:s8+s4] =	stream.indirect_vreg.scatter [tilespmem:s19], [sflag:$0x5], $0x80, v9, vm0, $0xb8;
	[tilespmem:$0x1E980] =	vst v63  }
0x34c: {  	s20 =	simm.s32 $0x19980  }
0x34d: {  	[hbm4b:s7+s4] =	stream.indirect_vreg.scatter [tilespmem:s20], [sflag:$0x5], $0x80, v9, vm0, $0xb8;
	[tilespmem:$0x1E980] =	vst v63  }
0x34e: {  	s21 =	simm.s32 $0x1A180  }
0x34f: {  	[hbm4b:s3+s4] =	stream.indirect_vreg.scatter [tilespmem:s21], [sflag:$0x5], $0x80, v8, vm0, $0xb8;
	[tilespmem:$0x1E980] =	vst v63  }
0x350: {  	s22 =	simm.s32 $0x1A980  }
0x351: {  	[hbm4b:s8+s4] =	stream.indirect_vreg.scatter [tilespmem:s22], [sflag:$0x5], $0x80, v8, vm0, $0xb8;
	[tilespmem:$0x1E980] =	vst v63  }
0x352: {  	s23 =	simm.s32 $0x1B180  }
0x353: {  	[hbm4b:s7+s4] =	stream.indirect_vreg.scatter [tilespmem:s23], [sflag:$0x5], $0x80, v8, vm0, $0xb8;
	[tilespmem:$0x1E980] =	vst v63  }
0x354: {  	v8 =	vld [tilespmem:$0x710];
	_ =	sdelay $0x4  }
0x355: {  	v63 =	vshrl.u32 v8, $0x3  }
0x356: {  	v9 =	vmul.u32 $0x30, v63  }
0x357: {  	v8 =	vand.u32 $0x7, v8  }
0x358: {  	v8 =	vor.u32 v8, v9  }
0x359: {  	v9 =	vperm.xlane v8, v5;
	_ =	sdelay $0x1  }
0x35a: {  	v9 =	vadd.s32 v6, v9;
	_ =	sdelay $0x3  }
0x35b: {  	s24 =	simm.s32 $0x1B980;
	v8 =	vperm.xlane v8, v7  }
0x35c: {  	[hbm4b:s3+s4] =	stream.indirect_vreg.scatter [tilespmem:s24], [sflag:$0x5], $0x80, v9, vm0, $0xb8;
	[tilespmem:$0x1E980] =	vst v63  }
0x35d: {  	s25 =	simm.s32 $0x1C180;
	v8 =	vadd.s32 v6, v8  }
0x35e: {  	[hbm4b:s8+s4] =	stream.indirect_vreg.scatter [tilespmem:s25], [sflag:$0x5], $0x80, v9, vm0, $0xb8;
	[tilespmem:$0x1E980] =	vst v63  }
0x35f: {  	s26 =	simm.s32 $0x1C980  }
0x360: {  	[hbm4b:s7+s4] =	stream.indirect_vreg.scatter [tilespmem:s26], [sflag:$0x5], $0x80, v9, vm0, $0xb8;
	[tilespmem:$0x1E980] =	vst v63  }
0x361: {  	s28 =	simm.s32 $0x1D180;
	p0 =	seq.s32 s5, $0x1;
	s1 =	sadd.s32 $0xFFFFFFFF, s5  }
0x362: {  	[hbm4b:s3+s4] =	stream.indirect_vreg.scatter [tilespmem:s28], [sflag:$0x5], $0x80, v8, vm0, $0xb8;
	[tilespmem:$0x1E980] =	vst v63  }
0x363: {  	s29 =	simm.s32 $0x1D980;
	s11 =	sshll.u32 @!p0 s1, $0x7  }
0x364: {  	[hbm4b:s8+s4] =	stream.indirect_vreg.scatter [tilespmem:s29], [sflag:$0x5], $0x80, v8, vm0, $0xb8;
	[tilespmem:$0x1E980] =	vst v63  }
0x365: {  	s31 =	simm.s32 $0x1E180;
	s11 =	sshra.s32 @!p0 s11, $0x2  }
0x366: {  	[hbm4b:s7+s4] =	stream.indirect_vreg.scatter [tilespmem:s31], [sflag:$0x5], $0x80, v8, vm0, $0xb8;
	[tilespmem:$0x1E980] =	vst v63  }
0x367: {  	v8 =	vld @!p0 [tilespmem:s11+$0x700];
	_ =	sdelay $0x4  }
0x368: {  	v9 =	vshrl.u32 @!p0 v8, $0x3  }
0x369: {  	v9 =	vmul.u32 @!p0 $0x30, v9  }
0x36a: {  	v10 =	vlaneseq.u32 @!p0;
	v8 =	vand.u32 @!p0 $0x7, v8  }
0x36b: {  	v11 =	vshrl.u32 @!p0 v10, $0x3;
	v8 =	vor.u32 @!p0 v8, v9;
	v9 =	vand.u32 @!p0 $0x7, v10  }
0x36c: {  	v11 =	vmul.u32 @!p0 $0x8, v11;
	v12 =	vperm.xlane @!p0 v8, v9;
	_ =	sdelay $0x1  }
0x36d: {  	v12 =	vadd.s32 @!p0 v11, v12;
	_ =	sdelay $0x2  }
0x36e: {  	v10 =	vor.u32 @!p0 $0x8, v10  }
0x36f: {  	vm1 =	vmmov @!p0 $0xffff;
	s12 =	simm.s32 @!p0 $0x0;
	s13 =	simm.s32 @!p0 $0x18980;
	v8 =	vperm.xlane @!p0 v8, v10  }
0x370: {  	[hbm4b:s3+s12] =	stream.indirect_vreg.scatter @!p0 [tilespmem:s13], [sflag:$0x5], $0x80, v12, vm1, $0xb8;
	[tilespmem:$0x1E980] =	vst v63  }
0x371: {  	v8 =	vadd.s32 @!p0 v11, v8;
	s13 =	simm.s32 @!p0 $0x19180  }
0x372: {  	[hbm4b:s8+s12] =	stream.indirect_vreg.scatter @!p0 [tilespmem:s13], [sflag:$0x5], $0x80, v12, vm1, $0xb8;
	[tilespmem:$0x1E980] =	vst v63  }
0x373: {  	s13 =	simm.s32 @!p0 $0x19980  }
0x374: {  	[hbm4b:s7+s12] =	stream.indirect_vreg.scatter @!p0 [tilespmem:s13], [sflag:$0x5], $0x80, v12, vm1, $0xb8;
	[tilespmem:$0x1E980] =	vst v63  }
0x375: {  	s13 =	simm.s32 @!p0 $0x1A180  }
0x376: {  	[hbm4b:s3+s12] =	stream.indirect_vreg.scatter @!p0 [tilespmem:s13], [sflag:$0x5], $0x80, v8, vm1, $0xb8;
	[tilespmem:$0x1E980] =	vst v63  }
0x377: {  	s13 =	simm.s32 @!p0 $0x1A980  }
0x378: {  	[hbm4b:s8+s12] =	stream.indirect_vreg.scatter @!p0 [tilespmem:s13], [sflag:$0x5], $0x80, v8, vm1, $0xb8;
	[tilespmem:$0x1E980] =	vst v63  }
0x379: {  	s13 =	simm.s32 @!p0 $0x1B180  }
0x37a: {  	[hbm4b:s7+s12] =	stream.indirect_vreg.scatter @!p0 [tilespmem:s13], [sflag:$0x5], $0x80, v8, vm1, $0xb8;
	[tilespmem:$0x1E980] =	vst v63  }
0x37b: {  	v8 =	vld @!p0 [tilespmem:s11+$0x710];
	_ =	sdelay $0x4  }
0x37c: {  	v12 =	vshrl.u32 @!p0 v8, $0x3  }
0x37d: {  	v12 =	vmul.u32 @!p0 $0x30, v12  }
0x37e: {  	v8 =	vand.u32 @!p0 $0x7, v8  }
0x37f: {  	v8 =	vor.u32 @!p0 v8, v12  }
0x380: {  	v9 =	vperm.xlane @!p0 v8, v9;
	_ =	sdelay $0x1  }
0x381: {  	v9 =	vadd.s32 @!p0 v11, v9;
	_ =	sdelay $0x3  }
0x382: {  	s11 =	simm.s32 @!p0 $0x1B980;
	v8 =	vperm.xlane @!p0 v8, v10  }
0x383: {  	[hbm4b:s3+s12] =	stream.indirect_vreg.scatter @!p0 [tilespmem:s11], [sflag:$0x5], $0x80, v9, vm1, $0xb8;
	[tilespmem:$0x1E980] =	vst v63  }
0x384: {  	v8 =	vadd.s32 @!p0 v11, v8;
	s11 =	simm.s32 @!p0 $0x1C180  }
0x385: {  	[hbm4b:s8+s12] =	stream.indirect_vreg.scatter @!p0 [tilespmem:s11], [sflag:$0x5], $0x80, v9, vm1, $0xb8;
	[tilespmem:$0x1E980] =	vst v63  }
0x386: {  	s11 =	simm.s32 @!p0 $0x1C980  }
0x387: {  	[hbm4b:s7+s12] =	stream.indirect_vreg.scatter @!p0 [tilespmem:s11], [sflag:$0x5], $0x80, v9, vm1, $0xb8;
	[tilespmem:$0x1E980] =	vst v63  }
0x388: {  	s11 =	simm.s32 @!p0 $0x1D180  }
0x389: {  	[hbm4b:s3+s12] =	stream.indirect_vreg.scatter @!p0 [tilespmem:s11], [sflag:$0x5], $0x80, v8, vm1, $0xb8;
	[tilespmem:$0x1E980] =	vst v63  }
0x38a: {  	s11 =	simm.s32 @!p0 $0x1D980  }
0x38b: {  	[hbm4b:s8+s12] =	stream.indirect_vreg.scatter @!p0 [tilespmem:s11], [sflag:$0x5], $0x80, v8, vm1, $0xb8;
	[tilespmem:$0x1E980] =	vst v63  }
0x38c: {  	s11 =	simm.s32 @!p0 $0x1E180  }
0x38d: {  	[hbm4b:s7+s12] =	stream.indirect_vreg.scatter @!p0 [tilespmem:s11], [sflag:$0x5], $0x80, v8, vm1, $0xb8;
	[tilespmem:$0x1E980] =	vst v63  }
0x38e: {  	p0 =	sne.s32 s5, $0x1  }
.Ltmp10:
0x38f: {  	_ = 	snop;
	(pc) =	sbr.rel @!p0 .LBB2_16-.Ltmp10, $3  }
0x390: {  	_ =	sdelay $0x1  }
0x391: {  	_ =	swait.ge [sflag:s30], $0x6000  }
0x392: {  	[sflag:s30] =	ssyncset.done $0x0  }
.LBB2_15:
0x393: {  	p0 =	sne.s32 s1, $0x1;
	s1 =	sadd.s32 $0xFFFFFFFF, s1;
	[sflag:s30] =	ssyncadd.s32 $0xFFFFA000  }
.Ltmp11:
0x394: {  	(pc) =	sbr.rel @p0 .LBB2_15-.Ltmp11, $3  }
0x395: {  	_ =	sdelay $0x1  }
0x396: {  	_ =	swait.ge [sflag:s30], $0x6000  }
0x397: {  	[sflag:s30] =	ssyncset.done $0x0  }
.Ltmp12:
0x398: {  	_ = 	snop;
	(pc) =	sbr.rel .LBB2_16-.Ltmp12, $1  }
0x399: {  	_ =	sdelay $0x3  }
.LBB2_18:
0x39a: {  	_ =	sfence.sel $0x180000  }
0x39b: {  	[bflag:$0x0] =	sbarrier.arrive $0xFFFF  }
0x39c: {  	_ =	strace $0x90000047  }
0x39d: {  	s0 =	stileid.u32;
	[bflag:$0x2] =	sbarrier.arrive $0xFFFF  }
0x39e: {  	p0 =	sne.s32 s0, $0x0;
	s0 =	rddreg [dreg:$0x3]  }
0x39f: {  	s0 =	sadd.s32 @!p0 $0x100000, s0  }
0x3a0: {  	[sflag:s0] =	ssyncadd.tile.s32 @!p0 $0x1;
	_ =	shalt  }
.Lfunc_end2:
_tile_overlayer_lowered:
.L_overlay_start_2:
0x3a1: {  	(tag) =	ssettag $0x2  }
0x3a2: {  	s0 =	rddreg [dreg:$0x0];
	s2 =	stileid.u32  }
0x3a3: {  	s1 =	rddreg [dreg:$0x1];
	p0 =	sne.s32 s2, $0x0  }
0x3a4: {  	s3 =	rddreg [dreg:$0x2];
	[bflag:$0x3] =	sbarrier.arrive $0xFFFF;
	s2 =	simm.s32 @!p0 $0x1C06  }
0x3a5: {  	[timem:s3], [sflag:s2] =	dma.local @!p0 [hbm:s0], s1  }
0x3a6: {  	s0 =	simm.s32 @!p0 $0x6  }
0x3a7: {  	_ =	swait.ge @!p0 [sflag:s0], s1  }
0x3a8: {  	s1 =	ssub.s32 @!p0 $0x0, s1;
	[sflag:s0] =	ssyncset.done @!p0 $0x0  }
0x3a9: {  	[sflag:s0] =	ssyncadd.s32 @!p0 s1  }
0x3aa: {  	[bflag:$0x3] =	sbarrier.arrive $0xFFFF  }
0x3ab: {  	_ =	shalt  }

</sc_bundles>
